<compile_context>
chip_gen: v7x
topology: tpu7x:2x2x1
jax: 0.10.2.dev20260603
libtpu: 0.0.44.dev20260713+nightly
codegen_flags: <defaults>
</compile_context>

<pallas_src>
import functools

import jax
import jax.numpy as jnp
from jax import lax
from jax.experimental import pallas as pl
from jax.experimental.pallas import tpu as pltpu
from jax.experimental.pallas import tpu_sc as plsc

_NC = 2
_NS = 16
_NW = _NC * _NS
_CH = 80


def _fill_rows(ref, nrows, ncols, value):
    vec = jnp.full((16,), value, jnp.float32)

    def body(i, c):
        for g in range(ncols // 16):
            ref[i, 16 * g:16 * (g + 1)] = vec
        return c

    lax.fori_loop(0, nrows, body, 0)


def _sweep_chunks(n, dch, sid, fn):
    nck = n // dch
    npt = (nck + _NS - 1) // _NS

    def body(q, c):
        ck = sid + q * _NS

        @pl.when(ck < nck)
        def _():
            fn(ck * dch)

        return c

    lax.fori_loop(0, npt, body, 0)


def _sc_deg(dst1d, n):
    e = dst1d.shape[0]
    epw = e // _NW
    nit = epw // _CH
    mesh = plsc.VectorSubcoreMesh(core_axis_name="c", subcore_axis_name="s")

    @functools.partial(
        pl.kernel,
        out_type=jax.ShapeDtypeStruct((_NC, n, 16), jnp.float32),
        mesh=mesh,
        compiler_params=pltpu.CompilerParams(use_tc_tiling_on_sc=False),
        scratch_types=[
            pltpu.VMEM((e // _NW,), jnp.int32),
            [pltpu.VMEM((_CH,), jnp.int32) for _ in range(2)],
            pltpu.VMEM((_CH, 16), jnp.float32),
            pltpu.VMEM((200, 16), jnp.float32),
            pltpu.VMEM_SHARED((n, 16), jnp.float32),
            [pltpu.SemaphoreType.DMA for _ in range(2)],
        ],
    )
    def k(dst_hbm, out_hbm, flat_v, idxb, ones_v, buf_v, acc_sh, semsc):
        cid = lax.axis_index("c")
        sid = lax.axis_index("s")
        wid = cid * _NS + sid
        _fill_rows(ones_v, _CH, 16, 1.0)
        _fill_rows(buf_v, 200, 16, 0.0)
        _sweep_chunks(n, 200, sid,
                      lambda r0: pltpu.sync_copy(
                          buf_v, acc_sh.at[pl.ds(r0, 200), :]))
        pltpu.sync_copy(dst_hbm.at[pl.ds(wid * epw, epw)], flat_v)
        plsc.subcore_barrier()

        def fill_idx(j, s):
            for c2 in range(_CH // 16):
                idxb[s][16 * c2:16 * (c2 + 1)] = flat_v[
                    pl.ds(j * _CH + 16 * c2, 16)]

        def wait_scatter(s):
            pltpu.make_async_copy(ones_v, acc_sh.at[idxb[s]],
                                  semsc[s]).wait()

        def scat(s):
            pltpu.async_copy(ones_v, acc_sh.at[idxb[s]], semsc[s], add=True)

        fill_idx(0, 0)
        scat(0)

        def body(q, c):
            j0 = 2 * q
            fill_idx(j0 + 1, 1)
            scat(1)
            wait_scatter(0)

            @pl.when(j0 + 2 < nit)
            def _():
                fill_idx(j0 + 2, 0)
                scat(0)

            wait_scatter(1)
            return c

        lax.fori_loop(0, nit // 2, body, 0)
        if nit % 2:
            wait_scatter(0)
        plsc.subcore_barrier()

        def drain(r0):
            pltpu.sync_copy(acc_sh.at[pl.ds(r0, 200), :],
                            out_hbm.at[cid, pl.ds(r0, 200), :])

        _sweep_chunks(n, 200, sid, drain)

    return k(dst1d)


def _sc_agg(xs, src1d, dst1d):
    n, d = xs.shape
    e = src1d.shape[0]
    epw = e // _NW
    nit = epw // _CH
    mesh = plsc.VectorSubcoreMesh(core_axis_name="c", subcore_axis_name="s")

    @functools.partial(
        pl.kernel,
        out_type=jax.ShapeDtypeStruct((_NC, n, d), jnp.float32),
        mesh=mesh,
        scratch_types=[
            pltpu.VMEM((e // _NW,), jnp.int32),
            [pltpu.VMEM((_CH,), jnp.int32) for _ in range(3)],
            [pltpu.VMEM((_CH, d), jnp.float32) for _ in range(3)],
            pltpu.VMEM_SHARED((n, d), jnp.float32),
            [pltpu.SemaphoreType.DMA for _ in range(3)],
            [pltpu.SemaphoreType.DMA for _ in range(3)],
            [pltpu.SemaphoreType.DMA for _ in range(3)],
        ],
    )
    def k(xs_hbm, src_hbm, dst_hbm, out_hbm, srcf_v, dstb, rows, acc_sh,
          semg, semi, semsc):
        cid = lax.axis_index("c")
        sid = lax.axis_index("s")
        wid = cid * _NS + sid
        _fill_rows(rows[0], _CH, d, 0.0)

        def zero(r0):
            pltpu.async_copy(rows[0], acc_sh.at[pl.ds(r0, _CH), :], semsc[0])

        _sweep_chunks(n, _CH, sid, zero)
        pltpu.sync_copy(src_hbm.at[pl.ds(wid * epw, epw)], srcf_v)
        _sweep_chunks(n, _CH, sid,
                      lambda r0: pltpu.make_async_copy(
                          rows[0], acc_sh.at[pl.ds(r0, _CH), :],
                          semsc[0]).wait())
        plsc.subcore_barrier()

        def load_dst(j, s):
            pltpu.async_copy(dst_hbm.at[pl.ds(wid * epw + j * _CH, _CH)],
                             dstb[s], semi[s])

        def start_gather(j, s):
            pltpu.async_copy(xs_hbm.at[srcf_v.at[pl.ds(j * _CH, _CH)]],
                             rows[s], semg[s])

        def wait_gather(j, s):
            pltpu.make_async_copy(xs_hbm.at[srcf_v.at[pl.ds(j * _CH, _CH)]],
                                  rows[s], semg[s]).wait()
            pltpu.make_async_copy(dst_hbm.at[pl.ds(wid * epw + j * _CH, _CH)],
                                  dstb[s], semi[s]).wait()

        def wait_scatter(s):
            pltpu.make_async_copy(rows[s], acc_sh.at[dstb[s]],
                                  semsc[s]).wait()

        def turn(j, s, first_round):
            p = (s + 2) % 3
            wait_gather(j, s)
            pltpu.async_copy(rows[s], acc_sh.at[dstb[s]], semsc[s], add=True)

            def refill():
                if not first_round:
                    wait_scatter(p)
                load_dst(j + 2, p)
                start_gather(j + 2, p)

            if isinstance(j, int):
                if j + 2 < nit:
                    refill()
            else:
                pl.when(j + 2 < nit)(refill)

        load_dst(0, 0)
        start_gather(0, 0)
        load_dst(1, 1)
        start_gather(1, 1)

        def body0(q, c):
            turn(3 * q, 0, False)
            turn(3 * q + 1, 1, False)
            turn(3 * q + 2, 2, False)
            return c

        turn(0, 0, True)
        turn(1, 1, False)
        turn(2, 2, False)
        lax.fori_loop(1, nit // 3, body0, 0)
        for j in range(nit - (nit % 3), nit):
            turn(j, j % 3, False)
        for s in ((nit - 1) % 3, nit % 3, (nit + 1) % 3):
            wait_scatter(s)
        plsc.subcore_barrier()

        def drain(r0):
            pltpu.sync_copy(acc_sh.at[pl.ds(r0, _CH), :],
                            out_hbm.at[cid, pl.ds(r0, _CH), :])

        _sweep_chunks(n, _CH, sid, drain)

    return k(xs, src1d, dst1d)


def _tc_prep(degp, x, bn):
    n, d = x.shape

    def body(degp_ref, x_ref, dinv_ref, xs_ref):
        deg = degp_ref[0][:, 0:1] + degp_ref[1][:, 0:1] + 1.0
        dinv = lax.rsqrt(jnp.maximum(deg, 1.0))
        dinv_ref[...] = dinv
        xs_ref[...] = x_ref[...] * dinv

    return pl.pallas_call(
        body,
        grid=(n // bn,),
        in_specs=[
            pl.BlockSpec((_NC, bn, 16), lambda i: (0, i, 0)),
            pl.BlockSpec((bn, d), lambda i: (i, 0)),
        ],
        out_specs=[
            pl.BlockSpec((bn, 1), lambda i: (i, 0)),
            pl.BlockSpec((bn, d), lambda i: (i, 0)),
        ],
        out_shape=[
            jax.ShapeDtypeStruct((n, 1), jnp.float32),
            jax.ShapeDtypeStruct((n, d), jnp.float32),
        ],
    )(degp, x)


def _tc_layer(sp, xin, dinv, w, b, g, be, h1prev, bn):
    n, d = xin.shape
    nb = n // bn
    mid = h1prev is None

    def body(*refs):
        if mid:
            (sp_ref, x_ref, dinv_ref, w_ref, b_ref, g_ref, be_ref,
             o1_ref, o2_ref, hs, s1a, s2a) = refs
        else:
            (sp_ref, x_ref, dinv_ref, w_ref, b_ref, g_ref, be_ref, hp_ref,
             o1_ref, hs, s1a, s2a) = refs
        i = pl.program_id(0)

        @pl.when(i < nb)
        def _():
            dv = dinv_ref[...]
            agg = dv * (sp_ref[0] + sp_ref[1]) + (dv * dv) * x_ref[...]
            h = jnp.dot(agg, w_ref[...], preferred_element_type=jnp.float32)
            h = h + b_ref[...]
            hs[pl.ds(i * bn, bn), :] = h
            s1 = jnp.sum(h, axis=0, keepdims=True)
            s2 = jnp.sum(h * h, axis=0, keepdims=True)

            @pl.when(i == 0)
            def _():
                s1a[...] = s1
                s2a[...] = s2

            @pl.when(i > 0)
            def _():
                s1a[...] += s1
                s2a[...] += s2

        @pl.when(i >= nb)
        def _():
            mu = s1a[...] * (1.0 / n)
            ex2 = s2a[...] * (1.0 / n)
            rstd = lax.rsqrt(jnp.maximum(ex2 - mu * mu, 0.0) + 1e-5)
            hblk = hs[pl.ds((i - nb) * bn, bn), :]
            h1 = jnp.maximum((hblk - mu) * rstd * g_ref[...] + be_ref[...],
                             0.0)
            if mid:
                o1_ref[...] = h1
                o2_ref[...] = h1 * dinv_ref[...]
            else:
                o1_ref[...] = hp_ref[...] + h1

    lo = lambda i: (jnp.where(i < nb, i, 0), 0)
    hi = lambda i: (jnp.where(i < nb, 0, i - nb), 0)
    in_specs = [
        pl.BlockSpec((_NC, bn, d), lambda i: (0, jnp.where(i < nb, i, 0), 0)),
        pl.BlockSpec((bn, d), lo),
        pl.BlockSpec((bn, 1), lambda i: (i % nb, 0) if mid else lo(i)),
        pl.BlockSpec((d, d), lambda i: (0, 0)),
        pl.BlockSpec((1, d), lambda i: (0, 0)),
        pl.BlockSpec((1, d), lambda i: (0, 0)),
        pl.BlockSpec((1, d), lambda i: (0, 0)),
    ]
    args = [sp, xin, dinv, w, b, g, be]
    if mid:
        out_specs = [pl.BlockSpec((bn, d), hi), pl.BlockSpec((bn, d), hi)]
        out_shape = [jax.ShapeDtypeStruct((n, d), jnp.float32)] * 2
    else:
        in_specs.append(pl.BlockSpec((bn, d), hi))
        args.append(h1prev)
        out_specs = pl.BlockSpec((bn, d), hi)
        out_shape = jax.ShapeDtypeStruct((n, d), jnp.float32)

    return pl.pallas_call(
        body,
        grid=(2 * nb,),
        in_specs=in_specs,
        out_specs=out_specs,
        out_shape=out_shape,
        scratch_shapes=[
            pltpu.VMEM((n, d), jnp.float32),
            pltpu.VMEM((1, d), jnp.float32),
            pltpu.VMEM((1, d), jnp.float32),
        ],
    )(*args)


def kernel(x, edge_index, W1, b1, g1, be1, W2, b2, g2, be2):
    n, d = x.shape
    e = edge_index.shape[1]
    assert _CH % 16 == 0
    assert e % (_NW * _CH) == 0 and n % 200 == 0 and n % _CH == 0
    src1d = edge_index[0]
    dst1d = edge_index[1]
    b1r, g1r, be1r = b1.reshape(1, d), g1.reshape(1, d), be1.reshape(1, d)
    b2r, g2r, be2r = b2.reshape(1, d), g2.reshape(1, d), be2.reshape(1, d)
    bn = 1000

    degp = _sc_deg(dst1d, n)
    dinv, xs1 = _tc_prep(degp, x, bn)
    s1p = _sc_agg(xs1, src1d, dst1d)
    h1, xs2 = _tc_layer(s1p, x, dinv, W1, b1r, g1r, be1r, None, bn)
    s2p = _sc_agg(xs2, src1d, dst1d)
    return _tc_layer(s2p, h1, dinv, W2, b2r, g2r, be2r, h1, bn)

# --- scband reference (transcript-rebuilt; emitter-appended) ---
"""Pipeline reference for scband-gcn-with-dhla-24120536334779 (READ-ONLY COPY).

The authoritative reference and input builder live on the scoring server;
editing this copy changes nothing except your own understanding.
"""

import jax, jax.numpy as jnp
import numpy as np

N = 10000
E = 320000
D = 128


def gcn_layer(x, edge_index, W, b):
    n = x.shape[0]
    self_loops = jnp.arange(n, dtype=edge_index.dtype)
    src = jnp.concatenate([edge_index[0], self_loops])
    dst = jnp.concatenate([edge_index[1], self_loops])
    deg = jax.ops.segment_sum(jnp.ones_like(src, dtype=x.dtype), dst, num_segments=n)
    dinv = jax.lax.rsqrt(jnp.maximum(deg, 1.0))
    coef = dinv[src] * dinv[dst]
    msg = x[src] * coef[:, None]
    agg = jax.ops.segment_sum(msg, dst, num_segments=n)
    return agg @ W + b


def batchnorm(h, gamma, beta):
    mu = jnp.mean(h, axis=0, keepdims=True)
    var = jnp.var(h, axis=0, keepdims=True)
    return (h - mu) * jax.lax.rsqrt(var + 1e-5) * gamma + beta


def setup_inputs(seed: int = 0) -> dict:
    key = jax.random.key(seed)
    ks = jax.random.split(key, 12)
    x = jax.random.normal(ks[0], (N, D), dtype=jnp.float32)
    edge_index = jax.random.randint(ks[1], (2, E), 0, N, dtype=jnp.int32)
    s = 1.0 / np.sqrt(D)
    W1 = jax.random.normal(ks[2], (D, D), dtype=jnp.float32) * s
    b1 = jnp.zeros((D,), dtype=jnp.float32)
    g1 = jnp.ones((D,), dtype=jnp.float32)
    be1 = jnp.zeros((D,), dtype=jnp.float32)
    W2 = jax.random.normal(ks[3], (D, D), dtype=jnp.float32) * s
    b2 = jnp.zeros((D,), dtype=jnp.float32)
    g2 = jnp.ones((D,), dtype=jnp.float32)
    be2 = jnp.zeros((D,), dtype=jnp.float32)
    return {"x": x, "edge_index": edge_index, "W1": W1, "b1": b1, "g1": g1, "be1": be1, "W2": W2, "b2": b2, "g2": g2, "be2": be2}


def reference(x, edge_index, W1, b1, g1, be1, W2, b2, g2, be2):
    # Block with 2 GCN layers (DHLA num_layers=2), norm=batchnorm, mode='sum'
    h1 = gcn_layer(x, edge_index, W1, b1)
    h1 = jax.nn.relu(batchnorm(h1, g1, be1))
    h2 = gcn_layer(h1, edge_index, W2, b2)
    h2 = jax.nn.relu(batchnorm(h2, g2, be2))
    return h1 + h2

if __name__ == "__main__":
    import jax
    _d = setup_inputs()
    print(jax.jit(kernel)(*tuple(_d.values())))

</pallas_src>

<mosaic_0001>
#map = affine_map<(d0, d1) -> (0)>
#map1 = affine_map<(d0, d1) -> (0, 0, 0)>
module attributes {stable_mosaic.version = 14 : i64} {
  func.func @k(%arg0: i32, %arg1: i32, %arg2: memref<320000xi32, #tpu.memory_space<hbm>>, %arg3: memref<2x10000x16xf32, #tpu.memory_space<hbm>>, %arg4: memref<10000xi32, #tpu.memory_space<vmem>>, %arg5: memref<80xi32, #tpu.memory_space<vmem>>, %arg6: memref<80xi32, #tpu.memory_space<vmem>>, %arg7: memref<80x16xf32, #tpu.memory_space<vmem>>, %arg8: memref<200x16xf32, #tpu.memory_space<vmem>>, %arg9: memref<10000x16xf32, #tpu.memory_space<vmem_shared>>, %arg10: memref<!tpu.dma_semaphore, #tpu.memory_space<semaphore_mem>>, %arg11: memref<!tpu.dma_semaphore, #tpu.memory_space<semaphore_mem>>) attributes {dimension_semantics = [#tpu.dimension_semantics<core_parallel>, #tpu.dimension_semantics<subcore_parallel>], iteration_bounds = array<i64: 2, 16>, scalar_prefetch = 0 : i64, scratch_operands = 8 : i64, tpu.core_type = #tpu.core_type<sc_vector_subcore>, window_params = [{transform_indices = #map}, {transform_indices = #map1}]} {
    %mul3A = arith.constant 16 : i32
    %mul3A_0 = arith.muli %arg0, %mul3A : i32
    %add3A = arith.addi %mul3A_0, %arg1 : i32
    %broadcast_in_dim3A = arith.constant 1.000000e+00 : f32
    %broadcast_in_dim3A_1 = vector.broadcast %broadcast_in_dim3A : f32 to vector<16xf32>
    %scan3A = arith.constant 0 : i32
    %scan3A_2 = arith.constant 0 : i32
    %scan3A_3 = arith.constant 80 : i32
    %scan3A_4 = arith.addi %scan3A_2, %scan3A_3 : i32
    %scan3A_5 = arith.constant 1 : i32
    scf.for %scan3A_73 = %scan3A_2 to %scan3A_4 step %scan3A_5  : i32 {
      %swap3A_74 = arith.index_cast %scan3A_73 : i32 to index
      %swap3A_75 = arith.constant 0 : index
      %swap3A_76 = tpu.vector_load %arg7[%swap3A_74, %swap3A_75] {strides = array<i32>} : memref<80x16xf32, #tpu.memory_space<vmem>>, vector<1x16xf32>,
      %swap3A_77 = vector.shape_cast %swap3A_76 : vector<1x16xf32> to vector<16xf32>
      %swap3A_78 = vector.shape_cast %broadcast_in_dim3A_1 : vector<16xf32> to vector<1x16xf32>
      tpu.vector_store %arg7[%swap3A_74, %swap3A_75], %swap3A_78 {strides = array<i32>} : memref<80x16xf32, #tpu.memory_space<vmem>>, vector<1x16xf32>,
    }
    %scan3A_6 = arith.constant 80 : i32
    %broadcast_in_dim3A_7 = arith.constant 0.000000e+00 : f32
    %broadcast_in_dim3A_8 = vector.broadcast %broadcast_in_dim3A_7 : f32 to vector<16xf32>
    %scan3A_9 = arith.constant 0 : i32
    %scan3A_10 = arith.constant 0 : i32
    %scan3A_11 = arith.constant 200 : i32
    %scan3A_12 = arith.addi %scan3A_10, %scan3A_11 : i32
    %scan3A_13 = arith.constant 1 : i32
    scf.for %scan3A_73 = %scan3A_10 to %scan3A_12 step %scan3A_13  : i32 {
      %swap3A_74 = arith.index_cast %scan3A_73 : i32 to index
      %swap3A_75 = arith.constant 0 : index
      %swap3A_76 = tpu.vector_load %arg8[%swap3A_74, %swap3A_75] {strides = array<i32>} : memref<200x16xf32, #tpu.memory_space<vmem>>, vector<1x16xf32>,
      %swap3A_77 = vector.shape_cast %swap3A_76 : vector<1x16xf32> to vector<16xf32>
      %swap3A_78 = vector.shape_cast %broadcast_in_dim3A_8 : vector<16xf32> to vector<1x16xf32>
      tpu.vector_store %arg8[%swap3A_74, %swap3A_75], %swap3A_78 {strides = array<i32>} : memref<200x16xf32, #tpu.memory_space<vmem>>, vector<1x16xf32>,
    }
    %scan3A_14 = arith.constant 200 : i32
    %scan3A_15 = arith.constant 0 : i32
    %scan3A_16 = arith.constant 0 : i32
    %scan3A_17 = arith.constant 4 : i32
    %scan3A_18 = arith.addi %scan3A_16, %scan3A_17 : i32
    %scan3A_19 = arith.constant 1 : i32
    scf.for %scan3A_73 = %scan3A_16 to %scan3A_18 step %scan3A_19  : i32 {
      %mul3A_74 = arith.constant 16 : i32
      %mul3A_75 = arith.muli %scan3A_73, %mul3A_74 : i32
      %add3A_76 = arith.addi %arg1, %mul3A_75 : i32
      %lt3A = arith.constant 50 : i32
      %lt3A_77 = arith.cmpi slt, %add3A_76, %lt3A : i32
      %convert_element_type3A = arith.extui %lt3A_77 : i1 to i32
      %cond3A = arith.constant 0 : i32
      %cond3A_78 = arith.cmpi ne, %convert_element_type3A, %cond3A : i32
      scf.if %cond3A_78 {
        %mul3A_79 = arith.constant 200 : i32
        %mul3A_80 = arith.muli %add3A_76, %mul3A_79 : i32
        "tpu.region"() ({
          %run_scoped3A = tpu.sem_alloc : memref<!tpu.dma_semaphore, #tpu.memory_space<semaphore_mem>>
          %dma_start3A_81 = arith.constant 0 : i32
          %dma_start3A_82 = tpu.memref_slice %arg9[%mul3A_80, %dma_start3A_81] : memref<10000x16xf32, #tpu.memory_space<vmem_shared>> -> memref<200x16xf32, #tpu.memory_space<vmem_shared>>
          %dma_start3A_83 = arith.constant 0 : i32
          %dma_start3A_84 = tpu.memref_slice %arg9[%mul3A_80, %dma_start3A_83] : memref<10000x16xf32, #tpu.memory_space<vmem_shared>> -> memref<200x16xf32, #tpu.memory_space<vmem_shared>>
          tpu.enqueue_dma source(%arg8 : memref<200x16xf32, #tpu.memory_space<vmem>>) target(%dma_start3A_84 : memref<200x16xf32, #tpu.memory_space<vmem_shared>>) target_semaphore(%run_scoped3A : memref<!tpu.dma_semaphore, #tpu.memory_space<semaphore_mem>>)
          %dma_wait3A_85 = arith.constant 0 : i32
          %dma_wait3A_86 = tpu.memref_slice %arg9[%mul3A_80, %dma_wait3A_85] : memref<10000x16xf32, #tpu.memory_space<vmem_shared>> -> memref<200x16xf32, #tpu.memory_space<vmem_shared>>
          %dma_wait3A_87 = arith.constant 0 : i32
          %dma_wait3A_88 = tpu.memref_slice %arg9[%mul3A_80, %dma_wait3A_87] : memref<10000x16xf32, #tpu.memory_space<vmem_shared>> -> memref<200x16xf32, #tpu.memory_space<vmem_shared>>
          tpu.wait_dma2 semaphore(%run_scoped3A : memref<!tpu.dma_semaphore, #tpu.memory_space<semaphore_mem>>) src(%arg8 : memref<200x16xf32, #tpu.memory_space<vmem>>) dst(%dma_wait3A_88 : memref<200x16xf32, #tpu.memory_space<vmem_shared>>)
          tpu.yield
        }) : () -> ()
      } else {
      }
    }
    %scan3A_20 = arith.constant 4 : i32
    %mul3A_21 = arith.constant 10000 : i32
    %mul3A_22 = arith.muli %add3A, %mul3A_21 : i32
    "tpu.region"() ({
      %run_scoped3A = tpu.sem_alloc : memref<!tpu.dma_semaphore, #tpu.memory_space<semaphore_mem>>
      %dma_start3A_73 = tpu.memref_slice %arg2[%mul3A_22] : memref<320000xi32, #tpu.memory_space<hbm>> -> memref<10000xi32, #tpu.memory_space<hbm>>
      %dma_start3A_74 = tpu.memref_slice %arg2[%mul3A_22] : memref<320000xi32, #tpu.memory_space<hbm>> -> memref<10000xi32, #tpu.memory_space<hbm>>
      tpu.enqueue_dma source(%dma_start3A_74 : memref<10000xi32, #tpu.memory_space<hbm>>) target(%arg4 : memref<10000xi32, #tpu.memory_space<vmem>>) target_semaphore(%run_scoped3A : memref<!tpu.dma_semaphore, #tpu.memory_space<semaphore_mem>>)
      %dma_wait3A_75 = tpu.memref_slice %arg2[%mul3A_22] : memref<320000xi32, #tpu.memory_space<hbm>> -> memref<10000xi32, #tpu.memory_space<hbm>>
      %dma_wait3A_76 = tpu.memref_slice %arg2[%mul3A_22] : memref<320000xi32, #tpu.memory_space<hbm>> -> memref<10000xi32, #tpu.memory_space<hbm>>
      tpu.wait_dma2 semaphore(%run_scoped3A : memref<!tpu.dma_semaphore, #tpu.memory_space<semaphore_mem>>) src(%dma_wait3A_76 : memref<10000xi32, #tpu.memory_space<hbm>>) dst(%arg4 : memref<10000xi32, #tpu.memory_space<vmem>>)
      tpu.yield
    }) : () -> ()
    %barrier3A = arith.constant 0 : index
    tpu.barrier barrier_id(%barrier3A)
    %get3A = arith.constant 0 : index
    %get3A_23 = tpu.vector_load %arg4[%get3A] {strides = array<i32>} : memref<10000xi32, #tpu.memory_space<vmem>>, vector<16xi32>,
    %get3A_24 = vector.shape_cast %get3A_23 : vector<16xi32> to vector<16xi32>
    %swap3A = arith.constant 0 : index
    %swap3A_25 = tpu.vector_load %arg5[%swap3A] {strides = array<i32>} : memref<80xi32, #tpu.memory_space<vmem>>, vector<16xi32>,
    %swap3A_26 = vector.shape_cast %swap3A_25 : vector<16xi32> to vector<16xi32>
    %swap3A_27 = vector.shape_cast %get3A_24 : vector<16xi32> to vector<16xi32>
    tpu.vector_store %arg5[%swap3A], %swap3A_27 {strides = array<i32>} : memref<80xi32, #tpu.memory_space<vmem>>, vector<16xi32>,
    %get3A_28 = arith.constant 16 : index
    %get3A_29 = tpu.vector_load %arg4[%get3A_28] {strides = array<i32>} : memref<10000xi32, #tpu.memory_space<vmem>>, vector<16xi32>,
    %get3A_30 = vector.shape_cast %get3A_29 : vector<16xi32> to vector<16xi32>
    %swap3A_31 = arith.constant 16 : index
    %swap3A_32 = tpu.vector_load %arg5[%swap3A_31] {strides = array<i32>} : memref<80xi32, #tpu.memory_space<vmem>>, vector<16xi32>,
    %swap3A_33 = vector.shape_cast %swap3A_32 : vector<16xi32> to vector<16xi32>
    %swap3A_34 = vector.shape_cast %get3A_30 : vector<16xi32> to vector<16xi32>
    tpu.vector_store %arg5[%swap3A_31], %swap3A_34 {strides = array<i32>} : memref<80xi32, #tpu.memory_space<vmem>>, vector<16xi32>,
    %get3A_35 = arith.constant 32 : index
    %get3A_36 = tpu.vector_load %arg4[%get3A_35] {strides = array<i32>} : memref<10000xi32, #tpu.memory_space<vmem>>, vector<16xi32>,
    %get3A_37 = vector.shape_cast %get3A_36 : vector<16xi32> to vector<16xi32>
    %swap3A_38 = arith.constant 32 : index
    %swap3A_39 = tpu.vector_load %arg5[%swap3A_38] {strides = array<i32>} : memref<80xi32, #tpu.memory_space<vmem>>, vector<16xi32>,
    %swap3A_40 = vector.shape_cast %swap3A_39 : vector<16xi32> to vector<16xi32>
    %swap3A_41 = vector.shape_cast %get3A_37 : vector<16xi32> to vector<16xi32>
    tpu.vector_store %arg5[%swap3A_38], %swap3A_41 {strides = array<i32>} : memref<80xi32, #tpu.memory_space<vmem>>, vector<16xi32>,
    %get3A_42 = arith.constant 48 : index
    %get3A_43 = tpu.vector_load %arg4[%get3A_42] {strides = array<i32>} : memref<10000xi32, #tpu.memory_space<vmem>>, vector<16xi32>,
    %get3A_44 = vector.shape_cast %get3A_43 : vector<16xi32> to vector<16xi32>
    %swap3A_45 = arith.constant 48 : index
    %swap3A_46 = tpu.vector_load %arg5[%swap3A_45] {strides = array<i32>} : memref<80xi32, #tpu.memory_space<vmem>>, vector<16xi32>,
    %swap3A_47 = vector.shape_cast %swap3A_46 : vector<16xi32> to vector<16xi32>
    %swap3A_48 = vector.shape_cast %get3A_44 : vector<16xi32> to vector<16xi32>
    tpu.vector_store %arg5[%swap3A_45], %swap3A_48 {strides = array<i32>} : memref<80xi32, #tpu.memory_space<vmem>>, vector<16xi32>,
    %get3A_49 = arith.constant 64 : index
    %get3A_50 = tpu.vector_load %arg4[%get3A_49] {strides = array<i32>} : memref<10000xi32, #tpu.memory_space<vmem>>, vector<16xi32>,
    %get3A_51 = vector.shape_cast %get3A_50 : vector<16xi32> to vector<16xi32>
    %swap3A_52 = arith.constant 64 : index
    %swap3A_53 = tpu.vector_load %arg5[%swap3A_52] {strides = array<i32>} : memref<80xi32, #tpu.memory_space<vmem>>, vector<16xi32>,
    %swap3A_54 = vector.shape_cast %swap3A_53 : vector<16xi32> to vector<16xi32>
    %swap3A_55 = vector.shape_cast %get3A_51 : vector<16xi32> to vector<16xi32>
    tpu.vector_store %arg5[%swap3A_52], %swap3A_55 {strides = array<i32>} : memref<80xi32, #tpu.memory_space<vmem>>, vector<16xi32>,
    %dma_start3A = arith.constant 0 : i32
    %dma_start3A_56 = arith.constant 0 : i32
    %dma_start3A_57 = tpu.memref_slice %arg9[%dma_start3A, %dma_start3A_56] : memref<10000x16xf32, #tpu.memory_space<vmem_shared>> -> memref<10000x16xf32, #tpu.memory_space<vmem_shared>>
    tpu.enqueue_indirect_dma source(%arg7 : memref<80x16xf32, #tpu.memory_space<vmem>>) target(%dma_start3A_57 : memref<10000x16xf32, #tpu.memory_space<vmem_shared>>) offsets(%arg5 : memref<80xi32, #tpu.memory_space<vmem>>) semaphore(%arg10 : memref<!tpu.dma_semaphore, #tpu.memory_space<semaphore_mem>>) {add = true}
    %scan3A_58 = arith.constant 0 : i32
    %scan3A_59 = arith.constant 0 : i32
    %scan3A_60 = arith.constant 62 : i32
    %scan3A_61 = arith.addi %scan3A_59, %scan3A_60 : i32
    %scan3A_62 = arith.constant 1 : i32
    scf.for %scan3A_73 = %scan3A_59 to %scan3A_61 step %scan3A_62  : i32 {
      %mul3A_74 = arith.constant 2 : i32
      %mul3A_75 = arith.muli %mul3A_74, %scan3A_73 : i32
      %add3A_76 = arith.constant 1 : i32
      %add3A_77 = arith.addi %mul3A_75, %add3A_76 : i32
      %mul3A_78 = arith.constant 80 : i32
      %mul3A_79 = arith.muli %add3A_77, %mul3A_78 : i32
      %add3A_80 = arith.constant 0 : i32
      %add3A_81 = arith.addi %mul3A_79, %add3A_80 : i32
      %get3A_82 = arith.index_cast %add3A_81 : i32 to index
      %get3A_83 = tpu.vector_load %arg4[%get3A_82] {strides = array<i32>} : memref<10000xi32, #tpu.memory_space<vmem>>, vector<16xi32>,
      %get3A_84 = vector.shape_cast %get3A_83 : vector<16xi32> to vector<16xi32>
      %swap3A_85 = arith.constant 0 : index
      %swap3A_86 = tpu.vector_load %arg6[%swap3A_85] {strides = array<i32>} : memref<80xi32, #tpu.memory_space<vmem>>, vector<16xi32>,
      %swap3A_87 = vector.shape_cast %swap3A_86 : vector<16xi32> to vector<16xi32>
      %swap3A_88 = vector.shape_cast %get3A_84 : vector<16xi32> to vector<16xi32>
      tpu.vector_store %arg6[%swap3A_85], %swap3A_88 {strides = array<i32>} : memref<80xi32, #tpu.memory_space<vmem>>, vector<16xi32>,
      %mul3A_89 = arith.constant 80 : i32
      %mul3A_90 = arith.muli %add3A_77, %mul3A_89 : i32
      %add3A_91 = arith.constant 16 : i32
      %add3A_92 = arith.addi %mul3A_90, %add3A_91 : i32
      %get3A_93 = arith.index_cast %add3A_92 : i32 to index
      %get3A_94 = tpu.vector_load %arg4[%get3A_93] {strides = array<i32>} : memref<10000xi32, #tpu.memory_space<vmem>>, vector<16xi32>,
      %get3A_95 = vector.shape_cast %get3A_94 : vector<16xi32> to vector<16xi32>
      %swap3A_96 = arith.constant 16 : index
      %swap3A_97 = tpu.vector_load %arg6[%swap3A_96] {strides = array<i32>} : memref<80xi32, #tpu.memory_space<vmem>>, vector<16xi32>,
      %swap3A_98 = vector.shape_cast %swap3A_97 : vector<16xi32> to vector<16xi32>
      %swap3A_99 = vector.shape_cast %get3A_95 : vector<16xi32> to vector<16xi32>
      tpu.vector_store %arg6[%swap3A_96], %swap3A_99 {strides = array<i32>} : memref<80xi32, #tpu.memory_space<vmem>>, vector<16xi32>,
      %mul3A_100 = arith.constant 80 : i32
      %mul3A_101 = arith.muli %add3A_77, %mul3A_100 : i32
      %add3A_102 = arith.constant 32 : i32
      %add3A_103 = arith.addi %mul3A_101, %add3A_102 : i32
      %get3A_104 = arith.index_cast %add3A_103 : i32 to index
      %get3A_105 = tpu.vector_load %arg4[%get3A_104] {strides = array<i32>} : memref<10000xi32, #tpu.memory_space<vmem>>, vector<16xi32>,
      %get3A_106 = vector.shape_cast %get3A_105 : vector<16xi32> to vector<16xi32>
      %swap3A_107 = arith.constant 32 : index
      %swap3A_108 = tpu.vector_load %arg6[%swap3A_107] {strides = array<i32>} : memref<80xi32, #tpu.memory_space<vmem>>, vector<16xi32>,
      %swap3A_109 = vector.shape_cast %swap3A_108 : vector<16xi32> to vector<16xi32>
      %swap3A_110 = vector.shape_cast %get3A_106 : vector<16xi32> to vector<16xi32>
      tpu.vector_store %arg6[%swap3A_107], %swap3A_110 {strides = array<i32>} : memref<80xi32, #tpu.memory_space<vmem>>, vector<16xi32>,
      %mul3A_111 = arith.constant 80 : i32
      %mul3A_112 = arith.muli %add3A_77, %mul3A_111 : i32
      %add3A_113 = arith.constant 48 : i32
      %add3A_114 = arith.addi %mul3A_112, %add3A_113 : i32
      %get3A_115 = arith.index_cast %add3A_114 : i32 to index
      %get3A_116 = tpu.vector_load %arg4[%get3A_115] {strides = array<i32>} : memref<10000xi32, #tpu.memory_space<vmem>>, vector<16xi32>,
      %get3A_117 = vector.shape_cast %get3A_116 : vector<16xi32> to vector<16xi32>
      %swap3A_118 = arith.constant 48 : index
      %swap3A_119 = tpu.vector_load %arg6[%swap3A_118] {strides = array<i32>} : memref<80xi32, #tpu.memory_space<vmem>>, vector<16xi32>,
      %swap3A_120 = vector.shape_cast %swap3A_119 : vector<16xi32> to vector<16xi32>
      %swap3A_121 = vector.shape_cast %get3A_117 : vector<16xi32> to vector<16xi32>
      tpu.vector_store %arg6[%swap3A_118], %swap3A_121 {strides = array<i32>} : memref<80xi32, #tpu.memory_space<vmem>>, vector<16xi32>,
      %mul3A_122 = arith.constant 80 : i32
      %mul3A_123 = arith.muli %add3A_77, %mul3A_122 : i32
      %add3A_124 = arith.constant 64 : i32
      %add3A_125 = arith.addi %mul3A_123, %add3A_124 : i32
      %get3A_126 = arith.index_cast %add3A_125 : i32 to index
      %get3A_127 = tpu.vector_load %arg4[%get3A_126] {strides = array<i32>} : memref<10000xi32, #tpu.memory_space<vmem>>, vector<16xi32>,
      %get3A_128 = vector.shape_cast %get3A_127 : vector<16xi32> to vector<16xi32>
      %swap3A_129 = arith.constant 64 : index
      %swap3A_130 = tpu.vector_load %arg6[%swap3A_129] {strides = array<i32>} : memref<80xi32, #tpu.memory_space<vmem>>, vector<16xi32>,
      %swap3A_131 = vector.shape_cast %swap3A_130 : vector<16xi32> to vector<16xi32>
      %swap3A_132 = vector.shape_cast %get3A_128 : vector<16xi32> to vector<16xi32>
      tpu.vector_store %arg6[%swap3A_129], %swap3A_132 {strides = array<i32>} : memref<80xi32, #tpu.memory_space<vmem>>, vector<16xi32>,
      %dma_start3A_133 = arith.constant 0 : i32
      %dma_start3A_134 = arith.constant 0 : i32
      %dma_start3A_135 = tpu.memref_slice %arg9[%dma_start3A_133, %dma_start3A_134] : memref<10000x16xf32, #tpu.memory_space<vmem_shared>> -> memref<10000x16xf32, #tpu.memory_space<vmem_shared>>
      tpu.enqueue_indirect_dma source(%arg7 : memref<80x16xf32, #tpu.memory_space<vmem>>) target(%dma_start3A_135 : memref<10000x16xf32, #tpu.memory_space<vmem_shared>>) offsets(%arg6 : memref<80xi32, #tpu.memory_space<vmem>>) semaphore(%arg11 : memref<!tpu.dma_semaphore, #tpu.memory_space<semaphore_mem>>) {add = true}
      %dma_wait3A_136 = arith.constant 0 : i32
      %dma_wait3A_137 = arith.constant 0 : i32
      %dma_wait3A_138 = tpu.memref_slice %arg9[%dma_wait3A_136, %dma_wait3A_137] : memref<10000x16xf32, #tpu.memory_space<vmem_shared>> -> memref<10000x16xf32, #tpu.memory_space<vmem_shared>>
      tpu.wait_indirect_dma semaphore(%arg10 : memref<!tpu.dma_semaphore, #tpu.memory_space<semaphore_mem>>) src(%arg7 : memref<80x16xf32, #tpu.memory_space<vmem>>) dst(%dma_wait3A_138 : memref<10000x16xf32, #tpu.memory_space<vmem_shared>>)
      %add3A_139 = arith.constant 2 : i32
      %add3A_140 = arith.addi %mul3A_75, %add3A_139 : i32
      %lt3A = arith.constant 125 : i32
      %lt3A_141 = arith.cmpi slt, %add3A_140, %lt3A : i32
      %convert_element_type3A = arith.extui %lt3A_141 : i1 to i32
      %cond3A = arith.constant 0 : i32
      %cond3A_142 = arith.cmpi ne, %convert_element_type3A, %cond3A : i32
      scf.if %cond3A_142 {
        %add3A_146 = arith.constant 2 : i32
        %add3A_147 = arith.addi %mul3A_75, %add3A_146 : i32
        %mul3A_148 = arith.constant 80 : i32
        %mul3A_149 = arith.muli %add3A_147, %mul3A_148 : i32
        %add3A_150 = arith.constant 0 : i32
        %add3A_151 = arith.addi %mul3A_149, %add3A_150 : i32
        %get3A_152 = arith.index_cast %add3A_151 : i32 to index
        %get3A_153 = tpu.vector_load %arg4[%get3A_152] {strides = array<i32>} : memref<10000xi32, #tpu.memory_space<vmem>>, vector<16xi32>,
        %get3A_154 = vector.shape_cast %get3A_153 : vector<16xi32> to vector<16xi32>
        %swap3A_155 = arith.constant 0 : index
        %swap3A_156 = tpu.vector_load %arg5[%swap3A_155] {strides = array<i32>} : memref<80xi32, #tpu.memory_space<vmem>>, vector<16xi32>,
        %swap3A_157 = vector.shape_cast %swap3A_156 : vector<16xi32> to vector<16xi32>
        %swap3A_158 = vector.shape_cast %get3A_154 : vector<16xi32> to vector<16xi32>
        tpu.vector_store %arg5[%swap3A_155], %swap3A_158 {strides = array<i32>} : memref<80xi32, #tpu.memory_space<vmem>>, vector<16xi32>,
        %mul3A_159 = arith.constant 80 : i32
        %mul3A_160 = arith.muli %add3A_147, %mul3A_159 : i32
        %add3A_161 = arith.constant 16 : i32
        %add3A_162 = arith.addi %mul3A_160, %add3A_161 : i32
        %get3A_163 = arith.index_cast %add3A_162 : i32 to index
        %get3A_164 = tpu.vector_load %arg4[%get3A_163] {strides = array<i32>} : memref<10000xi32, #tpu.memory_space<vmem>>, vector<16xi32>,
        %get3A_165 = vector.shape_cast %get3A_164 : vector<16xi32> to vector<16xi32>
        %swap3A_166 = arith.constant 16 : index
        %swap3A_167 = tpu.vector_load %arg5[%swap3A_166] {strides = array<i32>} : memref<80xi32, #tpu.memory_space<vmem>>, vector<16xi32>,
        %swap3A_168 = vector.shape_cast %swap3A_167 : vector<16xi32> to vector<16xi32>
        %swap3A_169 = vector.shape_cast %get3A_165 : vector<16xi32> to vector<16xi32>
        tpu.vector_store %arg5[%swap3A_166], %swap3A_169 {strides = array<i32>} : memref<80xi32, #tpu.memory_space<vmem>>, vector<16xi32>,
        %mul3A_170 = arith.constant 80 : i32
        %mul3A_171 = arith.muli %add3A_147, %mul3A_170 : i32
        %add3A_172 = arith.constant 32 : i32
        %add3A_173 = arith.addi %mul3A_171, %add3A_172 : i32
        %get3A_174 = arith.index_cast %add3A_173 : i32 to index
        %get3A_175 = tpu.vector_load %arg4[%get3A_174] {strides = array<i32>} : memref<10000xi32, #tpu.memory_space<vmem>>, vector<16xi32>,
        %get3A_176 = vector.shape_cast %get3A_175 : vector<16xi32> to vector<16xi32>
        %swap3A_177 = arith.constant 32 : index
        %swap3A_178 = tpu.vector_load %arg5[%swap3A_177] {strides = array<i32>} : memref<80xi32, #tpu.memory_space<vmem>>, vector<16xi32>,
        %swap3A_179 = vector.shape_cast %swap3A_178 : vector<16xi32> to vector<16xi32>
        %swap3A_180 = vector.shape_cast %get3A_176 : vector<16xi32> to vector<16xi32>
        tpu.vector_store %arg5[%swap3A_177], %swap3A_180 {strides = array<i32>} : memref<80xi32, #tpu.memory_space<vmem>>, vector<16xi32>,
        %mul3A_181 = arith.constant 80 : i32
        %mul3A_182 = arith.muli %add3A_147, %mul3A_181 : i32
        %add3A_183 = arith.constant 48 : i32
        %add3A_184 = arith.addi %mul3A_182, %add3A_183 : i32
        %get3A_185 = arith.index_cast %add3A_184 : i32 to index
        %get3A_186 = tpu.vector_load %arg4[%get3A_185] {strides = array<i32>} : memref<10000xi32, #tpu.memory_space<vmem>>, vector<16xi32>,
        %get3A_187 = vector.shape_cast %get3A_186 : vector<16xi32> to vector<16xi32>
        %swap3A_188 = arith.constant 48 : index
        %swap3A_189 = tpu.vector_load %arg5[%swap3A_188] {strides = array<i32>} : memref<80xi32, #tpu.memory_space<vmem>>, vector<16xi32>,
        %swap3A_190 = vector.shape_cast %swap3A_189 : vector<16xi32> to vector<16xi32>
        %swap3A_191 = vector.shape_cast %get3A_187 : vector<16xi32> to vector<16xi32>
        tpu.vector_store %arg5[%swap3A_188], %swap3A_191 {strides = array<i32>} : memref<80xi32, #tpu.memory_space<vmem>>, vector<16xi32>,
        %mul3A_192 = arith.constant 80 : i32
        %mul3A_193 = arith.muli %add3A_147, %mul3A_192 : i32
        %add3A_194 = arith.constant 64 : i32
        %add3A_195 = arith.addi %mul3A_193, %add3A_194 : i32
        %get3A_196 = arith.index_cast %add3A_195 : i32 to index
        %get3A_197 = tpu.vector_load %arg4[%get3A_196] {strides = array<i32>} : memref<10000xi32, #tpu.memory_space<vmem>>, vector<16xi32>,
        %get3A_198 = vector.shape_cast %get3A_197 : vector<16xi32> to vector<16xi32>
        %swap3A_199 = arith.constant 64 : index
        %swap3A_200 = tpu.vector_load %arg5[%swap3A_199] {strides = array<i32>} : memref<80xi32, #tpu.memory_space<vmem>>, vector<16xi32>,
        %swap3A_201 = vector.shape_cast %swap3A_200 : vector<16xi32> to vector<16xi32>
        %swap3A_202 = vector.shape_cast %get3A_198 : vector<16xi32> to vector<16xi32>
        tpu.vector_store %arg5[%swap3A_199], %swap3A_202 {strides = array<i32>} : memref<80xi32, #tpu.memory_space<vmem>>, vector<16xi32>,
        %dma_start3A_203 = arith.constant 0 : i32
        %dma_start3A_204 = arith.constant 0 : i32
        %dma_start3A_205 = tpu.memref_slice %arg9[%dma_start3A_203, %dma_start3A_204] : memref<10000x16xf32, #tpu.memory_space<vmem_shared>> -> memref<10000x16xf32, #tpu.memory_space<vmem_shared>>
        tpu.enqueue_indirect_dma source(%arg7 : memref<80x16xf32, #tpu.memory_space<vmem>>) target(%dma_start3A_205 : memref<10000x16xf32, #tpu.memory_space<vmem_shared>>) offsets(%arg5 : memref<80xi32, #tpu.memory_space<vmem>>) semaphore(%arg10 : memref<!tpu.dma_semaphore, #tpu.memory_space<semaphore_mem>>) {add = true}
      } else {
      }
      %dma_wait3A_143 = arith.constant 0 : i32
      %dma_wait3A_144 = arith.constant 0 : i32
      %dma_wait3A_145 = tpu.memref_slice %arg9[%dma_wait3A_143, %dma_wait3A_144] : memref<10000x16xf32, #tpu.memory_space<vmem_shared>> -> memref<10000x16xf32, #tpu.memory_space<vmem_shared>>
      tpu.wait_indirect_dma semaphore(%arg11 : memref<!tpu.dma_semaphore, #tpu.memory_space<semaphore_mem>>) src(%arg7 : memref<80x16xf32, #tpu.memory_space<vmem>>) dst(%dma_wait3A_145 : memref<10000x16xf32, #tpu.memory_space<vmem_shared>>)
    }
    %scan3A_63 = arith.constant 62 : i32
    %dma_wait3A = arith.constant 0 : i32
    %dma_wait3A_64 = arith.constant 0 : i32
    %dma_wait3A_65 = tpu.memref_slice %arg9[%dma_wait3A, %dma_wait3A_64] : memref<10000x16xf32, #tpu.memory_space<vmem_shared>> -> memref<10000x16xf32, #tpu.memory_space<vmem_shared>>
    tpu.wait_indirect_dma semaphore(%arg10 : memref<!tpu.dma_semaphore, #tpu.memory_space<semaphore_mem>>) src(%arg7 : memref<80x16xf32, #tpu.memory_space<vmem>>) dst(%dma_wait3A_65 : memref<10000x16xf32, #tpu.memory_space<vmem_shared>>)
    %barrier3A_66 = arith.constant 0 : index
    tpu.barrier barrier_id(%barrier3A_66)
    %scan3A_67 = arith.constant 0 : i32
    %scan3A_68 = arith.constant 0 : i32
    %scan3A_69 = arith.constant 4 : i32
    %scan3A_70 = arith.addi %scan3A_68, %scan3A_69 : i32
    %scan3A_71 = arith.constant 1 : i32
    scf.for %scan3A_73 = %scan3A_68 to %scan3A_70 step %scan3A_71  : i32 {
      %mul3A_74 = arith.constant 16 : i32
      %mul3A_75 = arith.muli %scan3A_73, %mul3A_74 : i32
      %add3A_76 = arith.addi %arg1, %mul3A_75 : i32
      %lt3A = arith.constant 50 : i32
      %lt3A_77 = arith.cmpi slt, %add3A_76, %lt3A : i32
      %convert_element_type3A = arith.extui %lt3A_77 : i1 to i32
      %cond3A = arith.constant 0 : i32
      %cond3A_78 = arith.cmpi ne, %convert_element_type3A, %cond3A : i32
      scf.if %cond3A_78 {
        %mul3A_79 = arith.constant 200 : i32
        %mul3A_80 = arith.muli %add3A_76, %mul3A_79 : i32
        "tpu.region"() ({
          %run_scoped3A = tpu.sem_alloc : memref<!tpu.dma_semaphore, #tpu.memory_space<semaphore_mem>>
          %dma_start3A_81 = arith.constant 0 : i32
          %dma_start3A_82 = tpu.memref_slice %arg3[%arg0, %mul3A_80, %dma_start3A_81] : memref<2x10000x16xf32, #tpu.memory_space<hbm>> -> memref<1x200x16xf32, #tpu.memory_space<hbm>>
          %dma_start3A_83 = tpu.memref_squeeze %dma_start3A_82 : memref<1x200x16xf32, #tpu.memory_space<hbm>> -> memref<200x16xf32, #tpu.memory_space<hbm>>
          %dma_start3A_84 = arith.constant 0 : i32
          %dma_start3A_85 = tpu.memref_slice %arg9[%mul3A_80, %dma_start3A_84] : memref<10000x16xf32, #tpu.memory_space<vmem_shared>> -> memref<200x16xf32, #tpu.memory_space<vmem_shared>>
          tpu.enqueue_dma source(%dma_start3A_85 : memref<200x16xf32, #tpu.memory_space<vmem_shared>>) target(%dma_start3A_83 : memref<200x16xf32, #tpu.memory_space<hbm>>) target_semaphore(%run_scoped3A : memref<!tpu.dma_semaphore, #tpu.memory_space<semaphore_mem>>)
          %dma_wait3A_86 = arith.constant 0 : i32
          %dma_wait3A_87 = tpu.memref_slice %arg3[%arg0, %mul3A_80, %dma_wait3A_86] : memref<2x10000x16xf32, #tpu.memory_space<hbm>> -> memref<1x200x16xf32, #tpu.memory_space<hbm>>
          %dma_wait3A_88 = tpu.memref_squeeze %dma_wait3A_87 : memref<1x200x16xf32, #tpu.memory_space<hbm>> -> memref<200x16xf32, #tpu.memory_space<hbm>>
          %dma_wait3A_89 = arith.constant 0 : i32
          %dma_wait3A_90 = tpu.memref_slice %arg9[%mul3A_80, %dma_wait3A_89] : memref<10000x16xf32, #tpu.memory_space<vmem_shared>> -> memref<200x16xf32, #tpu.memory_space<vmem_shared>>
          tpu.wait_dma2 semaphore(%run_scoped3A : memref<!tpu.dma_semaphore, #tpu.memory_space<semaphore_mem>>) src(%dma_wait3A_90 : memref<200x16xf32, #tpu.memory_space<vmem_shared>>) dst(%dma_wait3A_88 : memref<200x16xf32, #tpu.memory_space<hbm>>)
          tpu.yield
        }) : () -> ()
      } else {
      }
    }
    %scan3A_72 = arith.constant 4 : i32
    return
  }
}

#map = affine_map<(d0, d1) -> (0, 0)>
#map1 = affine_map<(d0, d1) -> (0)>
#map2 = affine_map<(d0, d1) -> (0, 0, 0)>
module attributes {stable_mosaic.version = 14 : i64} {
  func.func @k(%arg0: i32, %arg1: i32, %arg2: memref<10000x128xf32, #tpu.memory_space<hbm>>, %arg3: memref<320000xi32, #tpu.memory_space<hbm>>, %arg4: memref<320000xi32, #tpu.memory_space<hbm>>, %arg5: memref<2x10000x128xf32, #tpu.memory_space<hbm>>, %arg6: memref<10000xi32, #tpu.memory_space<vmem>>, %arg7: memref<80xi32, #tpu.memory_space<vmem>>, %arg8: memref<80xi32, #tpu.memory_space<vmem>>, %arg9: memref<80xi32, #tpu.memory_space<vmem>>, %arg10: memref<80x128xf32, #tpu.memory_space<vmem>>, %arg11: memref<80x128xf32, #tpu.memory_space<vmem>>, %arg12: memref<80x128xf32, #tpu.memory_space<vmem>>, %arg13: memref<10000x128xf32, #tpu.memory_space<vmem_shared>>, %arg14: memref<!tpu.dma_semaphore, #tpu.memory_space<semaphore_mem>>, %arg15: memref<!tpu.dma_semaphore, #tpu.memory_space<semaphore_mem>>, %arg16: memref<!tpu.dma_semaphore, #tpu.memory_space<semaphore_mem>>, %arg17: memref<!tpu.dma_semaphore, #tpu.memory_space<semaphore_mem>>, %arg18: memref<!tpu.dma_semaphore, #tpu.memory_space<semaphore_mem>>, %arg19: memref<!tpu.dma_semaphore, #tpu.memory_space<semaphore_mem>>, %arg20: memref<!tpu.dma_semaphore, #tpu.memory_space<semaphore_mem>>, %arg21: memref<!tpu.dma_semaphore, #tpu.memory_space<semaphore_mem>>, %arg22: memref<!tpu.dma_semaphore, #tpu.memory_space<semaphore_mem>>) attributes {dimension_semantics = [#tpu.dimension_semantics<core_parallel>, #tpu.dimension_semantics<subcore_parallel>], iteration_bounds = array<i64: 2, 16>, scalar_prefetch = 0 : i64, scratch_operands = 17 : i64, tpu.core_type = #tpu.core_type<sc_vector_subcore>, window_params = [{transform_indices = #map}, {transform_indices = #map1}, {transform_indices = #map1}, {transform_indices = #map2}]} {
    %mul3A = arith.constant 16 : i32
    %mul3A_0 = arith.muli %arg0, %mul3A : i32
    %add3A = arith.addi %mul3A_0, %arg1 : i32
    %broadcast_in_dim3A = arith.constant 0.000000e+00 : f32
    %broadcast_in_dim3A_1 = vector.broadcast %broadcast_in_dim3A : f32 to vector<16xf32>
    %scan3A = arith.constant 0 : i32
    %scan3A_2 = arith.constant 0 : i32
    %scan3A_3 = arith.constant 80 : i32
    %scan3A_4 = arith.addi %scan3A_2, %scan3A_3 : i32
    %scan3A_5 = arith.constant 1 : i32
    scf.for %scan3A_172 = %scan3A_2 to %scan3A_4 step %scan3A_5  : i32 {
      %swap3A = arith.index_cast %scan3A_172 : i32 to index
      %swap3A_173 = arith.constant 0 : index
      %swap3A_174 = tpu.vector_load %arg10[%swap3A, %swap3A_173] {strides = array<i32>} : memref<80x128xf32, #tpu.memory_space<vmem>>, vector<1x16xf32>,
      %swap3A_175 = vector.shape_cast %swap3A_174 : vector<1x16xf32> to vector<16xf32>
      %swap3A_176 = vector.shape_cast %broadcast_in_dim3A_1 : vector<16xf32> to vector<1x16xf32>
      tpu.vector_store %arg10[%swap3A, %swap3A_173], %swap3A_176 {strides = array<i32>} : memref<80x128xf32, #tpu.memory_space<vmem>>, vector<1x16xf32>,
      %swap3A_177 = arith.index_cast %scan3A_172 : i32 to index
      %swap3A_178 = arith.constant 16 : index
      %swap3A_179 = tpu.vector_load %arg10[%swap3A_177, %swap3A_178] {strides = array<i32>} : memref<80x128xf32, #tpu.memory_space<vmem>>, vector<1x16xf32>,
      %swap3A_180 = vector.shape_cast %swap3A_179 : vector<1x16xf32> to vector<16xf32>
      %swap3A_181 = vector.shape_cast %broadcast_in_dim3A_1 : vector<16xf32> to vector<1x16xf32>
      tpu.vector_store %arg10[%swap3A_177, %swap3A_178], %swap3A_181 {strides = array<i32>} : memref<80x128xf32, #tpu.memory_space<vmem>>, vector<1x16xf32>,
      %swap3A_182 = arith.index_cast %scan3A_172 : i32 to index
      %swap3A_183 = arith.constant 32 : index
      %swap3A_184 = tpu.vector_load %arg10[%swap3A_182, %swap3A_183] {strides = array<i32>} : memref<80x128xf32, #tpu.memory_space<vmem>>, vector<1x16xf32>,
      %swap3A_185 = vector.shape_cast %swap3A_184 : vector<1x16xf32> to vector<16xf32>
      %swap3A_186 = vector.shape_cast %broadcast_in_dim3A_1 : vector<16xf32> to vector<1x16xf32>
      tpu.vector_store %arg10[%swap3A_182, %swap3A_183], %swap3A_186 {strides = array<i32>} : memref<80x128xf32, #tpu.memory_space<vmem>>, vector<1x16xf32>,
      %swap3A_187 = arith.index_cast %scan3A_172 : i32 to index
      %swap3A_188 = arith.constant 48 : index
      %swap3A_189 = tpu.vector_load %arg10[%swap3A_187, %swap3A_188] {strides = array<i32>} : memref<80x128xf32, #tpu.memory_space<vmem>>, vector<1x16xf32>,
      %swap3A_190 = vector.shape_cast %swap3A_189 : vector<1x16xf32> to vector<16xf32>
      %swap3A_191 = vector.shape_cast %broadcast_in_dim3A_1 : vector<16xf32> to vector<1x16xf32>
      tpu.vector_store %arg10[%swap3A_187, %swap3A_188], %swap3A_191 {strides = array<i32>} : memref<80x128xf32, #tpu.memory_space<vmem>>, vector<1x16xf32>,
      %swap3A_192 = arith.index_cast %scan3A_172 : i32 to index
      %swap3A_193 = arith.constant 64 : index
      %swap3A_194 = tpu.vector_load %arg10[%swap3A_192, %swap3A_193] {strides = array<i32>} : memref<80x128xf32, #tpu.memory_space<vmem>>, vector<1x16xf32>,
      %swap3A_195 = vector.shape_cast %swap3A_194 : vector<1x16xf32> to vector<16xf32>
      %swap3A_196 = vector.shape_cast %broadcast_in_dim3A_1 : vector<16xf32> to vector<1x16xf32>
      tpu.vector_store %arg10[%swap3A_192, %swap3A_193], %swap3A_196 {strides = array<i32>} : memref<80x128xf32, #tpu.memory_space<vmem>>, vector<1x16xf32>,
      %swap3A_197 = arith.index_cast %scan3A_172 : i32 to index
      %swap3A_198 = arith.constant 80 : index
      %swap3A_199 = tpu.vector_load %arg10[%swap3A_197, %swap3A_198] {strides = array<i32>} : memref<80x128xf32, #tpu.memory_space<vmem>>, vector<1x16xf32>,
      %swap3A_200 = vector.shape_cast %swap3A_199 : vector<1x16xf32> to vector<16xf32>
      %swap3A_201 = vector.shape_cast %broadcast_in_dim3A_1 : vector<16xf32> to vector<1x16xf32>
      tpu.vector_store %arg10[%swap3A_197, %swap3A_198], %swap3A_201 {strides = array<i32>} : memref<80x128xf32, #tpu.memory_space<vmem>>, vector<1x16xf32>,
      %swap3A_202 = arith.index_cast %scan3A_172 : i32 to index
      %swap3A_203 = arith.constant 96 : index
      %swap3A_204 = tpu.vector_load %arg10[%swap3A_202, %swap3A_203] {strides = array<i32>} : memref<80x128xf32, #tpu.memory_space<vmem>>, vector<1x16xf32>,
      %swap3A_205 = vector.shape_cast %swap3A_204 : vector<1x16xf32> to vector<16xf32>
      %swap3A_206 = vector.shape_cast %broadcast_in_dim3A_1 : vector<16xf32> to vector<1x16xf32>
      tpu.vector_store %arg10[%swap3A_202, %swap3A_203], %swap3A_206 {strides = array<i32>} : memref<80x128xf32, #tpu.memory_space<vmem>>, vector<1x16xf32>,
      %swap3A_207 = arith.index_cast %scan3A_172 : i32 to index
      %swap3A_208 = arith.constant 112 : index
      %swap3A_209 = tpu.vector_load %arg10[%swap3A_207, %swap3A_208] {strides = array<i32>} : memref<80x128xf32, #tpu.memory_space<vmem>>, vector<1x16xf32>,
      %swap3A_210 = vector.shape_cast %swap3A_209 : vector<1x16xf32> to vector<16xf32>
      %swap3A_211 = vector.shape_cast %broadcast_in_dim3A_1 : vector<16xf32> to vector<1x16xf32>
      tpu.vector_store %arg10[%swap3A_207, %swap3A_208], %swap3A_211 {strides = array<i32>} : memref<80x128xf32, #tpu.memory_space<vmem>>, vector<1x16xf32>,
    }
    %scan3A_6 = arith.constant 80 : i32
    %scan3A_7 = arith.constant 0 : i32
    %scan3A_8 = arith.constant 0 : i32
    %scan3A_9 = arith.constant 8 : i32
    %scan3A_10 = arith.addi %scan3A_8, %scan3A_9 : i32
    %scan3A_11 = arith.constant 1 : i32
    scf.for %scan3A_172 = %scan3A_8 to %scan3A_10 step %scan3A_11  : i32 {
      %mul3A_173 = arith.constant 16 : i32
      %mul3A_174 = arith.muli %scan3A_172, %mul3A_173 : i32
      %add3A_175 = arith.addi %arg1, %mul3A_174 : i32
      %lt3A = arith.constant 125 : i32
      %lt3A_176 = arith.cmpi slt, %add3A_175, %lt3A : i32
      %convert_element_type3A = arith.extui %lt3A_176 : i1 to i32
      %cond3A = arith.constant 0 : i32
      %cond3A_177 = arith.cmpi ne, %convert_element_type3A, %cond3A : i32
      scf.if %cond3A_177 {
        %mul3A_178 = arith.constant 80 : i32
        %mul3A_179 = arith.muli %add3A_175, %mul3A_178 : i32
        %dma_start3A_180 = arith.constant 0 : i32
        %dma_start3A_181 = tpu.memref_slice %arg13[%mul3A_179, %dma_start3A_180] : memref<10000x128xf32, #tpu.memory_space<vmem_shared>> -> memref<80x128xf32, #tpu.memory_space<vmem_shared>>
        %dma_start3A_182 = arith.constant 0 : i32
        %dma_start3A_183 = tpu.memref_slice %arg13[%mul3A_179, %dma_start3A_182] : memref<10000x128xf32, #tpu.memory_space<vmem_shared>> -> memref<80x128xf32, #tpu.memory_space<vmem_shared>>
        tpu.enqueue_dma source(%arg10 : memref<80x128xf32, #tpu.memory_space<vmem>>) target(%dma_start3A_183 : memref<80x128xf32, #tpu.memory_space<vmem_shared>>) target_semaphore(%arg20 : memref<!tpu.dma_semaphore, #tpu.memory_space<semaphore_mem>>)
      } else {
      }
    }
    %scan3A_12 = arith.constant 8 : i32
    %mul3A_13 = arith.constant 10000 : i32
    %mul3A_14 = arith.muli %add3A, %mul3A_13 : i32
    "tpu.region"() ({
      %run_scoped3A = tpu.sem_alloc : memref<!tpu.dma_semaphore, #tpu.memory_space<semaphore_mem>>
      %dma_start3A_172 = tpu.memref_slice %arg3[%mul3A_14] : memref<320000xi32, #tpu.memory_space<hbm>> -> memref<10000xi32, #tpu.memory_space<hbm>>
      %dma_start3A_173 = tpu.memref_slice %arg3[%mul3A_14] : memref<320000xi32, #tpu.memory_space<hbm>> -> memref<10000xi32, #tpu.memory_space<hbm>>
      tpu.enqueue_dma source(%dma_start3A_173 : memref<10000xi32, #tpu.memory_space<hbm>>) target(%arg6 : memref<10000xi32, #tpu.memory_space<vmem>>) target_semaphore(%run_scoped3A : memref<!tpu.dma_semaphore, #tpu.memory_space<semaphore_mem>>)
      %dma_wait3A_174 = tpu.memref_slice %arg3[%mul3A_14] : memref<320000xi32, #tpu.memory_space<hbm>> -> memref<10000xi32, #tpu.memory_space<hbm>>
      %dma_wait3A_175 = tpu.memref_slice %arg3[%mul3A_14] : memref<320000xi32, #tpu.memory_space<hbm>> -> memref<10000xi32, #tpu.memory_space<hbm>>
      tpu.wait_dma2 semaphore(%run_scoped3A : memref<!tpu.dma_semaphore, #tpu.memory_space<semaphore_mem>>) src(%dma_wait3A_175 : memref<10000xi32, #tpu.memory_space<hbm>>) dst(%arg6 : memref<10000xi32, #tpu.memory_space<vmem>>)
      tpu.yield
    }) : () -> ()
    %scan3A_15 = arith.constant 0 : i32
    %scan3A_16 = arith.constant 0 : i32
    %scan3A_17 = arith.constant 8 : i32
    %scan3A_18 = arith.addi %scan3A_16, %scan3A_17 : i32
    %scan3A_19 = arith.constant 1 : i32
    scf.for %scan3A_172 = %scan3A_16 to %scan3A_18 step %scan3A_19  : i32 {
      %mul3A_173 = arith.constant 16 : i32
      %mul3A_174 = arith.muli %scan3A_172, %mul3A_173 : i32
      %add3A_175 = arith.addi %arg1, %mul3A_174 : i32
      %lt3A = arith.constant 125 : i32
      %lt3A_176 = arith.cmpi slt, %add3A_175, %lt3A : i32
      %convert_element_type3A = arith.extui %lt3A_176 : i1 to i32
      %cond3A = arith.constant 0 : i32
      %cond3A_177 = arith.cmpi ne, %convert_element_type3A, %cond3A : i32
      scf.if %cond3A_177 {
        %mul3A_178 = arith.constant 80 : i32
        %mul3A_179 = arith.muli %add3A_175, %mul3A_178 : i32
        %dma_wait3A_180 = arith.constant 0 : i32
        %dma_wait3A_181 = tpu.memref_slice %arg13[%mul3A_179, %dma_wait3A_180] : memref<10000x128xf32, #tpu.memory_space<vmem_shared>> -> memref<80x128xf32, #tpu.memory_space<vmem_shared>>
        %dma_wait3A_182 = arith.constant 0 : i32
        %dma_wait3A_183 = tpu.memref_slice %arg13[%mul3A_179, %dma_wait3A_182] : memref<10000x128xf32, #tpu.memory_space<vmem_shared>> -> memref<80x128xf32, #tpu.memory_space<vmem_shared>>
        tpu.wait_dma2 semaphore(%arg20 : memref<!tpu.dma_semaphore, #tpu.memory_space<semaphore_mem>>) src(%arg10 : memref<80x128xf32, #tpu.memory_space<vmem>>) dst(%dma_wait3A_183 : memref<80x128xf32, #tpu.memory_space<vmem_shared>>)
      } else {
      }
    }
    %scan3A_20 = arith.constant 8 : i32
    %barrier3A = arith.constant 0 : index
    tpu.barrier barrier_id(%barrier3A)
    %mul3A_21 = arith.constant 10000 : i32
    %mul3A_22 = arith.muli %add3A, %mul3A_21 : i32
    %add3A_23 = arith.constant 0 : i32
    %add3A_24 = arith.addi %mul3A_22, %add3A_23 : i32
    %dma_start3A = tpu.memref_slice %arg4[%add3A_24] : memref<320000xi32, #tpu.memory_space<hbm>> -> memref<80xi32, #tpu.memory_space<hbm>>
    %dma_start3A_25 = tpu.memref_slice %arg4[%add3A_24] : memref<320000xi32, #tpu.memory_space<hbm>> -> memref<80xi32, #tpu.memory_space<hbm>>
    tpu.enqueue_dma source(%dma_start3A_25 : memref<80xi32, #tpu.memory_space<hbm>>) target(%arg7 : memref<80xi32, #tpu.memory_space<vmem>>) target_semaphore(%arg17 : memref<!tpu.dma_semaphore, #tpu.memory_space<semaphore_mem>>)
    %dma_start3A_26 = arith.constant 0 : i32
    %dma_start3A_27 = tpu.memref_slice %arg6[%dma_start3A_26] : memref<10000xi32, #tpu.memory_space<vmem>> -> memref<80xi32, #tpu.memory_space<vmem>>
    %dma_start3A_28 = arith.constant 0 : i32
    %dma_start3A_29 = arith.constant 0 : i32
    %dma_start3A_30 = tpu.memref_slice %arg2[%dma_start3A_28, %dma_start3A_29] : memref<10000x128xf32, #tpu.memory_space<hbm>> -> memref<10000x128xf32, #tpu.memory_space<hbm>>
    tpu.enqueue_indirect_dma source(%dma_start3A_30 : memref<10000x128xf32, #tpu.memory_space<hbm>>) target(%arg10 : memref<80x128xf32, #tpu.memory_space<vmem>>) offsets(%dma_start3A_27 : memref<80xi32, #tpu.memory_space<vmem>>) semaphore(%arg14 : memref<!tpu.dma_semaphore, #tpu.memory_space<semaphore_mem>>)
    %mul3A_31 = arith.constant 10000 : i32
    %mul3A_32 = arith.muli %add3A, %mul3A_31 : i32
    %add3A_33 = arith.constant 80 : i32
    %add3A_34 = arith.addi %mul3A_32, %add3A_33 : i32
    %dma_start3A_35 = tpu.memref_slice %arg4[%add3A_34] : memref<320000xi32, #tpu.memory_space<hbm>> -> memref<80xi32, #tpu.memory_space<hbm>>
    %dma_start3A_36 = tpu.memref_slice %arg4[%add3A_34] : memref<320000xi32, #tpu.memory_space<hbm>> -> memref<80xi32, #tpu.memory_space<hbm>>
    tpu.enqueue_dma source(%dma_start3A_36 : memref<80xi32, #tpu.memory_space<hbm>>) target(%arg8 : memref<80xi32, #tpu.memory_space<vmem>>) target_semaphore(%arg18 : memref<!tpu.dma_semaphore, #tpu.memory_space<semaphore_mem>>)
    %dma_start3A_37 = arith.constant 80 : i32
    %dma_start3A_38 = tpu.memref_slice %arg6[%dma_start3A_37] : memref<10000xi32, #tpu.memory_space<vmem>> -> memref<80xi32, #tpu.memory_space<vmem>>
    %dma_start3A_39 = arith.constant 0 : i32
    %dma_start3A_40 = arith.constant 0 : i32
    %dma_start3A_41 = tpu.memref_slice %arg2[%dma_start3A_39, %dma_start3A_40] : memref<10000x128xf32, #tpu.memory_space<hbm>> -> memref<10000x128xf32, #tpu.memory_space<hbm>>
    tpu.enqueue_indirect_dma source(%dma_start3A_41 : memref<10000x128xf32, #tpu.memory_space<hbm>>) target(%arg11 : memref<80x128xf32, #tpu.memory_space<vmem>>) offsets(%dma_start3A_38 : memref<80xi32, #tpu.memory_space<vmem>>) semaphore(%arg15 : memref<!tpu.dma_semaphore, #tpu.memory_space<semaphore_mem>>)
    %dma_wait3A = arith.constant 0 : i32
    %dma_wait3A_42 = tpu.memref_slice %arg6[%dma_wait3A] : memref<10000xi32, #tpu.memory_space<vmem>> -> memref<80xi32, #tpu.memory_space<vmem>>
    %dma_wait3A_43 = arith.constant 0 : i32
    %dma_wait3A_44 = arith.constant 0 : i32
    %dma_wait3A_45 = tpu.memref_slice %arg2[%dma_wait3A_43, %dma_wait3A_44] : memref<10000x128xf32, #tpu.memory_space<hbm>> -> memref<10000x128xf32, #tpu.memory_space<hbm>>
    tpu.wait_indirect_dma semaphore(%arg14 : memref<!tpu.dma_semaphore, #tpu.memory_space<semaphore_mem>>) src(%dma_wait3A_45 : memref<10000x128xf32, #tpu.memory_space<hbm>>) dst(%arg10 : memref<80x128xf32, #tpu.memory_space<vmem>>)
    %mul3A_46 = arith.constant 10000 : i32
    %mul3A_47 = arith.muli %add3A, %mul3A_46 : i32
    %add3A_48 = arith.constant 0 : i32
    %add3A_49 = arith.addi %mul3A_47, %add3A_48 : i32
    %dma_wait3A_50 = tpu.memref_slice %arg4[%add3A_49] : memref<320000xi32, #tpu.memory_space<hbm>> -> memref<80xi32, #tpu.memory_space<hbm>>
    %dma_wait3A_51 = tpu.memref_slice %arg4[%add3A_49] : memref<320000xi32, #tpu.memory_space<hbm>> -> memref<80xi32, #tpu.memory_space<hbm>>
    tpu.wait_dma2 semaphore(%arg17 : memref<!tpu.dma_semaphore, #tpu.memory_space<semaphore_mem>>) src(%dma_wait3A_51 : memref<80xi32, #tpu.memory_space<hbm>>) dst(%arg7 : memref<80xi32, #tpu.memory_space<vmem>>)
    %dma_start3A_52 = arith.constant 0 : i32
    %dma_start3A_53 = arith.constant 0 : i32
    %dma_start3A_54 = tpu.memref_slice %arg13[%dma_start3A_52, %dma_start3A_53] : memref<10000x128xf32, #tpu.memory_space<vmem_shared>> -> memref<10000x128xf32, #tpu.memory_space<vmem_shared>>
    tpu.enqueue_indirect_dma source(%arg10 : memref<80x128xf32, #tpu.memory_space<vmem>>) target(%dma_start3A_54 : memref<10000x128xf32, #tpu.memory_space<vmem_shared>>) offsets(%arg7 : memref<80xi32, #tpu.memory_space<vmem>>) semaphore(%arg20 : memref<!tpu.dma_semaphore, #tpu.memory_space<semaphore_mem>>) {add = true}
    %mul3A_55 = arith.constant 10000 : i32
    %mul3A_56 = arith.muli %add3A, %mul3A_55 : i32
    %add3A_57 = arith.constant 160 : i32
    %add3A_58 = arith.addi %mul3A_56, %add3A_57 : i32
    %dma_start3A_59 = tpu.memref_slice %arg4[%add3A_58] : memref<320000xi32, #tpu.memory_space<hbm>> -> memref<80xi32, #tpu.memory_space<hbm>>
    %dma_start3A_60 = tpu.memref_slice %arg4[%add3A_58] : memref<320000xi32, #tpu.memory_space<hbm>> -> memref<80xi32, #tpu.memory_space<hbm>>
    tpu.enqueue_dma source(%dma_start3A_60 : memref<80xi32, #tpu.memory_space<hbm>>) target(%arg9 : memref<80xi32, #tpu.memory_space<vmem>>) target_semaphore(%arg19 : memref<!tpu.dma_semaphore, #tpu.memory_space<semaphore_mem>>)
    %dma_start3A_61 = arith.constant 160 : i32
    %dma_start3A_62 = tpu.memref_slice %arg6[%dma_start3A_61] : memref<10000xi32, #tpu.memory_space<vmem>> -> memref<80xi32, #tpu.memory_space<vmem>>
    %dma_start3A_63 = arith.constant 0 : i32
    %dma_start3A_64 = arith.constant 0 : i32
    %dma_start3A_65 = tpu.memref_slice %arg2[%dma_start3A_63, %dma_start3A_64] : memref<10000x128xf32, #tpu.memory_space<hbm>> -> memref<10000x128xf32, #tpu.memory_space<hbm>>
    tpu.enqueue_indirect_dma source(%dma_start3A_65 : memref<10000x128xf32, #tpu.memory_space<hbm>>) target(%arg12 : memref<80x128xf32, #tpu.memory_space<vmem>>) offsets(%dma_start3A_62 : memref<80xi32, #tpu.memory_space<vmem>>) semaphore(%arg16 : memref<!tpu.dma_semaphore, #tpu.memory_space<semaphore_mem>>)
    %dma_wait3A_66 = arith.constant 80 : i32
    %dma_wait3A_67 = tpu.memref_slice %arg6[%dma_wait3A_66] : memref<10000xi32, #tpu.memory_space<vmem>> -> memref<80xi32, #tpu.memory_space<vmem>>
    %dma_wait3A_68 = arith.constant 0 : i32
    %dma_wait3A_69 = arith.constant 0 : i32
    %dma_wait3A_70 = tpu.memref_slice %arg2[%dma_wait3A_68, %dma_wait3A_69] : memref<10000x128xf32, #tpu.memory_space<hbm>> -> memref<10000x128xf32, #tpu.memory_space<hbm>>
    tpu.wait_indirect_dma semaphore(%arg15 : memref<!tpu.dma_semaphore, #tpu.memory_space<semaphore_mem>>) src(%dma_wait3A_70 : memref<10000x128xf32, #tpu.memory_space<hbm>>) dst(%arg11 : memref<80x128xf32, #tpu.memory_space<vmem>>)
    %mul3A_71 = arith.constant 10000 : i32
    %mul3A_72 = arith.muli %add3A, %mul3A_71 : i32
    %add3A_73 = arith.constant 80 : i32
    %add3A_74 = arith.addi %mul3A_72, %add3A_73 : i32
    %dma_wait3A_75 = tpu.memref_slice %arg4[%add3A_74] : memref<320000xi32, #tpu.memory_space<hbm>> -> memref<80xi32, #tpu.memory_space<hbm>>
    %dma_wait3A_76 = tpu.memref_slice %arg4[%add3A_74] : memref<320000xi32, #tpu.memory_space<hbm>> -> memref<80xi32, #tpu.memory_space<hbm>>
    tpu.wait_dma2 semaphore(%arg18 : memref<!tpu.dma_semaphore, #tpu.memory_space<semaphore_mem>>) src(%dma_wait3A_76 : memref<80xi32, #tpu.memory_space<hbm>>) dst(%arg8 : memref<80xi32, #tpu.memory_space<vmem>>)
    %dma_start3A_77 = arith.constant 0 : i32
    %dma_start3A_78 = arith.constant 0 : i32
    %dma_start3A_79 = tpu.memref_slice %arg13[%dma_start3A_77, %dma_start3A_78] : memref<10000x128xf32, #tpu.memory_space<vmem_shared>> -> memref<10000x128xf32, #tpu.memory_space<vmem_shared>>
    tpu.enqueue_indirect_dma source(%arg11 : memref<80x128xf32, #tpu.memory_space<vmem>>) target(%dma_start3A_79 : memref<10000x128xf32, #tpu.memory_space<vmem_shared>>) offsets(%arg8 : memref<80xi32, #tpu.memory_space<vmem>>) semaphore(%arg21 : memref<!tpu.dma_semaphore, #tpu.memory_space<semaphore_mem>>) {add = true}
    %dma_wait3A_80 = arith.constant 0 : i32
    %dma_wait3A_81 = arith.constant 0 : i32
    %dma_wait3A_82 = tpu.memref_slice %arg13[%dma_wait3A_80, %dma_wait3A_81] : memref<10000x128xf32, #tpu.memory_space<vmem_shared>> -> memref<10000x128xf32, #tpu.memory_space<vmem_shared>>
    tpu.wait_indirect_dma semaphore(%arg20 : memref<!tpu.dma_semaphore, #tpu.memory_space<semaphore_mem>>) src(%arg10 : memref<80x128xf32, #tpu.memory_space<vmem>>) dst(%dma_wait3A_82 : memref<10000x128xf32, #tpu.memory_space<vmem_shared>>)
    %mul3A_83 = arith.constant 10000 : i32
    %mul3A_84 = arith.muli %add3A, %mul3A_83 : i32
    %add3A_85 = arith.constant 240 : i32
    %add3A_86 = arith.addi %mul3A_84, %add3A_85 : i32
    %dma_start3A_87 = tpu.memref_slice %arg4[%add3A_86] : memref<320000xi32, #tpu.memory_space<hbm>> -> memref<80xi32, #tpu.memory_space<hbm>>
    %dma_start3A_88 = tpu.memref_slice %arg4[%add3A_86] : memref<320000xi32, #tpu.memory_space<hbm>> -> memref<80xi32, #tpu.memory_space<hbm>>
    tpu.enqueue_dma source(%dma_start3A_88 : memref<80xi32, #tpu.memory_space<hbm>>) target(%arg7 : memref<80xi32, #tpu.memory_space<vmem>>) target_semaphore(%arg17 : memref<!tpu.dma_semaphore, #tpu.memory_space<semaphore_mem>>)
    %dma_start3A_89 = arith.constant 240 : i32
    %dma_start3A_90 = tpu.memref_slice %arg6[%dma_start3A_89] : memref<10000xi32, #tpu.memory_space<vmem>> -> memref<80xi32, #tpu.memory_space<vmem>>
    %dma_start3A_91 = arith.constant 0 : i32
    %dma_start3A_92 = arith.constant 0 : i32
    %dma_start3A_93 = tpu.memref_slice %arg2[%dma_start3A_91, %dma_start3A_92] : memref<10000x128xf32, #tpu.memory_space<hbm>> -> memref<10000x128xf32, #tpu.memory_space<hbm>>
    tpu.enqueue_indirect_dma source(%dma_start3A_93 : memref<10000x128xf32, #tpu.memory_space<hbm>>) target(%arg10 : memref<80x128xf32, #tpu.memory_space<vmem>>) offsets(%dma_start3A_90 : memref<80xi32, #tpu.memory_space<vmem>>) semaphore(%arg14 : memref<!tpu.dma_semaphore, #tpu.memory_space<semaphore_mem>>)
    %dma_wait3A_94 = arith.constant 160 : i32
    %dma_wait3A_95 = tpu.memref_slice %arg6[%dma_wait3A_94] : memref<10000xi32, #tpu.memory_space<vmem>> -> memref<80xi32, #tpu.memory_space<vmem>>
    %dma_wait3A_96 = arith.constant 0 : i32
    %dma_wait3A_97 = arith.constant 0 : i32
    %dma_wait3A_98 = tpu.memref_slice %arg2[%dma_wait3A_96, %dma_wait3A_97] : memref<10000x128xf32, #tpu.memory_space<hbm>> -> memref<10000x128xf32, #tpu.memory_space<hbm>>
    tpu.wait_indirect_dma semaphore(%arg16 : memref<!tpu.dma_semaphore, #tpu.memory_space<semaphore_mem>>) src(%dma_wait3A_98 : memref<10000x128xf32, #tpu.memory_space<hbm>>) dst(%arg12 : memref<80x128xf32, #tpu.memory_space<vmem>>)
    %mul3A_99 = arith.constant 10000 : i32
    %mul3A_100 = arith.muli %add3A, %mul3A_99 : i32
    %add3A_101 = arith.constant 160 : i32
    %add3A_102 = arith.addi %mul3A_100, %add3A_101 : i32
    %dma_wait3A_103 = tpu.memref_slice %arg4[%add3A_102] : memref<320000xi32, #tpu.memory_space<hbm>> -> memref<80xi32, #tpu.memory_space<hbm>>
    %dma_wait3A_104 = tpu.memref_slice %arg4[%add3A_102] : memref<320000xi32, #tpu.memory_space<hbm>> -> memref<80xi32, #tpu.memory_space<hbm>>
    tpu.wait_dma2 semaphore(%arg19 : memref<!tpu.dma_semaphore, #tpu.memory_space<semaphore_mem>>) src(%dma_wait3A_104 : memref<80xi32, #tpu.memory_space<hbm>>) dst(%arg9 : memref<80xi32, #tpu.memory_space<vmem>>)
    %dma_start3A_105 = arith.constant 0 : i32
    %dma_start3A_106 = arith.constant 0 : i32
    %dma_start3A_107 = tpu.memref_slice %arg13[%dma_start3A_105, %dma_start3A_106] : memref<10000x128xf32, #tpu.memory_space<vmem_shared>> -> memref<10000x128xf32, #tpu.memory_space<vmem_shared>>
    tpu.enqueue_indirect_dma source(%arg12 : memref<80x128xf32, #tpu.memory_space<vmem>>) target(%dma_start3A_107 : memref<10000x128xf32, #tpu.memory_space<vmem_shared>>) offsets(%arg9 : memref<80xi32, #tpu.memory_space<vmem>>) semaphore(%arg22 : memref<!tpu.dma_semaphore, #tpu.memory_space<semaphore_mem>>) {add = true}
    %dma_wait3A_108 = arith.constant 0 : i32
    %dma_wait3A_109 = arith.constant 0 : i32
    %dma_wait3A_110 = tpu.memref_slice %arg13[%dma_wait3A_108, %dma_wait3A_109] : memref<10000x128xf32, #tpu.memory_space<vmem_shared>> -> memref<10000x128xf32, #tpu.memory_space<vmem_shared>>
    tpu.wait_indirect_dma semaphore(%arg21 : memref<!tpu.dma_semaphore, #tpu.memory_space<semaphore_mem>>) src(%arg11 : memref<80x128xf32, #tpu.memory_space<vmem>>) dst(%dma_wait3A_110 : memref<10000x128xf32, #tpu.memory_space<vmem_shared>>)
    %mul3A_111 = arith.constant 10000 : i32
    %mul3A_112 = arith.muli %add3A, %mul3A_111 : i32
    %add3A_113 = arith.constant 320 : i32
    %add3A_114 = arith.addi %mul3A_112, %add3A_113 : i32
    %dma_start3A_115 = tpu.memref_slice %arg4[%add3A_114] : memref<320000xi32, #tpu.memory_space<hbm>> -> memref<80xi32, #tpu.memory_space<hbm>>
    %dma_start3A_116 = tpu.memref_slice %arg4[%add3A_114] : memref<320000xi32, #tpu.memory_space<hbm>> -> memref<80xi32, #tpu.memory_space<hbm>>
    tpu.enqueue_dma source(%dma_start3A_116 : memref<80xi32, #tpu.memory_space<hbm>>) target(%arg8 : memref<80xi32, #tpu.memory_space<vmem>>) target_semaphore(%arg18 : memref<!tpu.dma_semaphore, #tpu.memory_space<semaphore_mem>>)
    %dma_start3A_117 = arith.constant 320 : i32
    %dma_start3A_118 = tpu.memref_slice %arg6[%dma_start3A_117] : memref<10000xi32, #tpu.memory_space<vmem>> -> memref<80xi32, #tpu.memory_space<vmem>>
    %dma_start3A_119 = arith.constant 0 : i32
    %dma_start3A_120 = arith.constant 0 : i32
    %dma_start3A_121 = tpu.memref_slice %arg2[%dma_start3A_119, %dma_start3A_120] : memref<10000x128xf32, #tpu.memory_space<hbm>> -> memref<10000x128xf32, #tpu.memory_space<hbm>>
    tpu.enqueue_indirect_dma source(%dma_start3A_121 : memref<10000x128xf32, #tpu.memory_space<hbm>>) target(%arg11 : memref<80x128xf32, #tpu.memory_space<vmem>>) offsets(%dma_start3A_118 : memref<80xi32, #tpu.memory_space<vmem>>) semaphore(%arg15 : memref<!tpu.dma_semaphore, #tpu.memory_space<semaphore_mem>>)
    %scan3A_122 = arith.constant 0 : i32
    %scan3A_123 = arith.constant 1 : i32
    %scan3A_124 = arith.constant 40 : i32
    %scan3A_125 = arith.addi %scan3A_123, %scan3A_124 : i32
    %scan3A_126 = arith.constant 1 : i32
    scf.for %scan3A_172 = %scan3A_123 to %scan3A_125 step %scan3A_126  : i32 {
      %mul3A_173 = arith.constant 3 : i32
      %mul3A_174 = arith.muli %mul3A_173, %scan3A_172 : i32
      %mul3A_175 = arith.constant 80 : i32
      %mul3A_176 = arith.muli %mul3A_174, %mul3A_175 : i32
      %dma_wait3A_177 = tpu.memref_slice %arg6[%mul3A_176] : memref<10000xi32, #tpu.memory_space<vmem>> -> memref<80xi32, #tpu.memory_space<vmem>>
      %dma_wait3A_178 = arith.constant 0 : i32
      %dma_wait3A_179 = arith.constant 0 : i32
      %dma_wait3A_180 = tpu.memref_slice %arg2[%dma_wait3A_178, %dma_wait3A_179] : memref<10000x128xf32, #tpu.memory_space<hbm>> -> memref<10000x128xf32, #tpu.memory_space<hbm>>
      tpu.wait_indirect_dma semaphore(%arg14 : memref<!tpu.dma_semaphore, #tpu.memory_space<semaphore_mem>>) src(%dma_wait3A_180 : memref<10000x128xf32, #tpu.memory_space<hbm>>) dst(%arg10 : memref<80x128xf32, #tpu.memory_space<vmem>>)
      %mul3A_181 = arith.constant 10000 : i32
      %mul3A_182 = arith.muli %add3A, %mul3A_181 : i32
      %mul3A_183 = arith.constant 80 : i32
      %mul3A_184 = arith.muli %mul3A_174, %mul3A_183 : i32
      %add3A_185 = arith.addi %mul3A_182, %mul3A_184 : i32
      %dma_wait3A_186 = tpu.memref_slice %arg4[%add3A_185] : memref<320000xi32, #tpu.memory_space<hbm>> -> memref<80xi32, #tpu.memory_space<hbm>>
      %dma_wait3A_187 = tpu.memref_slice %arg4[%add3A_185] : memref<320000xi32, #tpu.memory_space<hbm>> -> memref<80xi32, #tpu.memory_space<hbm>>
      tpu.wait_dma2 semaphore(%arg17 : memref<!tpu.dma_semaphore, #tpu.memory_space<semaphore_mem>>) src(%dma_wait3A_187 : memref<80xi32, #tpu.memory_space<hbm>>) dst(%arg7 : memref<80xi32, #tpu.memory_space<vmem>>)
      %dma_start3A_188 = arith.constant 0 : i32
      %dma_start3A_189 = arith.constant 0 : i32
      %dma_start3A_190 = tpu.memref_slice %arg13[%dma_start3A_188, %dma_start3A_189] : memref<10000x128xf32, #tpu.memory_space<vmem_shared>> -> memref<10000x128xf32, #tpu.memory_space<vmem_shared>>
      tpu.enqueue_indirect_dma source(%arg10 : memref<80x128xf32, #tpu.memory_space<vmem>>) target(%dma_start3A_190 : memref<10000x128xf32, #tpu.memory_space<vmem_shared>>) offsets(%arg7 : memref<80xi32, #tpu.memory_space<vmem>>) semaphore(%arg20 : memref<!tpu.dma_semaphore, #tpu.memory_space<semaphore_mem>>) {add = true}
      %add3A_191 = arith.constant 2 : i32
      %add3A_192 = arith.addi %mul3A_174, %add3A_191 : i32
      %lt3A = arith.constant 125 : i32
      %lt3A_193 = arith.cmpi slt, %add3A_192, %lt3A : i32
      %convert_element_type3A = arith.extui %lt3A_193 : i1 to i32
      %cond3A = arith.constant 0 : i32
      %cond3A_194 = arith.cmpi ne, %convert_element_type3A, %cond3A : i32
      scf.if %cond3A_194 {
        %dma_wait3A_249 = arith.constant 0 : i32
        %dma_wait3A_250 = arith.constant 0 : i32
        %dma_wait3A_251 = tpu.memref_slice %arg13[%dma_wait3A_249, %dma_wait3A_250] : memref<10000x128xf32, #tpu.memory_space<vmem_shared>> -> memref<10000x128xf32, #tpu.memory_space<vmem_shared>>
        tpu.wait_indirect_dma semaphore(%arg22 : memref<!tpu.dma_semaphore, #tpu.memory_space<semaphore_mem>>) src(%arg12 : memref<80x128xf32, #tpu.memory_space<vmem>>) dst(%dma_wait3A_251 : memref<10000x128xf32, #tpu.memory_space<vmem_shared>>)
        %add3A_252 = arith.constant 2 : i32
        %add3A_253 = arith.addi %mul3A_174, %add3A_252 : i32
        %mul3A_254 = arith.constant 10000 : i32
        %mul3A_255 = arith.muli %add3A, %mul3A_254 : i32
        %mul3A_256 = arith.constant 80 : i32
        %mul3A_257 = arith.muli %add3A_253, %mul3A_256 : i32
        %add3A_258 = arith.addi %mul3A_255, %mul3A_257 : i32
        %dma_start3A_259 = tpu.memref_slice %arg4[%add3A_258] : memref<320000xi32, #tpu.memory_space<hbm>> -> memref<80xi32, #tpu.memory_space<hbm>>
        %dma_start3A_260 = tpu.memref_slice %arg4[%add3A_258] : memref<320000xi32, #tpu.memory_space<hbm>> -> memref<80xi32, #tpu.memory_space<hbm>>
        tpu.enqueue_dma source(%dma_start3A_260 : memref<80xi32, #tpu.memory_space<hbm>>) target(%arg9 : memref<80xi32, #tpu.memory_space<vmem>>) target_semaphore(%arg19 : memref<!tpu.dma_semaphore, #tpu.memory_space<semaphore_mem>>)
        %add3A_261 = arith.constant 2 : i32
        %add3A_262 = arith.addi %mul3A_174, %add3A_261 : i32
        %mul3A_263 = arith.constant 80 : i32
        %mul3A_264 = arith.muli %add3A_262, %mul3A_263 : i32
        %dma_start3A_265 = tpu.memref_slice %arg6[%mul3A_264] : memref<10000xi32, #tpu.memory_space<vmem>> -> memref<80xi32, #tpu.memory_space<vmem>>
        %dma_start3A_266 = arith.constant 0 : i32
        %dma_start3A_267 = arith.constant 0 : i32
        %dma_start3A_268 = tpu.memref_slice %arg2[%dma_start3A_266, %dma_start3A_267] : memref<10000x128xf32, #tpu.memory_space<hbm>> -> memref<10000x128xf32, #tpu.memory_space<hbm>>
        tpu.enqueue_indirect_dma source(%dma_start3A_268 : memref<10000x128xf32, #tpu.memory_space<hbm>>) target(%arg12 : memref<80x128xf32, #tpu.memory_space<vmem>>) offsets(%dma_start3A_265 : memref<80xi32, #tpu.memory_space<vmem>>) semaphore(%arg16 : memref<!tpu.dma_semaphore, #tpu.memory_space<semaphore_mem>>)
      } else {
      }
      %mul3A_195 = arith.constant 3 : i32
      %mul3A_196 = arith.muli %mul3A_195, %scan3A_172 : i32
      %add3A_197 = arith.constant 1 : i32
      %add3A_198 = arith.addi %mul3A_196, %add3A_197 : i32
      %mul3A_199 = arith.constant 80 : i32
      %mul3A_200 = arith.muli %add3A_198, %mul3A_199 : i32
      %dma_wait3A_201 = tpu.memref_slice %arg6[%mul3A_200] : memref<10000xi32, #tpu.memory_space<vmem>> -> memref<80xi32, #tpu.memory_space<vmem>>
      %dma_wait3A_202 = arith.constant 0 : i32
      %dma_wait3A_203 = arith.constant 0 : i32
      %dma_wait3A_204 = tpu.memref_slice %arg2[%dma_wait3A_202, %dma_wait3A_203] : memref<10000x128xf32, #tpu.memory_space<hbm>> -> memref<10000x128xf32, #tpu.memory_space<hbm>>
      tpu.wait_indirect_dma semaphore(%arg15 : memref<!tpu.dma_semaphore, #tpu.memory_space<semaphore_mem>>) src(%dma_wait3A_204 : memref<10000x128xf32, #tpu.memory_space<hbm>>) dst(%arg11 : memref<80x128xf32, #tpu.memory_space<vmem>>)
      %mul3A_205 = arith.constant 10000 : i32
      %mul3A_206 = arith.muli %add3A, %mul3A_205 : i32
      %mul3A_207 = arith.constant 80 : i32
      %mul3A_208 = arith.muli %add3A_198, %mul3A_207 : i32
      %add3A_209 = arith.addi %mul3A_206, %mul3A_208 : i32
      %dma_wait3A_210 = tpu.memref_slice %arg4[%add3A_209] : memref<320000xi32, #tpu.memory_space<hbm>> -> memref<80xi32, #tpu.memory_space<hbm>>
      %dma_wait3A_211 = tpu.memref_slice %arg4[%add3A_209] : memref<320000xi32, #tpu.memory_space<hbm>> -> memref<80xi32, #tpu.memory_space<hbm>>
      tpu.wait_dma2 semaphore(%arg18 : memref<!tpu.dma_semaphore, #tpu.memory_space<semaphore_mem>>) src(%dma_wait3A_211 : memref<80xi32, #tpu.memory_space<hbm>>) dst(%arg8 : memref<80xi32, #tpu.memory_space<vmem>>)
      %dma_start3A_212 = arith.constant 0 : i32
      %dma_start3A_213 = arith.constant 0 : i32
      %dma_start3A_214 = tpu.memref_slice %arg13[%dma_start3A_212, %dma_start3A_213] : memref<10000x128xf32, #tpu.memory_space<vmem_shared>> -> memref<10000x128xf32, #tpu.memory_space<vmem_shared>>
      tpu.enqueue_indirect_dma source(%arg11 : memref<80x128xf32, #tpu.memory_space<vmem>>) target(%dma_start3A_214 : memref<10000x128xf32, #tpu.memory_space<vmem_shared>>) offsets(%arg8 : memref<80xi32, #tpu.memory_space<vmem>>) semaphore(%arg21 : memref<!tpu.dma_semaphore, #tpu.memory_space<semaphore_mem>>) {add = true}
      %add3A_215 = arith.constant 2 : i32
      %add3A_216 = arith.addi %add3A_198, %add3A_215 : i32
      %lt3A_217 = arith.constant 125 : i32
      %lt3A_218 = arith.cmpi slt, %add3A_216, %lt3A_217 : i32
      %convert_element_type3A_219 = arith.extui %lt3A_218 : i1 to i32
      %cond3A_220 = arith.constant 0 : i32
      %cond3A_221 = arith.cmpi ne, %convert_element_type3A_219, %cond3A_220 : i32
      scf.if %cond3A_221 {
        %dma_wait3A_249 = arith.constant 0 : i32
        %dma_wait3A_250 = arith.constant 0 : i32
        %dma_wait3A_251 = tpu.memref_slice %arg13[%dma_wait3A_249, %dma_wait3A_250] : memref<10000x128xf32, #tpu.memory_space<vmem_shared>> -> memref<10000x128xf32, #tpu.memory_space<vmem_shared>>
        tpu.wait_indirect_dma semaphore(%arg20 : memref<!tpu.dma_semaphore, #tpu.memory_space<semaphore_mem>>) src(%arg10 : memref<80x128xf32, #tpu.memory_space<vmem>>) dst(%dma_wait3A_251 : memref<10000x128xf32, #tpu.memory_space<vmem_shared>>)
        %add3A_252 = arith.constant 2 : i32
        %add3A_253 = arith.addi %add3A_198, %add3A_252 : i32
        %mul3A_254 = arith.constant 10000 : i32
        %mul3A_255 = arith.muli %add3A, %mul3A_254 : i32
        %mul3A_256 = arith.constant 80 : i32
        %mul3A_257 = arith.muli %add3A_253, %mul3A_256 : i32
        %add3A_258 = arith.addi %mul3A_255, %mul3A_257 : i32
        %dma_start3A_259 = tpu.memref_slice %arg4[%add3A_258] : memref<320000xi32, #tpu.memory_space<hbm>> -> memref<80xi32, #tpu.memory_space<hbm>>
        %dma_start3A_260 = tpu.memref_slice %arg4[%add3A_258] : memref<320000xi32, #tpu.memory_space<hbm>> -> memref<80xi32, #tpu.memory_space<hbm>>
        tpu.enqueue_dma source(%dma_start3A_260 : memref<80xi32, #tpu.memory_space<hbm>>) target(%arg7 : memref<80xi32, #tpu.memory_space<vmem>>) target_semaphore(%arg17 : memref<!tpu.dma_semaphore, #tpu.memory_space<semaphore_mem>>)
        %add3A_261 = arith.constant 2 : i32
        %add3A_262 = arith.addi %add3A_198, %add3A_261 : i32
        %mul3A_263 = arith.constant 80 : i32
        %mul3A_264 = arith.muli %add3A_262, %mul3A_263 : i32
        %dma_start3A_265 = tpu.memref_slice %arg6[%mul3A_264] : memref<10000xi32, #tpu.memory_space<vmem>> -> memref<80xi32, #tpu.memory_space<vmem>>
        %dma_start3A_266 = arith.constant 0 : i32
        %dma_start3A_267 = arith.constant 0 : i32
        %dma_start3A_268 = tpu.memref_slice %arg2[%dma_start3A_266, %dma_start3A_267] : memref<10000x128xf32, #tpu.memory_space<hbm>> -> memref<10000x128xf32, #tpu.memory_space<hbm>>
        tpu.enqueue_indirect_dma source(%dma_start3A_268 : memref<10000x128xf32, #tpu.memory_space<hbm>>) target(%arg10 : memref<80x128xf32, #tpu.memory_space<vmem>>) offsets(%dma_start3A_265 : memref<80xi32, #tpu.memory_space<vmem>>) semaphore(%arg14 : memref<!tpu.dma_semaphore, #tpu.memory_space<semaphore_mem>>)
      } else {
      }
      %mul3A_222 = arith.constant 3 : i32
      %mul3A_223 = arith.muli %mul3A_222, %scan3A_172 : i32
      %add3A_224 = arith.constant 2 : i32
      %add3A_225 = arith.addi %mul3A_223, %add3A_224 : i32
      %mul3A_226 = arith.constant 80 : i32
      %mul3A_227 = arith.muli %add3A_225, %mul3A_226 : i32
      %dma_wait3A_228 = tpu.memref_slice %arg6[%mul3A_227] : memref<10000xi32, #tpu.memory_space<vmem>> -> memref<80xi32, #tpu.memory_space<vmem>>
      %dma_wait3A_229 = arith.constant 0 : i32
      %dma_wait3A_230 = arith.constant 0 : i32
      %dma_wait3A_231 = tpu.memref_slice %arg2[%dma_wait3A_229, %dma_wait3A_230] : memref<10000x128xf32, #tpu.memory_space<hbm>> -> memref<10000x128xf32, #tpu.memory_space<hbm>>
      tpu.wait_indirect_dma semaphore(%arg16 : memref<!tpu.dma_semaphore, #tpu.memory_space<semaphore_mem>>) src(%dma_wait3A_231 : memref<10000x128xf32, #tpu.memory_space<hbm>>) dst(%arg12 : memref<80x128xf32, #tpu.memory_space<vmem>>)
      %mul3A_232 = arith.constant 10000 : i32
      %mul3A_233 = arith.muli %add3A, %mul3A_232 : i32
      %mul3A_234 = arith.constant 80 : i32
      %mul3A_235 = arith.muli %add3A_225, %mul3A_234 : i32
      %add3A_236 = arith.addi %mul3A_233, %mul3A_235 : i32
      %dma_wait3A_237 = tpu.memref_slice %arg4[%add3A_236] : memref<320000xi32, #tpu.memory_space<hbm>> -> memref<80xi32, #tpu.memory_space<hbm>>
      %dma_wait3A_238 = tpu.memref_slice %arg4[%add3A_236] : memref<320000xi32, #tpu.memory_space<hbm>> -> memref<80xi32, #tpu.memory_space<hbm>>
      tpu.wait_dma2 semaphore(%arg19 : memref<!tpu.dma_semaphore, #tpu.memory_space<semaphore_mem>>) src(%dma_wait3A_238 : memref<80xi32, #tpu.memory_space<hbm>>) dst(%arg9 : memref<80xi32, #tpu.memory_space<vmem>>)
      %dma_start3A_239 = arith.constant 0 : i32
      %dma_start3A_240 = arith.constant 0 : i32
      %dma_start3A_241 = tpu.memref_slice %arg13[%dma_start3A_239, %dma_start3A_240] : memref<10000x128xf32, #tpu.memory_space<vmem_shared>> -> memref<10000x128xf32, #tpu.memory_space<vmem_shared>>
      tpu.enqueue_indirect_dma source(%arg12 : memref<80x128xf32, #tpu.memory_space<vmem>>) target(%dma_start3A_241 : memref<10000x128xf32, #tpu.memory_space<vmem_shared>>) offsets(%arg9 : memref<80xi32, #tpu.memory_space<vmem>>) semaphore(%arg22 : memref<!tpu.dma_semaphore, #tpu.memory_space<semaphore_mem>>) {add = true}
      %add3A_242 = arith.constant 2 : i32
      %add3A_243 = arith.addi %add3A_225, %add3A_242 : i32
      %lt3A_244 = arith.constant 125 : i32
      %lt3A_245 = arith.cmpi slt, %add3A_243, %lt3A_244 : i32
      %convert_element_type3A_246 = arith.extui %lt3A_245 : i1 to i32
      %cond3A_247 = arith.constant 0 : i32
      %cond3A_248 = arith.cmpi ne, %convert_element_type3A_246, %cond3A_247 : i32
      scf.if %cond3A_248 {
        %dma_wait3A_249 = arith.constant 0 : i32
        %dma_wait3A_250 = arith.constant 0 : i32
        %dma_wait3A_251 = tpu.memref_slice %arg13[%dma_wait3A_249, %dma_wait3A_250] : memref<10000x128xf32, #tpu.memory_space<vmem_shared>> -> memref<10000x128xf32, #tpu.memory_space<vmem_shared>>
        tpu.wait_indirect_dma semaphore(%arg21 : memref<!tpu.dma_semaphore, #tpu.memory_space<semaphore_mem>>) src(%arg11 : memref<80x128xf32, #tpu.memory_space<vmem>>) dst(%dma_wait3A_251 : memref<10000x128xf32, #tpu.memory_space<vmem_shared>>)
        %add3A_252 = arith.constant 2 : i32
        %add3A_253 = arith.addi %add3A_225, %add3A_252 : i32
        %mul3A_254 = arith.constant 10000 : i32
        %mul3A_255 = arith.muli %add3A, %mul3A_254 : i32
        %mul3A_256 = arith.constant 80 : i32
        %mul3A_257 = arith.muli %add3A_253, %mul3A_256 : i32
        %add3A_258 = arith.addi %mul3A_255, %mul3A_257 : i32
        %dma_start3A_259 = tpu.memref_slice %arg4[%add3A_258] : memref<320000xi32, #tpu.memory_space<hbm>> -> memref<80xi32, #tpu.memory_space<hbm>>
        %dma_start3A_260 = tpu.memref_slice %arg4[%add3A_258] : memref<320000xi32, #tpu.memory_space<hbm>> -> memref<80xi32, #tpu.memory_space<hbm>>
        tpu.enqueue_dma source(%dma_start3A_260 : memref<80xi32, #tpu.memory_space<hbm>>) target(%arg8 : memref<80xi32, #tpu.memory_space<vmem>>) target_semaphore(%arg18 : memref<!tpu.dma_semaphore, #tpu.memory_space<semaphore_mem>>)
        %add3A_261 = arith.constant 2 : i32
        %add3A_262 = arith.addi %add3A_225, %add3A_261 : i32
        %mul3A_263 = arith.constant 80 : i32
        %mul3A_264 = arith.muli %add3A_262, %mul3A_263 : i32
        %dma_start3A_265 = tpu.memref_slice %arg6[%mul3A_264] : memref<10000xi32, #tpu.memory_space<vmem>> -> memref<80xi32, #tpu.memory_space<vmem>>
        %dma_start3A_266 = arith.constant 0 : i32
        %dma_start3A_267 = arith.constant 0 : i32
        %dma_start3A_268 = tpu.memref_slice %arg2[%dma_start3A_266, %dma_start3A_267] : memref<10000x128xf32, #tpu.memory_space<hbm>> -> memref<10000x128xf32, #tpu.memory_space<hbm>>
        tpu.enqueue_indirect_dma source(%dma_start3A_268 : memref<10000x128xf32, #tpu.memory_space<hbm>>) target(%arg11 : memref<80x128xf32, #tpu.memory_space<vmem>>) offsets(%dma_start3A_265 : memref<80xi32, #tpu.memory_space<vmem>>) semaphore(%arg15 : memref<!tpu.dma_semaphore, #tpu.memory_space<semaphore_mem>>)
      } else {
      }
    }
    %scan3A_127 = arith.constant 40 : i32
    %dma_wait3A_128 = arith.constant 9840 : i32
    %dma_wait3A_129 = tpu.memref_slice %arg6[%dma_wait3A_128] : memref<10000xi32, #tpu.memory_space<vmem>> -> memref<80xi32, #tpu.memory_space<vmem>>
    %dma_wait3A_130 = arith.constant 0 : i32
    %dma_wait3A_131 = arith.constant 0 : i32
    %dma_wait3A_132 = tpu.memref_slice %arg2[%dma_wait3A_130, %dma_wait3A_131] : memref<10000x128xf32, #tpu.memory_space<hbm>> -> memref<10000x128xf32, #tpu.memory_space<hbm>>
    tpu.wait_indirect_dma semaphore(%arg14 : memref<!tpu.dma_semaphore, #tpu.memory_space<semaphore_mem>>) src(%dma_wait3A_132 : memref<10000x128xf32, #tpu.memory_space<hbm>>) dst(%arg10 : memref<80x128xf32, #tpu.memory_space<vmem>>)
    %mul3A_133 = arith.constant 10000 : i32
    %mul3A_134 = arith.muli %add3A, %mul3A_133 : i32
    %add3A_135 = arith.constant 9840 : i32
    %add3A_136 = arith.addi %mul3A_134, %add3A_135 : i32
    %dma_wait3A_137 = tpu.memref_slice %arg4[%add3A_136] : memref<320000xi32, #tpu.memory_space<hbm>> -> memref<80xi32, #tpu.memory_space<hbm>>
    %dma_wait3A_138 = tpu.memref_slice %arg4[%add3A_136] : memref<320000xi32, #tpu.memory_space<hbm>> -> memref<80xi32, #tpu.memory_space<hbm>>
    tpu.wait_dma2 semaphore(%arg17 : memref<!tpu.dma_semaphore, #tpu.memory_space<semaphore_mem>>) src(%dma_wait3A_138 : memref<80xi32, #tpu.memory_space<hbm>>) dst(%arg7 : memref<80xi32, #tpu.memory_space<vmem>>)
    %dma_start3A_139 = arith.constant 0 : i32
    %dma_start3A_140 = arith.constant 0 : i32
    %dma_start3A_141 = tpu.memref_slice %arg13[%dma_start3A_139, %dma_start3A_140] : memref<10000x128xf32, #tpu.memory_space<vmem_shared>> -> memref<10000x128xf32, #tpu.memory_space<vmem_shared>>
    tpu.enqueue_indirect_dma source(%arg10 : memref<80x128xf32, #tpu.memory_space<vmem>>) target(%dma_start3A_141 : memref<10000x128xf32, #tpu.memory_space<vmem_shared>>) offsets(%arg7 : memref<80xi32, #tpu.memory_space<vmem>>) semaphore(%arg20 : memref<!tpu.dma_semaphore, #tpu.memory_space<semaphore_mem>>) {add = true}
    %dma_wait3A_142 = arith.constant 9920 : i32
    %dma_wait3A_143 = tpu.memref_slice %arg6[%dma_wait3A_142] : memref<10000xi32, #tpu.memory_space<vmem>> -> memref<80xi32, #tpu.memory_space<vmem>>
    %dma_wait3A_144 = arith.constant 0 : i32
    %dma_wait3A_145 = arith.constant 0 : i32
    %dma_wait3A_146 = tpu.memref_slice %arg2[%dma_wait3A_144, %dma_wait3A_145] : memref<10000x128xf32, #tpu.memory_space<hbm>> -> memref<10000x128xf32, #tpu.memory_space<hbm>>
    tpu.wait_indirect_dma semaphore(%arg15 : memref<!tpu.dma_semaphore, #tpu.memory_space<semaphore_mem>>) src(%dma_wait3A_146 : memref<10000x128xf32, #tpu.memory_space<hbm>>) dst(%arg11 : memref<80x128xf32, #tpu.memory_space<vmem>>)
    %mul3A_147 = arith.constant 10000 : i32
    %mul3A_148 = arith.muli %add3A, %mul3A_147 : i32
    %add3A_149 = arith.constant 9920 : i32
    %add3A_150 = arith.addi %mul3A_148, %add3A_149 : i32
    %dma_wait3A_151 = tpu.memref_slice %arg4[%add3A_150] : memref<320000xi32, #tpu.memory_space<hbm>> -> memref<80xi32, #tpu.memory_space<hbm>>
    %dma_wait3A_152 = tpu.memref_slice %arg4[%add3A_150] : memref<320000xi32, #tpu.memory_space<hbm>> -> memref<80xi32, #tpu.memory_space<hbm>>
    tpu.wait_dma2 semaphore(%arg18 : memref<!tpu.dma_semaphore, #tpu.memory_space<semaphore_mem>>) src(%dma_wait3A_152 : memref<80xi32, #tpu.memory_space<hbm>>) dst(%arg8 : memref<80xi32, #tpu.memory_space<vmem>>)
    %dma_start3A_153 = arith.constant 0 : i32
    %dma_start3A_154 = arith.constant 0 : i32
    %dma_start3A_155 = tpu.memref_slice %arg13[%dma_start3A_153, %dma_start3A_154] : memref<10000x128xf32, #tpu.memory_space<vmem_shared>> -> memref<10000x128xf32, #tpu.memory_space<vmem_shared>>
    tpu.enqueue_indirect_dma source(%arg11 : memref<80x128xf32, #tpu.memory_space<vmem>>) target(%dma_start3A_155 : memref<10000x128xf32, #tpu.memory_space<vmem_shared>>) offsets(%arg8 : memref<80xi32, #tpu.memory_space<vmem>>) semaphore(%arg21 : memref<!tpu.dma_semaphore, #tpu.memory_space<semaphore_mem>>) {add = true}
    %dma_wait3A_156 = arith.constant 0 : i32
    %dma_wait3A_157 = arith.constant 0 : i32
    %dma_wait3A_158 = tpu.memref_slice %arg13[%dma_wait3A_156, %dma_wait3A_157] : memref<10000x128xf32, #tpu.memory_space<vmem_shared>> -> memref<10000x128xf32, #tpu.memory_space<vmem_shared>>
    tpu.wait_indirect_dma semaphore(%arg21 : memref<!tpu.dma_semaphore, #tpu.memory_space<semaphore_mem>>) src(%arg11 : memref<80x128xf32, #tpu.memory_space<vmem>>) dst(%dma_wait3A_158 : memref<10000x128xf32, #tpu.memory_space<vmem_shared>>)
    %dma_wait3A_159 = arith.constant 0 : i32
    %dma_wait3A_160 = arith.constant 0 : i32
    %dma_wait3A_161 = tpu.memref_slice %arg13[%dma_wait3A_159, %dma_wait3A_160] : memref<10000x128xf32, #tpu.memory_space<vmem_shared>> -> memref<10000x128xf32, #tpu.memory_space<vmem_shared>>
    tpu.wait_indirect_dma semaphore(%arg22 : memref<!tpu.dma_semaphore, #tpu.memory_space<semaphore_mem>>) src(%arg12 : memref<80x128xf32, #tpu.memory_space<vmem>>) dst(%dma_wait3A_161 : memref<10000x128xf32, #tpu.memory_space<vmem_shared>>)
    %dma_wait3A_162 = arith.constant 0 : i32
    %dma_wait3A_163 = arith.constant 0 : i32
    %dma_wait3A_164 = tpu.memref_slice %arg13[%dma_wait3A_162, %dma_wait3A_163] : memref<10000x128xf32, #tpu.memory_space<vmem_shared>> -> memref<10000x128xf32, #tpu.memory_space<vmem_shared>>
    tpu.wait_indirect_dma semaphore(%arg20 : memref<!tpu.dma_semaphore, #tpu.memory_space<semaphore_mem>>) src(%arg10 : memref<80x128xf32, #tpu.memory_space<vmem>>) dst(%dma_wait3A_164 : memref<10000x128xf32, #tpu.memory_space<vmem_shared>>)
    %barrier3A_165 = arith.constant 0 : index
    tpu.barrier barrier_id(%barrier3A_165)
    %scan3A_166 = arith.constant 0 : i32
    %scan3A_167 = arith.constant 0 : i32
    %scan3A_168 = arith.constant 8 : i32
    %scan3A_169 = arith.addi %scan3A_167, %scan3A_168 : i32
    %scan3A_170 = arith.constant 1 : i32
    scf.for %scan3A_172 = %scan3A_167 to %scan3A_169 step %scan3A_170  : i32 {
      %mul3A_173 = arith.constant 16 : i32
      %mul3A_174 = arith.muli %scan3A_172, %mul3A_173 : i32
      %add3A_175 = arith.addi %arg1, %mul3A_174 : i32
      %lt3A = arith.constant 125 : i32
      %lt3A_176 = arith.cmpi slt, %add3A_175, %lt3A : i32
      %convert_element_type3A = arith.extui %lt3A_176 : i1 to i32
      %cond3A = arith.constant 0 : i32
      %cond3A_177 = arith.cmpi ne, %convert_element_type3A, %cond3A : i32
      scf.if %cond3A_177 {
        %mul3A_178 = arith.constant 80 : i32
        %mul3A_179 = arith.muli %add3A_175, %mul3A_178 : i32
        "tpu.region"() ({
          %run_scoped3A = tpu.sem_alloc : memref<!tpu.dma_semaphore, #tpu.memory_space<semaphore_mem>>
          %dma_start3A_180 = arith.constant 0 : i32
          %dma_start3A_181 = tpu.memref_slice %arg5[%arg0, %mul3A_179, %dma_start3A_180] : memref<2x10000x128xf32, #tpu.memory_space<hbm>> -> memref<1x80x128xf32, #tpu.memory_space<hbm>>
          %dma_start3A_182 = tpu.memref_squeeze %dma_start3A_181 : memref<1x80x128xf32, #tpu.memory_space<hbm>> -> memref<80x128xf32, #tpu.memory_space<hbm>>
          %dma_start3A_183 = arith.constant 0 : i32
          %dma_start3A_184 = tpu.memref_slice %arg13[%mul3A_179, %dma_start3A_183] : memref<10000x128xf32, #tpu.memory_space<vmem_shared>> -> memref<80x128xf32, #tpu.memory_space<vmem_shared>>
          tpu.enqueue_dma source(%dma_start3A_184 : memref<80x128xf32, #tpu.memory_space<vmem_shared>>) target(%dma_start3A_182 : memref<80x128xf32, #tpu.memory_space<hbm>>) target_semaphore(%run_scoped3A : memref<!tpu.dma_semaphore, #tpu.memory_space<semaphore_mem>>)
          %dma_wait3A_185 = arith.constant 0 : i32
          %dma_wait3A_186 = tpu.memref_slice %arg5[%arg0, %mul3A_179, %dma_wait3A_185] : memref<2x10000x128xf32, #tpu.memory_space<hbm>> -> memref<1x80x128xf32, #tpu.memory_space<hbm>>
          %dma_wait3A_187 = tpu.memref_squeeze %dma_wait3A_186 : memref<1x80x128xf32, #tpu.memory_space<hbm>> -> memref<80x128xf32, #tpu.memory_space<hbm>>
          %dma_wait3A_188 = arith.constant 0 : i32
          %dma_wait3A_189 = tpu.memref_slice %arg13[%mul3A_179, %dma_wait3A_188] : memref<10000x128xf32, #tpu.memory_space<vmem_shared>> -> memref<80x128xf32, #tpu.memory_space<vmem_shared>>
          tpu.wait_dma2 semaphore(%run_scoped3A : memref<!tpu.dma_semaphore, #tpu.memory_space<semaphore_mem>>) src(%dma_wait3A_189 : memref<80x128xf32, #tpu.memory_space<vmem_shared>>) dst(%dma_wait3A_187 : memref<80x128xf32, #tpu.memory_space<hbm>>)
          tpu.yield
        }) : () -> ()
      } else {
      }
    }
    %scan3A_171 = arith.constant 8 : i32
    return
  }
}

#map = affine_map<(d0, d1) -> (0, 0)>
#map1 = affine_map<(d0, d1) -> (0)>
#map2 = affine_map<(d0, d1) -> (0, 0, 0)>
module attributes {stable_mosaic.version = 14 : i64} {
  func.func @k(%arg0: i32, %arg1: i32, %arg2: memref<10000x128xf32, #tpu.memory_space<hbm>>, %arg3: memref<320000xi32, #tpu.memory_space<hbm>>, %arg4: memref<320000xi32, #tpu.memory_space<hbm>>, %arg5: memref<2x10000x128xf32, #tpu.memory_space<hbm>>, %arg6: memref<10000xi32, #tpu.memory_space<vmem>>, %arg7: memref<80xi32, #tpu.memory_space<vmem>>, %arg8: memref<80xi32, #tpu.memory_space<vmem>>, %arg9: memref<80xi32, #tpu.memory_space<vmem>>, %arg10: memref<80x128xf32, #tpu.memory_space<vmem>>, %arg11: memref<80x128xf32, #tpu.memory_space<vmem>>, %arg12: memref<80x128xf32, #tpu.memory_space<vmem>>, %arg13: memref<10000x128xf32, #tpu.memory_space<vmem_shared>>, %arg14: memref<!tpu.dma_semaphore, #tpu.memory_space<semaphore_mem>>, %arg15: memref<!tpu.dma_semaphore, #tpu.memory_space<semaphore_mem>>, %arg16: memref<!tpu.dma_semaphore, #tpu.memory_space<semaphore_mem>>, %arg17: memref<!tpu.dma_semaphore, #tpu.memory_space<semaphore_mem>>, %arg18: memref<!tpu.dma_semaphore, #tpu.memory_space<semaphore_mem>>, %arg19: memref<!tpu.dma_semaphore, #tpu.memory_space<semaphore_mem>>, %arg20: memref<!tpu.dma_semaphore, #tpu.memory_space<semaphore_mem>>, %arg21: memref<!tpu.dma_semaphore, #tpu.memory_space<semaphore_mem>>, %arg22: memref<!tpu.dma_semaphore, #tpu.memory_space<semaphore_mem>>) attributes {dimension_semantics = [#tpu.dimension_semantics<core_parallel>, #tpu.dimension_semantics<subcore_parallel>], iteration_bounds = array<i64: 2, 16>, scalar_prefetch = 0 : i64, scratch_operands = 17 : i64, tpu.core_type = #tpu.core_type<sc_vector_subcore>, window_params = [{transform_indices = #map}, {transform_indices = #map1}, {transform_indices = #map1}, {transform_indices = #map2}]} {
    %mul3A = arith.constant 16 : i32
    %mul3A_0 = arith.muli %arg0, %mul3A : i32
    %add3A = arith.addi %mul3A_0, %arg1 : i32
    %broadcast_in_dim3A = arith.constant 0.000000e+00 : f32
    %broadcast_in_dim3A_1 = vector.broadcast %broadcast_in_dim3A : f32 to vector<16xf32>
    %scan3A = arith.constant 0 : i32
    %scan3A_2 = arith.constant 0 : i32
    %scan3A_3 = arith.constant 80 : i32
    %scan3A_4 = arith.addi %scan3A_2, %scan3A_3 : i32
    %scan3A_5 = arith.constant 1 : i32
    scf.for %scan3A_172 = %scan3A_2 to %scan3A_4 step %scan3A_5  : i32 {
      %swap3A = arith.index_cast %scan3A_172 : i32 to index
      %swap3A_173 = arith.constant 0 : index
      %swap3A_174 = tpu.vector_load %arg10[%swap3A, %swap3A_173] {strides = array<i32>} : memref<80x128xf32, #tpu.memory_space<vmem>>, vector<1x16xf32>,
      %swap3A_175 = vector.shape_cast %swap3A_174 : vector<1x16xf32> to vector<16xf32>
      %swap3A_176 = vector.shape_cast %broadcast_in_dim3A_1 : vector<16xf32> to vector<1x16xf32>
      tpu.vector_store %arg10[%swap3A, %swap3A_173], %swap3A_176 {strides = array<i32>} : memref<80x128xf32, #tpu.memory_space<vmem>>, vector<1x16xf32>,
      %swap3A_177 = arith.index_cast %scan3A_172 : i32 to index
      %swap3A_178 = arith.constant 16 : index
      %swap3A_179 = tpu.vector_load %arg10[%swap3A_177, %swap3A_178] {strides = array<i32>} : memref<80x128xf32, #tpu.memory_space<vmem>>, vector<1x16xf32>,
      %swap3A_180 = vector.shape_cast %swap3A_179 : vector<1x16xf32> to vector<16xf32>
      %swap3A_181 = vector.shape_cast %broadcast_in_dim3A_1 : vector<16xf32> to vector<1x16xf32>
      tpu.vector_store %arg10[%swap3A_177, %swap3A_178], %swap3A_181 {strides = array<i32>} : memref<80x128xf32, #tpu.memory_space<vmem>>, vector<1x16xf32>,
      %swap3A_182 = arith.index_cast %scan3A_172 : i32 to index
      %swap3A_183 = arith.constant 32 : index
      %swap3A_184 = tpu.vector_load %arg10[%swap3A_182, %swap3A_183] {strides = array<i32>} : memref<80x128xf32, #tpu.memory_space<vmem>>, vector<1x16xf32>,
      %swap3A_185 = vector.shape_cast %swap3A_184 : vector<1x16xf32> to vector<16xf32>
      %swap3A_186 = vector.shape_cast %broadcast_in_dim3A_1 : vector<16xf32> to vector<1x16xf32>
      tpu.vector_store %arg10[%swap3A_182, %swap3A_183], %swap3A_186 {strides = array<i32>} : memref<80x128xf32, #tpu.memory_space<vmem>>, vector<1x16xf32>,
      %swap3A_187 = arith.index_cast %scan3A_172 : i32 to index
      %swap3A_188 = arith.constant 48 : index
      %swap3A_189 = tpu.vector_load %arg10[%swap3A_187, %swap3A_188] {strides = array<i32>} : memref<80x128xf32, #tpu.memory_space<vmem>>, vector<1x16xf32>,
      %swap3A_190 = vector.shape_cast %swap3A_189 : vector<1x16xf32> to vector<16xf32>
      %swap3A_191 = vector.shape_cast %broadcast_in_dim3A_1 : vector<16xf32> to vector<1x16xf32>
      tpu.vector_store %arg10[%swap3A_187, %swap3A_188], %swap3A_191 {strides = array<i32>} : memref<80x128xf32, #tpu.memory_space<vmem>>, vector<1x16xf32>,
      %swap3A_192 = arith.index_cast %scan3A_172 : i32 to index
      %swap3A_193 = arith.constant 64 : index
      %swap3A_194 = tpu.vector_load %arg10[%swap3A_192, %swap3A_193] {strides = array<i32>} : memref<80x128xf32, #tpu.memory_space<vmem>>, vector<1x16xf32>,
      %swap3A_195 = vector.shape_cast %swap3A_194 : vector<1x16xf32> to vector<16xf32>
      %swap3A_196 = vector.shape_cast %broadcast_in_dim3A_1 : vector<16xf32> to vector<1x16xf32>
      tpu.vector_store %arg10[%swap3A_192, %swap3A_193], %swap3A_196 {strides = array<i32>} : memref<80x128xf32, #tpu.memory_space<vmem>>, vector<1x16xf32>,
      %swap3A_197 = arith.index_cast %scan3A_172 : i32 to index
      %swap3A_198 = arith.constant 80 : index
      %swap3A_199 = tpu.vector_load %arg10[%swap3A_197, %swap3A_198] {strides = array<i32>} : memref<80x128xf32, #tpu.memory_space<vmem>>, vector<1x16xf32>,
      %swap3A_200 = vector.shape_cast %swap3A_199 : vector<1x16xf32> to vector<16xf32>
      %swap3A_201 = vector.shape_cast %broadcast_in_dim3A_1 : vector<16xf32> to vector<1x16xf32>
      tpu.vector_store %arg10[%swap3A_197, %swap3A_198], %swap3A_201 {strides = array<i32>} : memref<80x128xf32, #tpu.memory_space<vmem>>, vector<1x16xf32>,
      %swap3A_202 = arith.index_cast %scan3A_172 : i32 to index
      %swap3A_203 = arith.constant 96 : index
      %swap3A_204 = tpu.vector_load %arg10[%swap3A_202, %swap3A_203] {strides = array<i32>} : memref<80x128xf32, #tpu.memory_space<vmem>>, vector<1x16xf32>,
      %swap3A_205 = vector.shape_cast %swap3A_204 : vector<1x16xf32> to vector<16xf32>
      %swap3A_206 = vector.shape_cast %broadcast_in_dim3A_1 : vector<16xf32> to vector<1x16xf32>
      tpu.vector_store %arg10[%swap3A_202, %swap3A_203], %swap3A_206 {strides = array<i32>} : memref<80x128xf32, #tpu.memory_space<vmem>>, vector<1x16xf32>,
      %swap3A_207 = arith.index_cast %scan3A_172 : i32 to index
      %swap3A_208 = arith.constant 112 : index
      %swap3A_209 = tpu.vector_load %arg10[%swap3A_207, %swap3A_208] {strides = array<i32>} : memref<80x128xf32, #tpu.memory_space<vmem>>, vector<1x16xf32>,
      %swap3A_210 = vector.shape_cast %swap3A_209 : vector<1x16xf32> to vector<16xf32>
      %swap3A_211 = vector.shape_cast %broadcast_in_dim3A_1 : vector<16xf32> to vector<1x16xf32>
      tpu.vector_store %arg10[%swap3A_207, %swap3A_208], %swap3A_211 {strides = array<i32>} : memref<80x128xf32, #tpu.memory_space<vmem>>, vector<1x16xf32>,
    }
    %scan3A_6 = arith.constant 80 : i32
    %scan3A_7 = arith.constant 0 : i32
    %scan3A_8 = arith.constant 0 : i32
    %scan3A_9 = arith.constant 8 : i32
    %scan3A_10 = arith.addi %scan3A_8, %scan3A_9 : i32
    %scan3A_11 = arith.constant 1 : i32
    scf.for %scan3A_172 = %scan3A_8 to %scan3A_10 step %scan3A_11  : i32 {
      %mul3A_173 = arith.constant 16 : i32
      %mul3A_174 = arith.muli %scan3A_172, %mul3A_173 : i32
      %add3A_175 = arith.addi %arg1, %mul3A_174 : i32
      %lt3A = arith.constant 125 : i32
      %lt3A_176 = arith.cmpi slt, %add3A_175, %lt3A : i32
      %convert_element_type3A = arith.extui %lt3A_176 : i1 to i32
      %cond3A = arith.constant 0 : i32
      %cond3A_177 = arith.cmpi ne, %convert_element_type3A, %cond3A : i32
      scf.if %cond3A_177 {
        %mul3A_178 = arith.constant 80 : i32
        %mul3A_179 = arith.muli %add3A_175, %mul3A_178 : i32
        %dma_start3A_180 = arith.constant 0 : i32
        %dma_start3A_181 = tpu.memref_slice %arg13[%mul3A_179, %dma_start3A_180] : memref<10000x128xf32, #tpu.memory_space<vmem_shared>> -> memref<80x128xf32, #tpu.memory_space<vmem_shared>>
        %dma_start3A_182 = arith.constant 0 : i32
        %dma_start3A_183 = tpu.memref_slice %arg13[%mul3A_179, %dma_start3A_182] : memref<10000x128xf32, #tpu.memory_space<vmem_shared>> -> memref<80x128xf32, #tpu.memory_space<vmem_shared>>
        tpu.enqueue_dma source(%arg10 : memref<80x128xf32, #tpu.memory_space<vmem>>) target(%dma_start3A_183 : memref<80x128xf32, #tpu.memory_space<vmem_shared>>) target_semaphore(%arg20 : memref<!tpu.dma_semaphore, #tpu.memory_space<semaphore_mem>>)
      } else {
      }
    }
    %scan3A_12 = arith.constant 8 : i32
    %mul3A_13 = arith.constant 10000 : i32
    %mul3A_14 = arith.muli %add3A, %mul3A_13 : i32
    "tpu.region"() ({
      %run_scoped3A = tpu.sem_alloc : memref<!tpu.dma_semaphore, #tpu.memory_space<semaphore_mem>>
      %dma_start3A_172 = tpu.memref_slice %arg3[%mul3A_14] : memref<320000xi32, #tpu.memory_space<hbm>> -> memref<10000xi32, #tpu.memory_space<hbm>>
      %dma_start3A_173 = tpu.memref_slice %arg3[%mul3A_14] : memref<320000xi32, #tpu.memory_space<hbm>> -> memref<10000xi32, #tpu.memory_space<hbm>>
      tpu.enqueue_dma source(%dma_start3A_173 : memref<10000xi32, #tpu.memory_space<hbm>>) target(%arg6 : memref<10000xi32, #tpu.memory_space<vmem>>) target_semaphore(%run_scoped3A : memref<!tpu.dma_semaphore, #tpu.memory_space<semaphore_mem>>)
      %dma_wait3A_174 = tpu.memref_slice %arg3[%mul3A_14] : memref<320000xi32, #tpu.memory_space<hbm>> -> memref<10000xi32, #tpu.memory_space<hbm>>
      %dma_wait3A_175 = tpu.memref_slice %arg3[%mul3A_14] : memref<320000xi32, #tpu.memory_space<hbm>> -> memref<10000xi32, #tpu.memory_space<hbm>>
      tpu.wait_dma2 semaphore(%run_scoped3A : memref<!tpu.dma_semaphore, #tpu.memory_space<semaphore_mem>>) src(%dma_wait3A_175 : memref<10000xi32, #tpu.memory_space<hbm>>) dst(%arg6 : memref<10000xi32, #tpu.memory_space<vmem>>)
      tpu.yield
    }) : () -> ()
    %scan3A_15 = arith.constant 0 : i32
    %scan3A_16 = arith.constant 0 : i32
    %scan3A_17 = arith.constant 8 : i32
    %scan3A_18 = arith.addi %scan3A_16, %scan3A_17 : i32
    %scan3A_19 = arith.constant 1 : i32
    scf.for %scan3A_172 = %scan3A_16 to %scan3A_18 step %scan3A_19  : i32 {
      %mul3A_173 = arith.constant 16 : i32
      %mul3A_174 = arith.muli %scan3A_172, %mul3A_173 : i32
      %add3A_175 = arith.addi %arg1, %mul3A_174 : i32
      %lt3A = arith.constant 125 : i32
      %lt3A_176 = arith.cmpi slt, %add3A_175, %lt3A : i32
      %convert_element_type3A = arith.extui %lt3A_176 : i1 to i32
      %cond3A = arith.constant 0 : i32
      %cond3A_177 = arith.cmpi ne, %convert_element_type3A, %cond3A : i32
      scf.if %cond3A_177 {
        %mul3A_178 = arith.constant 80 : i32
        %mul3A_179 = arith.muli %add3A_175, %mul3A_178 : i32
        %dma_wait3A_180 = arith.constant 0 : i32
        %dma_wait3A_181 = tpu.memref_slice %arg13[%mul3A_179, %dma_wait3A_180] : memref<10000x128xf32, #tpu.memory_space<vmem_shared>> -> memref<80x128xf32, #tpu.memory_space<vmem_shared>>
        %dma_wait3A_182 = arith.constant 0 : i32
        %dma_wait3A_183 = tpu.memref_slice %arg13[%mul3A_179, %dma_wait3A_182] : memref<10000x128xf32, #tpu.memory_space<vmem_shared>> -> memref<80x128xf32, #tpu.memory_space<vmem_shared>>
        tpu.wait_dma2 semaphore(%arg20 : memref<!tpu.dma_semaphore, #tpu.memory_space<semaphore_mem>>) src(%arg10 : memref<80x128xf32, #tpu.memory_space<vmem>>) dst(%dma_wait3A_183 : memref<80x128xf32, #tpu.memory_space<vmem_shared>>)
      } else {
      }
    }
    %scan3A_20 = arith.constant 8 : i32
    %barrier3A = arith.constant 0 : index
    tpu.barrier barrier_id(%barrier3A)
    %mul3A_21 = arith.constant 10000 : i32
    %mul3A_22 = arith.muli %add3A, %mul3A_21 : i32
    %add3A_23 = arith.constant 0 : i32
    %add3A_24 = arith.addi %mul3A_22, %add3A_23 : i32
    %dma_start3A = tpu.memref_slice %arg4[%add3A_24] : memref<320000xi32, #tpu.memory_space<hbm>> -> memref<80xi32, #tpu.memory_space<hbm>>
    %dma_start3A_25 = tpu.memref_slice %arg4[%add3A_24] : memref<320000xi32, #tpu.memory_space<hbm>> -> memref<80xi32, #tpu.memory_space<hbm>>
    tpu.enqueue_dma source(%dma_start3A_25 : memref<80xi32, #tpu.memory_space<hbm>>) target(%arg7 : memref<80xi32, #tpu.memory_space<vmem>>) target_semaphore(%arg17 : memref<!tpu.dma_semaphore, #tpu.memory_space<semaphore_mem>>)
    %dma_start3A_26 = arith.constant 0 : i32
    %dma_start3A_27 = tpu.memref_slice %arg6[%dma_start3A_26] : memref<10000xi32, #tpu.memory_space<vmem>> -> memref<80xi32, #tpu.memory_space<vmem>>
    %dma_start3A_28 = arith.constant 0 : i32
    %dma_start3A_29 = arith.constant 0 : i32
    %dma_start3A_30 = tpu.memref_slice %arg2[%dma_start3A_28, %dma_start3A_29] : memref<10000x128xf32, #tpu.memory_space<hbm>> -> memref<10000x128xf32, #tpu.memory_space<hbm>>
    tpu.enqueue_indirect_dma source(%dma_start3A_30 : memref<10000x128xf32, #tpu.memory_space<hbm>>) target(%arg10 : memref<80x128xf32, #tpu.memory_space<vmem>>) offsets(%dma_start3A_27 : memref<80xi32, #tpu.memory_space<vmem>>) semaphore(%arg14 : memref<!tpu.dma_semaphore, #tpu.memory_space<semaphore_mem>>)
    %mul3A_31 = arith.constant 10000 : i32
    %mul3A_32 = arith.muli %add3A, %mul3A_31 : i32
    %add3A_33 = arith.constant 80 : i32
    %add3A_34 = arith.addi %mul3A_32, %add3A_33 : i32
    %dma_start3A_35 = tpu.memref_slice %arg4[%add3A_34] : memref<320000xi32, #tpu.memory_space<hbm>> -> memref<80xi32, #tpu.memory_space<hbm>>
    %dma_start3A_36 = tpu.memref_slice %arg4[%add3A_34] : memref<320000xi32, #tpu.memory_space<hbm>> -> memref<80xi32, #tpu.memory_space<hbm>>
    tpu.enqueue_dma source(%dma_start3A_36 : memref<80xi32, #tpu.memory_space<hbm>>) target(%arg8 : memref<80xi32, #tpu.memory_space<vmem>>) target_semaphore(%arg18 : memref<!tpu.dma_semaphore, #tpu.memory_space<semaphore_mem>>)
    %dma_start3A_37 = arith.constant 80 : i32
    %dma_start3A_38 = tpu.memref_slice %arg6[%dma_start3A_37] : memref<10000xi32, #tpu.memory_space<vmem>> -> memref<80xi32, #tpu.memory_space<vmem>>
    %dma_start3A_39 = arith.constant 0 : i32
    %dma_start3A_40 = arith.constant 0 : i32
    %dma_start3A_41 = tpu.memref_slice %arg2[%dma_start3A_39, %dma_start3A_40] : memref<10000x128xf32, #tpu.memory_space<hbm>> -> memref<10000x128xf32, #tpu.memory_space<hbm>>
    tpu.enqueue_indirect_dma source(%dma_start3A_41 : memref<10000x128xf32, #tpu.memory_space<hbm>>) target(%arg11 : memref<80x128xf32, #tpu.memory_space<vmem>>) offsets(%dma_start3A_38 : memref<80xi32, #tpu.memory_space<vmem>>) semaphore(%arg15 : memref<!tpu.dma_semaphore, #tpu.memory_space<semaphore_mem>>)
    %dma_wait3A = arith.constant 0 : i32
    %dma_wait3A_42 = tpu.memref_slice %arg6[%dma_wait3A] : memref<10000xi32, #tpu.memory_space<vmem>> -> memref<80xi32, #tpu.memory_space<vmem>>
    %dma_wait3A_43 = arith.constant 0 : i32
    %dma_wait3A_44 = arith.constant 0 : i32
    %dma_wait3A_45 = tpu.memref_slice %arg2[%dma_wait3A_43, %dma_wait3A_44] : memref<10000x128xf32, #tpu.memory_space<hbm>> -> memref<10000x128xf32, #tpu.memory_space<hbm>>
    tpu.wait_indirect_dma semaphore(%arg14 : memref<!tpu.dma_semaphore, #tpu.memory_space<semaphore_mem>>) src(%dma_wait3A_45 : memref<10000x128xf32, #tpu.memory_space<hbm>>) dst(%arg10 : memref<80x128xf32, #tpu.memory_space<vmem>>)
    %mul3A_46 = arith.constant 10000 : i32
    %mul3A_47 = arith.muli %add3A, %mul3A_46 : i32
    %add3A_48 = arith.constant 0 : i32
    %add3A_49 = arith.addi %mul3A_47, %add3A_48 : i32
    %dma_wait3A_50 = tpu.memref_slice %arg4[%add3A_49] : memref<320000xi32, #tpu.memory_space<hbm>> -> memref<80xi32, #tpu.memory_space<hbm>>
    %dma_wait3A_51 = tpu.memref_slice %arg4[%add3A_49] : memref<320000xi32, #tpu.memory_space<hbm>> -> memref<80xi32, #tpu.memory_space<hbm>>
    tpu.wait_dma2 semaphore(%arg17 : memref<!tpu.dma_semaphore, #tpu.memory_space<semaphore_mem>>) src(%dma_wait3A_51 : memref<80xi32, #tpu.memory_space<hbm>>) dst(%arg7 : memref<80xi32, #tpu.memory_space<vmem>>)
    %dma_start3A_52 = arith.constant 0 : i32
    %dma_start3A_53 = arith.constant 0 : i32
    %dma_start3A_54 = tpu.memref_slice %arg13[%dma_start3A_52, %dma_start3A_53] : memref<10000x128xf32, #tpu.memory_space<vmem_shared>> -> memref<10000x128xf32, #tpu.memory_space<vmem_shared>>
    tpu.enqueue_indirect_dma source(%arg10 : memref<80x128xf32, #tpu.memory_space<vmem>>) target(%dma_start3A_54 : memref<10000x128xf32, #tpu.memory_space<vmem_shared>>) offsets(%arg7 : memref<80xi32, #tpu.memory_space<vmem>>) semaphore(%arg20 : memref<!tpu.dma_semaphore, #tpu.memory_space<semaphore_mem>>) {add = true}
    %mul3A_55 = arith.constant 10000 : i32
    %mul3A_56 = arith.muli %add3A, %mul3A_55 : i32
    %add3A_57 = arith.constant 160 : i32
    %add3A_58 = arith.addi %mul3A_56, %add3A_57 : i32
    %dma_start3A_59 = tpu.memref_slice %arg4[%add3A_58] : memref<320000xi32, #tpu.memory_space<hbm>> -> memref<80xi32, #tpu.memory_space<hbm>>
    %dma_start3A_60 = tpu.memref_slice %arg4[%add3A_58] : memref<320000xi32, #tpu.memory_space<hbm>> -> memref<80xi32, #tpu.memory_space<hbm>>
    tpu.enqueue_dma source(%dma_start3A_60 : memref<80xi32, #tpu.memory_space<hbm>>) target(%arg9 : memref<80xi32, #tpu.memory_space<vmem>>) target_semaphore(%arg19 : memref<!tpu.dma_semaphore, #tpu.memory_space<semaphore_mem>>)
    %dma_start3A_61 = arith.constant 160 : i32
    %dma_start3A_62 = tpu.memref_slice %arg6[%dma_start3A_61] : memref<10000xi32, #tpu.memory_space<vmem>> -> memref<80xi32, #tpu.memory_space<vmem>>
    %dma_start3A_63 = arith.constant 0 : i32
    %dma_start3A_64 = arith.constant 0 : i32
    %dma_start3A_65 = tpu.memref_slice %arg2[%dma_start3A_63, %dma_start3A_64] : memref<10000x128xf32, #tpu.memory_space<hbm>> -> memref<10000x128xf32, #tpu.memory_space<hbm>>
    tpu.enqueue_indirect_dma source(%dma_start3A_65 : memref<10000x128xf32, #tpu.memory_space<hbm>>) target(%arg12 : memref<80x128xf32, #tpu.memory_space<vmem>>) offsets(%dma_start3A_62 : memref<80xi32, #tpu.memory_space<vmem>>) semaphore(%arg16 : memref<!tpu.dma_semaphore, #tpu.memory_space<semaphore_mem>>)
    %dma_wait3A_66 = arith.constant 80 : i32
    %dma_wait3A_67 = tpu.memref_slice %arg6[%dma_wait3A_66] : memref<10000xi32, #tpu.memory_space<vmem>> -> memref<80xi32, #tpu.memory_space<vmem>>
    %dma_wait3A_68 = arith.constant 0 : i32
    %dma_wait3A_69 = arith.constant 0 : i32
    %dma_wait3A_70 = tpu.memref_slice %arg2[%dma_wait3A_68, %dma_wait3A_69] : memref<10000x128xf32, #tpu.memory_space<hbm>> -> memref<10000x128xf32, #tpu.memory_space<hbm>>
    tpu.wait_indirect_dma semaphore(%arg15 : memref<!tpu.dma_semaphore, #tpu.memory_space<semaphore_mem>>) src(%dma_wait3A_70 : memref<10000x128xf32, #tpu.memory_space<hbm>>) dst(%arg11 : memref<80x128xf32, #tpu.memory_space<vmem>>)
    %mul3A_71 = arith.constant 10000 : i32
    %mul3A_72 = arith.muli %add3A, %mul3A_71 : i32
    %add3A_73 = arith.constant 80 : i32
    %add3A_74 = arith.addi %mul3A_72, %add3A_73 : i32
    %dma_wait3A_75 = tpu.memref_slice %arg4[%add3A_74] : memref<320000xi32, #tpu.memory_space<hbm>> -> memref<80xi32, #tpu.memory_space<hbm>>
    %dma_wait3A_76 = tpu.memref_slice %arg4[%add3A_74] : memref<320000xi32, #tpu.memory_space<hbm>> -> memref<80xi32, #tpu.memory_space<hbm>>
    tpu.wait_dma2 semaphore(%arg18 : memref<!tpu.dma_semaphore, #tpu.memory_space<semaphore_mem>>) src(%dma_wait3A_76 : memref<80xi32, #tpu.memory_space<hbm>>) dst(%arg8 : memref<80xi32, #tpu.memory_space<vmem>>)
    %dma_start3A_77 = arith.constant 0 : i32
    %dma_start3A_78 = arith.constant 0 : i32
    %dma_start3A_79 = tpu.memref_slice %arg13[%dma_start3A_77, %dma_start3A_78] : memref<10000x128xf32, #tpu.memory_space<vmem_shared>> -> memref<10000x128xf32, #tpu.memory_space<vmem_shared>>
    tpu.enqueue_indirect_dma source(%arg11 : memref<80x128xf32, #tpu.memory_space<vmem>>) target(%dma_start3A_79 : memref<10000x128xf32, #tpu.memory_space<vmem_shared>>) offsets(%arg8 : memref<80xi32, #tpu.memory_space<vmem>>) semaphore(%arg21 : memref<!tpu.dma_semaphore, #tpu.memory_space<semaphore_mem>>) {add = true}
    %dma_wait3A_80 = arith.constant 0 : i32
    %dma_wait3A_81 = arith.constant 0 : i32
    %dma_wait3A_82 = tpu.memref_slice %arg13[%dma_wait3A_80, %dma_wait3A_81] : memref<10000x128xf32, #tpu.memory_space<vmem_shared>> -> memref<10000x128xf32, #tpu.memory_space<vmem_shared>>
    tpu.wait_indirect_dma semaphore(%arg20 : memref<!tpu.dma_semaphore, #tpu.memory_space<semaphore_mem>>) src(%arg10 : memref<80x128xf32, #tpu.memory_space<vmem>>) dst(%dma_wait3A_82 : memref<10000x128xf32, #tpu.memory_space<vmem_shared>>)
    %mul3A_83 = arith.constant 10000 : i32
    %mul3A_84 = arith.muli %add3A, %mul3A_83 : i32
    %add3A_85 = arith.constant 240 : i32
    %add3A_86 = arith.addi %mul3A_84, %add3A_85 : i32
    %dma_start3A_87 = tpu.memref_slice %arg4[%add3A_86] : memref<320000xi32, #tpu.memory_space<hbm>> -> memref<80xi32, #tpu.memory_space<hbm>>
    %dma_start3A_88 = tpu.memref_slice %arg4[%add3A_86] : memref<320000xi32, #tpu.memory_space<hbm>> -> memref<80xi32, #tpu.memory_space<hbm>>
    tpu.enqueue_dma source(%dma_start3A_88 : memref<80xi32, #tpu.memory_space<hbm>>) target(%arg7 : memref<80xi32, #tpu.memory_space<vmem>>) target_semaphore(%arg17 : memref<!tpu.dma_semaphore, #tpu.memory_space<semaphore_mem>>)
    %dma_start3A_89 = arith.constant 240 : i32
    %dma_start3A_90 = tpu.memref_slice %arg6[%dma_start3A_89] : memref<10000xi32, #tpu.memory_space<vmem>> -> memref<80xi32, #tpu.memory_space<vmem>>
    %dma_start3A_91 = arith.constant 0 : i32
    %dma_start3A_92 = arith.constant 0 : i32
    %dma_start3A_93 = tpu.memref_slice %arg2[%dma_start3A_91, %dma_start3A_92] : memref<10000x128xf32, #tpu.memory_space<hbm>> -> memref<10000x128xf32, #tpu.memory_space<hbm>>
    tpu.enqueue_indirect_dma source(%dma_start3A_93 : memref<10000x128xf32, #tpu.memory_space<hbm>>) target(%arg10 : memref<80x128xf32, #tpu.memory_space<vmem>>) offsets(%dma_start3A_90 : memref<80xi32, #tpu.memory_space<vmem>>) semaphore(%arg14 : memref<!tpu.dma_semaphore, #tpu.memory_space<semaphore_mem>>)
    %dma_wait3A_94 = arith.constant 160 : i32
    %dma_wait3A_95 = tpu.memref_slice %arg6[%dma_wait3A_94] : memref<10000xi32, #tpu.memory_space<vmem>> -> memref<80xi32, #tpu.memory_space<vmem>>
    %dma_wait3A_96 = arith.constant 0 : i32
    %dma_wait3A_97 = arith.constant 0 : i32
    %dma_wait3A_98 = tpu.memref_slice %arg2[%dma_wait3A_96, %dma_wait3A_97] : memref<10000x128xf32, #tpu.memory_space<hbm>> -> memref<10000x128xf32, #tpu.memory_space<hbm>>
    tpu.wait_indirect_dma semaphore(%arg16 : memref<!tpu.dma_semaphore, #tpu.memory_space<semaphore_mem>>) src(%dma_wait3A_98 : memref<10000x128xf32, #tpu.memory_space<hbm>>) dst(%arg12 : memref<80x128xf32, #tpu.memory_space<vmem>>)
    %mul3A_99 = arith.constant 10000 : i32
    %mul3A_100 = arith.muli %add3A, %mul3A_99 : i32
    %add3A_101 = arith.constant 160 : i32
    %add3A_102 = arith.addi %mul3A_100, %add3A_101 : i32
    %dma_wait3A_103 = tpu.memref_slice %arg4[%add3A_102] : memref<320000xi32, #tpu.memory_space<hbm>> -> memref<80xi32, #tpu.memory_space<hbm>>
    %dma_wait3A_104 = tpu.memref_slice %arg4[%add3A_102] : memref<320000xi32, #tpu.memory_space<hbm>> -> memref<80xi32, #tpu.memory_space<hbm>>
    tpu.wait_dma2 semaphore(%arg19 : memref<!tpu.dma_semaphore, #tpu.memory_space<semaphore_mem>>) src(%dma_wait3A_104 : memref<80xi32, #tpu.memory_space<hbm>>) dst(%arg9 : memref<80xi32, #tpu.memory_space<vmem>>)
    %dma_start3A_105 = arith.constant 0 : i32
    %dma_start3A_106 = arith.constant 0 : i32
    %dma_start3A_107 = tpu.memref_slice %arg13[%dma_start3A_105, %dma_start3A_106] : memref<10000x128xf32, #tpu.memory_space<vmem_shared>> -> memref<10000x128xf32, #tpu.memory_space<vmem_shared>>
    tpu.enqueue_indirect_dma source(%arg12 : memref<80x128xf32, #tpu.memory_space<vmem>>) target(%dma_start3A_107 : memref<10000x128xf32, #tpu.memory_space<vmem_shared>>) offsets(%arg9 : memref<80xi32, #tpu.memory_space<vmem>>) semaphore(%arg22 : memref<!tpu.dma_semaphore, #tpu.memory_space<semaphore_mem>>) {add = true}
    %dma_wait3A_108 = arith.constant 0 : i32
    %dma_wait3A_109 = arith.constant 0 : i32
    %dma_wait3A_110 = tpu.memref_slice %arg13[%dma_wait3A_108, %dma_wait3A_109] : memref<10000x128xf32, #tpu.memory_space<vmem_shared>> -> memref<10000x128xf32, #tpu.memory_space<vmem_shared>>
    tpu.wait_indirect_dma semaphore(%arg21 : memref<!tpu.dma_semaphore, #tpu.memory_space<semaphore_mem>>) src(%arg11 : memref<80x128xf32, #tpu.memory_space<vmem>>) dst(%dma_wait3A_110 : memref<10000x128xf32, #tpu.memory_space<vmem_shared>>)
    %mul3A_111 = arith.constant 10000 : i32
    %mul3A_112 = arith.muli %add3A, %mul3A_111 : i32
    %add3A_113 = arith.constant 320 : i32
    %add3A_114 = arith.addi %mul3A_112, %add3A_113 : i32
    %dma_start3A_115 = tpu.memref_slice %arg4[%add3A_114] : memref<320000xi32, #tpu.memory_space<hbm>> -> memref<80xi32, #tpu.memory_space<hbm>>
    %dma_start3A_116 = tpu.memref_slice %arg4[%add3A_114] : memref<320000xi32, #tpu.memory_space<hbm>> -> memref<80xi32, #tpu.memory_space<hbm>>
    tpu.enqueue_dma source(%dma_start3A_116 : memref<80xi32, #tpu.memory_space<hbm>>) target(%arg8 : memref<80xi32, #tpu.memory_space<vmem>>) target_semaphore(%arg18 : memref<!tpu.dma_semaphore, #tpu.memory_space<semaphore_mem>>)
    %dma_start3A_117 = arith.constant 320 : i32
    %dma_start3A_118 = tpu.memref_slice %arg6[%dma_start3A_117] : memref<10000xi32, #tpu.memory_space<vmem>> -> memref<80xi32, #tpu.memory_space<vmem>>
    %dma_start3A_119 = arith.constant 0 : i32
    %dma_start3A_120 = arith.constant 0 : i32
    %dma_start3A_121 = tpu.memref_slice %arg2[%dma_start3A_119, %dma_start3A_120] : memref<10000x128xf32, #tpu.memory_space<hbm>> -> memref<10000x128xf32, #tpu.memory_space<hbm>>
    tpu.enqueue_indirect_dma source(%dma_start3A_121 : memref<10000x128xf32, #tpu.memory_space<hbm>>) target(%arg11 : memref<80x128xf32, #tpu.memory_space<vmem>>) offsets(%dma_start3A_118 : memref<80xi32, #tpu.memory_space<vmem>>) semaphore(%arg15 : memref<!tpu.dma_semaphore, #tpu.memory_space<semaphore_mem>>)
    %scan3A_122 = arith.constant 0 : i32
    %scan3A_123 = arith.constant 1 : i32
    %scan3A_124 = arith.constant 40 : i32
    %scan3A_125 = arith.addi %scan3A_123, %scan3A_124 : i32
    %scan3A_126 = arith.constant 1 : i32
    scf.for %scan3A_172 = %scan3A_123 to %scan3A_125 step %scan3A_126  : i32 {
      %mul3A_173 = arith.constant 3 : i32
      %mul3A_174 = arith.muli %mul3A_173, %scan3A_172 : i32
      %mul3A_175 = arith.constant 80 : i32
      %mul3A_176 = arith.muli %mul3A_174, %mul3A_175 : i32
      %dma_wait3A_177 = tpu.memref_slice %arg6[%mul3A_176] : memref<10000xi32, #tpu.memory_space<vmem>> -> memref<80xi32, #tpu.memory_space<vmem>>
      %dma_wait3A_178 = arith.constant 0 : i32
      %dma_wait3A_179 = arith.constant 0 : i32
      %dma_wait3A_180 = tpu.memref_slice %arg2[%dma_wait3A_178, %dma_wait3A_179] : memref<10000x128xf32, #tpu.memory_space<hbm>> -> memref<10000x128xf32, #tpu.memory_space<hbm>>
      tpu.wait_indirect_dma semaphore(%arg14 : memref<!tpu.dma_semaphore, #tpu.memory_space<semaphore_mem>>) src(%dma_wait3A_180 : memref<10000x128xf32, #tpu.memory_space<hbm>>) dst(%arg10 : memref<80x128xf32, #tpu.memory_space<vmem>>)
      %mul3A_181 = arith.constant 10000 : i32
      %mul3A_182 = arith.muli %add3A, %mul3A_181 : i32
      %mul3A_183 = arith.constant 80 : i32
      %mul3A_184 = arith.muli %mul3A_174, %mul3A_183 : i32
      %add3A_185 = arith.addi %mul3A_182, %mul3A_184 : i32
      %dma_wait3A_186 = tpu.memref_slice %arg4[%add3A_185] : memref<320000xi32, #tpu.memory_space<hbm>> -> memref<80xi32, #tpu.memory_space<hbm>>
      %dma_wait3A_187 = tpu.memref_slice %arg4[%add3A_185] : memref<320000xi32, #tpu.memory_space<hbm>> -> memref<80xi32, #tpu.memory_space<hbm>>
      tpu.wait_dma2 semaphore(%arg17 : memref<!tpu.dma_semaphore, #tpu.memory_space<semaphore_mem>>) src(%dma_wait3A_187 : memref<80xi32, #tpu.memory_space<hbm>>) dst(%arg7 : memref<80xi32, #tpu.memory_space<vmem>>)
      %dma_start3A_188 = arith.constant 0 : i32
      %dma_start3A_189 = arith.constant 0 : i32
      %dma_start3A_190 = tpu.memref_slice %arg13[%dma_start3A_188, %dma_start3A_189] : memref<10000x128xf32, #tpu.memory_space<vmem_shared>> -> memref<10000x128xf32, #tpu.memory_space<vmem_shared>>
      tpu.enqueue_indirect_dma source(%arg10 : memref<80x128xf32, #tpu.memory_space<vmem>>) target(%dma_start3A_190 : memref<10000x128xf32, #tpu.memory_space<vmem_shared>>) offsets(%arg7 : memref<80xi32, #tpu.memory_space<vmem>>) semaphore(%arg20 : memref<!tpu.dma_semaphore, #tpu.memory_space<semaphore_mem>>) {add = true}
      %add3A_191 = arith.constant 2 : i32
      %add3A_192 = arith.addi %mul3A_174, %add3A_191 : i32
      %lt3A = arith.constant 125 : i32
      %lt3A_193 = arith.cmpi slt, %add3A_192, %lt3A : i32
      %convert_element_type3A = arith.extui %lt3A_193 : i1 to i32
      %cond3A = arith.constant 0 : i32
      %cond3A_194 = arith.cmpi ne, %convert_element_type3A, %cond3A : i32
      scf.if %cond3A_194 {
        %dma_wait3A_249 = arith.constant 0 : i32
        %dma_wait3A_250 = arith.constant 0 : i32
        %dma_wait3A_251 = tpu.memref_slice %arg13[%dma_wait3A_249, %dma_wait3A_250] : memref<10000x128xf32, #tpu.memory_space<vmem_shared>> -> memref<10000x128xf32, #tpu.memory_space<vmem_shared>>
        tpu.wait_indirect_dma semaphore(%arg22 : memref<!tpu.dma_semaphore, #tpu.memory_space<semaphore_mem>>) src(%arg12 : memref<80x128xf32, #tpu.memory_space<vmem>>) dst(%dma_wait3A_251 : memref<10000x128xf32, #tpu.memory_space<vmem_shared>>)
        %add3A_252 = arith.constant 2 : i32
        %add3A_253 = arith.addi %mul3A_174, %add3A_252 : i32
        %mul3A_254 = arith.constant 10000 : i32
        %mul3A_255 = arith.muli %add3A, %mul3A_254 : i32
        %mul3A_256 = arith.constant 80 : i32
        %mul3A_257 = arith.muli %add3A_253, %mul3A_256 : i32
        %add3A_258 = arith.addi %mul3A_255, %mul3A_257 : i32
        %dma_start3A_259 = tpu.memref_slice %arg4[%add3A_258] : memref<320000xi32, #tpu.memory_space<hbm>> -> memref<80xi32, #tpu.memory_space<hbm>>
        %dma_start3A_260 = tpu.memref_slice %arg4[%add3A_258] : memref<320000xi32, #tpu.memory_space<hbm>> -> memref<80xi32, #tpu.memory_space<hbm>>
        tpu.enqueue_dma source(%dma_start3A_260 : memref<80xi32, #tpu.memory_space<hbm>>) target(%arg9 : memref<80xi32, #tpu.memory_space<vmem>>) target_semaphore(%arg19 : memref<!tpu.dma_semaphore, #tpu.memory_space<semaphore_mem>>)
        %add3A_261 = arith.constant 2 : i32
        %add3A_262 = arith.addi %mul3A_174, %add3A_261 : i32
        %mul3A_263 = arith.constant 80 : i32
        %mul3A_264 = arith.muli %add3A_262, %mul3A_263 : i32
        %dma_start3A_265 = tpu.memref_slice %arg6[%mul3A_264] : memref<10000xi32, #tpu.memory_space<vmem>> -> memref<80xi32, #tpu.memory_space<vmem>>
        %dma_start3A_266 = arith.constant 0 : i32
        %dma_start3A_267 = arith.constant 0 : i32
        %dma_start3A_268 = tpu.memref_slice %arg2[%dma_start3A_266, %dma_start3A_267] : memref<10000x128xf32, #tpu.memory_space<hbm>> -> memref<10000x128xf32, #tpu.memory_space<hbm>>
        tpu.enqueue_indirect_dma source(%dma_start3A_268 : memref<10000x128xf32, #tpu.memory_space<hbm>>) target(%arg12 : memref<80x128xf32, #tpu.memory_space<vmem>>) offsets(%dma_start3A_265 : memref<80xi32, #tpu.memory_space<vmem>>) semaphore(%arg16 : memref<!tpu.dma_semaphore, #tpu.memory_space<semaphore_mem>>)
      } else {
      }
      %mul3A_195 = arith.constant 3 : i32
      %mul3A_196 = arith.muli %mul3A_195, %scan3A_172 : i32
      %add3A_197 = arith.constant 1 : i32
      %add3A_198 = arith.addi %mul3A_196, %add3A_197 : i32
      %mul3A_199 = arith.constant 80 : i32
      %mul3A_200 = arith.muli %add3A_198, %mul3A_199 : i32
      %dma_wait3A_201 = tpu.memref_slice %arg6[%mul3A_200] : memref<10000xi32, #tpu.memory_space<vmem>> -> memref<80xi32, #tpu.memory_space<vmem>>
      %dma_wait3A_202 = arith.constant 0 : i32
      %dma_wait3A_203 = arith.constant 0 : i32
      %dma_wait3A_204 = tpu.memref_slice %arg2[%dma_wait3A_202, %dma_wait3A_203] : memref<10000x128xf32, #tpu.memory_space<hbm>> -> memref<10000x128xf32, #tpu.memory_space<hbm>>
      tpu.wait_indirect_dma semaphore(%arg15 : memref<!tpu.dma_semaphore, #tpu.memory_space<semaphore_mem>>) src(%dma_wait3A_204 : memref<10000x128xf32, #tpu.memory_space<hbm>>) dst(%arg11 : memref<80x128xf32, #tpu.memory_space<vmem>>)
      %mul3A_205 = arith.constant 10000 : i32
      %mul3A_206 = arith.muli %add3A, %mul3A_205 : i32
      %mul3A_207 = arith.constant 80 : i32
      %mul3A_208 = arith.muli %add3A_198, %mul3A_207 : i32
      %add3A_209 = arith.addi %mul3A_206, %mul3A_208 : i32
      %dma_wait3A_210 = tpu.memref_slice %arg4[%add3A_209] : memref<320000xi32, #tpu.memory_space<hbm>> -> memref<80xi32, #tpu.memory_space<hbm>>
      %dma_wait3A_211 = tpu.memref_slice %arg4[%add3A_209] : memref<320000xi32, #tpu.memory_space<hbm>> -> memref<80xi32, #tpu.memory_space<hbm>>
      tpu.wait_dma2 semaphore(%arg18 : memref<!tpu.dma_semaphore, #tpu.memory_space<semaphore_mem>>) src(%dma_wait3A_211 : memref<80xi32, #tpu.memory_space<hbm>>) dst(%arg8 : memref<80xi32, #tpu.memory_space<vmem>>)
      %dma_start3A_212 = arith.constant 0 : i32
      %dma_start3A_213 = arith.constant 0 : i32
      %dma_start3A_214 = tpu.memref_slice %arg13[%dma_start3A_212, %dma_start3A_213] : memref<10000x128xf32, #tpu.memory_space<vmem_shared>> -> memref<10000x128xf32, #tpu.memory_space<vmem_shared>>
      tpu.enqueue_indirect_dma source(%arg11 : memref<80x128xf32, #tpu.memory_space<vmem>>) target(%dma_start3A_214 : memref<10000x128xf32, #tpu.memory_space<vmem_shared>>) offsets(%arg8 : memref<80xi32, #tpu.memory_space<vmem>>) semaphore(%arg21 : memref<!tpu.dma_semaphore, #tpu.memory_space<semaphore_mem>>) {add = true}
      %add3A_215 = arith.constant 2 : i32
      %add3A_216 = arith.addi %add3A_198, %add3A_215 : i32
      %lt3A_217 = arith.constant 125 : i32
      %lt3A_218 = arith.cmpi slt, %add3A_216, %lt3A_217 : i32
      %convert_element_type3A_219 = arith.extui %lt3A_218 : i1 to i32
      %cond3A_220 = arith.constant 0 : i32
      %cond3A_221 = arith.cmpi ne, %convert_element_type3A_219, %cond3A_220 : i32
      scf.if %cond3A_221 {
        %dma_wait3A_249 = arith.constant 0 : i32
        %dma_wait3A_250 = arith.constant 0 : i32
        %dma_wait3A_251 = tpu.memref_slice %arg13[%dma_wait3A_249, %dma_wait3A_250] : memref<10000x128xf32, #tpu.memory_space<vmem_shared>> -> memref<10000x128xf32, #tpu.memory_space<vmem_shared>>
        tpu.wait_indirect_dma semaphore(%arg20 : memref<!tpu.dma_semaphore, #tpu.memory_space<semaphore_mem>>) src(%arg10 : memref<80x128xf32, #tpu.memory_space<vmem>>) dst(%dma_wait3A_251 : memref<10000x128xf32, #tpu.memory_space<vmem_shared>>)
        %add3A_252 = arith.constant 2 : i32
        %add3A_253 = arith.addi %add3A_198, %add3A_252 : i32
        %mul3A_254 = arith.constant 10000 : i32
        %mul3A_255 = arith.muli %add3A, %mul3A_254 : i32
        %mul3A_256 = arith.constant 80 : i32
        %mul3A_257 = arith.muli %add3A_253, %mul3A_256 : i32
        %add3A_258 = arith.addi %mul3A_255, %mul3A_257 : i32
        %dma_start3A_259 = tpu.memref_slice %arg4[%add3A_258] : memref<320000xi32, #tpu.memory_space<hbm>> -> memref<80xi32, #tpu.memory_space<hbm>>
        %dma_start3A_260 = tpu.memref_slice %arg4[%add3A_258] : memref<320000xi32, #tpu.memory_space<hbm>> -> memref<80xi32, #tpu.memory_space<hbm>>
        tpu.enqueue_dma source(%dma_start3A_260 : memref<80xi32, #tpu.memory_space<hbm>>) target(%arg7 : memref<80xi32, #tpu.memory_space<vmem>>) target_semaphore(%arg17 : memref<!tpu.dma_semaphore, #tpu.memory_space<semaphore_mem>>)
        %add3A_261 = arith.constant 2 : i32
        %add3A_262 = arith.addi %add3A_198, %add3A_261 : i32
        %mul3A_263 = arith.constant 80 : i32
        %mul3A_264 = arith.muli %add3A_262, %mul3A_263 : i32
        %dma_start3A_265 = tpu.memref_slice %arg6[%mul3A_264] : memref<10000xi32, #tpu.memory_space<vmem>> -> memref<80xi32, #tpu.memory_space<vmem>>
        %dma_start3A_266 = arith.constant 0 : i32
        %dma_start3A_267 = arith.constant 0 : i32
        %dma_start3A_268 = tpu.memref_slice %arg2[%dma_start3A_266, %dma_start3A_267] : memref<10000x128xf32, #tpu.memory_space<hbm>> -> memref<10000x128xf32, #tpu.memory_space<hbm>>
        tpu.enqueue_indirect_dma source(%dma_start3A_268 : memref<10000x128xf32, #tpu.memory_space<hbm>>) target(%arg10 : memref<80x128xf32, #tpu.memory_space<vmem>>) offsets(%dma_start3A_265 : memref<80xi32, #tpu.memory_space<vmem>>) semaphore(%arg14 : memref<!tpu.dma_semaphore, #tpu.memory_space<semaphore_mem>>)
      } else {
      }
      %mul3A_222 = arith.constant 3 : i32
      %mul3A_223 = arith.muli %mul3A_222, %scan3A_172 : i32
      %add3A_224 = arith.constant 2 : i32
      %add3A_225 = arith.addi %mul3A_223, %add3A_224 : i32
      %mul3A_226 = arith.constant 80 : i32
      %mul3A_227 = arith.muli %add3A_225, %mul3A_226 : i32
      %dma_wait3A_228 = tpu.memref_slice %arg6[%mul3A_227] : memref<10000xi32, #tpu.memory_space<vmem>> -> memref<80xi32, #tpu.memory_space<vmem>>
      %dma_wait3A_229 = arith.constant 0 : i32
      %dma_wait3A_230 = arith.constant 0 : i32
      %dma_wait3A_231 = tpu.memref_slice %arg2[%dma_wait3A_229, %dma_wait3A_230] : memref<10000x128xf32, #tpu.memory_space<hbm>> -> memref<10000x128xf32, #tpu.memory_space<hbm>>
      tpu.wait_indirect_dma semaphore(%arg16 : memref<!tpu.dma_semaphore, #tpu.memory_space<semaphore_mem>>) src(%dma_wait3A_231 : memref<10000x128xf32, #tpu.memory_space<hbm>>) dst(%arg12 : memref<80x128xf32, #tpu.memory_space<vmem>>)
      %mul3A_232 = arith.constant 10000 : i32
      %mul3A_233 = arith.muli %add3A, %mul3A_232 : i32
      %mul3A_234 = arith.constant 80 : i32
      %mul3A_235 = arith.muli %add3A_225, %mul3A_234 : i32
      %add3A_236 = arith.addi %mul3A_233, %mul3A_235 : i32
      %dma_wait3A_237 = tpu.memref_slice %arg4[%add3A_236] : memref<320000xi32, #tpu.memory_space<hbm>> -> memref<80xi32, #tpu.memory_space<hbm>>
      %dma_wait3A_238 = tpu.memref_slice %arg4[%add3A_236] : memref<320000xi32, #tpu.memory_space<hbm>> -> memref<80xi32, #tpu.memory_space<hbm>>
      tpu.wait_dma2 semaphore(%arg19 : memref<!tpu.dma_semaphore, #tpu.memory_space<semaphore_mem>>) src(%dma_wait3A_238 : memref<80xi32, #tpu.memory_space<hbm>>) dst(%arg9 : memref<80xi32, #tpu.memory_space<vmem>>)
      %dma_start3A_239 = arith.constant 0 : i32
      %dma_start3A_240 = arith.constant 0 : i32
      %dma_start3A_241 = tpu.memref_slice %arg13[%dma_start3A_239, %dma_start3A_240] : memref<10000x128xf32, #tpu.memory_space<vmem_shared>> -> memref<10000x128xf32, #tpu.memory_space<vmem_shared>>
      tpu.enqueue_indirect_dma source(%arg12 : memref<80x128xf32, #tpu.memory_space<vmem>>) target(%dma_start3A_241 : memref<10000x128xf32, #tpu.memory_space<vmem_shared>>) offsets(%arg9 : memref<80xi32, #tpu.memory_space<vmem>>) semaphore(%arg22 : memref<!tpu.dma_semaphore, #tpu.memory_space<semaphore_mem>>) {add = true}
      %add3A_242 = arith.constant 2 : i32
      %add3A_243 = arith.addi %add3A_225, %add3A_242 : i32
      %lt3A_244 = arith.constant 125 : i32
      %lt3A_245 = arith.cmpi slt, %add3A_243, %lt3A_244 : i32
      %convert_element_type3A_246 = arith.extui %lt3A_245 : i1 to i32
      %cond3A_247 = arith.constant 0 : i32
      %cond3A_248 = arith.cmpi ne, %convert_element_type3A_246, %cond3A_247 : i32
      scf.if %cond3A_248 {
        %dma_wait3A_249 = arith.constant 0 : i32
        %dma_wait3A_250 = arith.constant 0 : i32
        %dma_wait3A_251 = tpu.memref_slice %arg13[%dma_wait3A_249, %dma_wait3A_250] : memref<10000x128xf32, #tpu.memory_space<vmem_shared>> -> memref<10000x128xf32, #tpu.memory_space<vmem_shared>>
        tpu.wait_indirect_dma semaphore(%arg21 : memref<!tpu.dma_semaphore, #tpu.memory_space<semaphore_mem>>) src(%arg11 : memref<80x128xf32, #tpu.memory_space<vmem>>) dst(%dma_wait3A_251 : memref<10000x128xf32, #tpu.memory_space<vmem_shared>>)
        %add3A_252 = arith.constant 2 : i32
        %add3A_253 = arith.addi %add3A_225, %add3A_252 : i32
        %mul3A_254 = arith.constant 10000 : i32
        %mul3A_255 = arith.muli %add3A, %mul3A_254 : i32
        %mul3A_256 = arith.constant 80 : i32
        %mul3A_257 = arith.muli %add3A_253, %mul3A_256 : i32
        %add3A_258 = arith.addi %mul3A_255, %mul3A_257 : i32
        %dma_start3A_259 = tpu.memref_slice %arg4[%add3A_258] : memref<320000xi32, #tpu.memory_space<hbm>> -> memref<80xi32, #tpu.memory_space<hbm>>
        %dma_start3A_260 = tpu.memref_slice %arg4[%add3A_258] : memref<320000xi32, #tpu.memory_space<hbm>> -> memref<80xi32, #tpu.memory_space<hbm>>
        tpu.enqueue_dma source(%dma_start3A_260 : memref<80xi32, #tpu.memory_space<hbm>>) target(%arg8 : memref<80xi32, #tpu.memory_space<vmem>>) target_semaphore(%arg18 : memref<!tpu.dma_semaphore, #tpu.memory_space<semaphore_mem>>)
        %add3A_261 = arith.constant 2 : i32
        %add3A_262 = arith.addi %add3A_225, %add3A_261 : i32
        %mul3A_263 = arith.constant 80 : i32
        %mul3A_264 = arith.muli %add3A_262, %mul3A_263 : i32
        %dma_start3A_265 = tpu.memref_slice %arg6[%mul3A_264] : memref<10000xi32, #tpu.memory_space<vmem>> -> memref<80xi32, #tpu.memory_space<vmem>>
        %dma_start3A_266 = arith.constant 0 : i32
        %dma_start3A_267 = arith.constant 0 : i32
        %dma_start3A_268 = tpu.memref_slice %arg2[%dma_start3A_266, %dma_start3A_267] : memref<10000x128xf32, #tpu.memory_space<hbm>> -> memref<10000x128xf32, #tpu.memory_space<hbm>>
        tpu.enqueue_indirect_dma source(%dma_start3A_268 : memref<10000x128xf32, #tpu.memory_space<hbm>>) target(%arg11 : memref<80x128xf32, #tpu.memory_space<vmem>>) offsets(%dma_start3A_265 : memref<80xi32, #tpu.memory_space<vmem>>) semaphore(%arg15 : memref<!tpu.dma_semaphore, #tpu.memory_space<semaphore_mem>>)
      } else {
      }
    }
    %scan3A_127 = arith.constant 40 : i32
    %dma_wait3A_128 = arith.constant 9840 : i32
    %dma_wait3A_129 = tpu.memref_slice %arg6[%dma_wait3A_128] : memref<10000xi32, #tpu.memory_space<vmem>> -> memref<80xi32, #tpu.memory_space<vmem>>
    %dma_wait3A_130 = arith.constant 0 : i32
    %dma_wait3A_131 = arith.constant 0 : i32
    %dma_wait3A_132 = tpu.memref_slice %arg2[%dma_wait3A_130, %dma_wait3A_131] : memref<10000x128xf32, #tpu.memory_space<hbm>> -> memref<10000x128xf32, #tpu.memory_space<hbm>>
    tpu.wait_indirect_dma semaphore(%arg14 : memref<!tpu.dma_semaphore, #tpu.memory_space<semaphore_mem>>) src(%dma_wait3A_132 : memref<10000x128xf32, #tpu.memory_space<hbm>>) dst(%arg10 : memref<80x128xf32, #tpu.memory_space<vmem>>)
    %mul3A_133 = arith.constant 10000 : i32
    %mul3A_134 = arith.muli %add3A, %mul3A_133 : i32
    %add3A_135 = arith.constant 9840 : i32
    %add3A_136 = arith.addi %mul3A_134, %add3A_135 : i32
    %dma_wait3A_137 = tpu.memref_slice %arg4[%add3A_136] : memref<320000xi32, #tpu.memory_space<hbm>> -> memref<80xi32, #tpu.memory_space<hbm>>
    %dma_wait3A_138 = tpu.memref_slice %arg4[%add3A_136] : memref<320000xi32, #tpu.memory_space<hbm>> -> memref<80xi32, #tpu.memory_space<hbm>>
    tpu.wait_dma2 semaphore(%arg17 : memref<!tpu.dma_semaphore, #tpu.memory_space<semaphore_mem>>) src(%dma_wait3A_138 : memref<80xi32, #tpu.memory_space<hbm>>) dst(%arg7 : memref<80xi32, #tpu.memory_space<vmem>>)
    %dma_start3A_139 = arith.constant 0 : i32
    %dma_start3A_140 = arith.constant 0 : i32
    %dma_start3A_141 = tpu.memref_slice %arg13[%dma_start3A_139, %dma_start3A_140] : memref<10000x128xf32, #tpu.memory_space<vmem_shared>> -> memref<10000x128xf32, #tpu.memory_space<vmem_shared>>
    tpu.enqueue_indirect_dma source(%arg10 : memref<80x128xf32, #tpu.memory_space<vmem>>) target(%dma_start3A_141 : memref<10000x128xf32, #tpu.memory_space<vmem_shared>>) offsets(%arg7 : memref<80xi32, #tpu.memory_space<vmem>>) semaphore(%arg20 : memref<!tpu.dma_semaphore, #tpu.memory_space<semaphore_mem>>) {add = true}
    %dma_wait3A_142 = arith.constant 9920 : i32
    %dma_wait3A_143 = tpu.memref_slice %arg6[%dma_wait3A_142] : memref<10000xi32, #tpu.memory_space<vmem>> -> memref<80xi32, #tpu.memory_space<vmem>>
    %dma_wait3A_144 = arith.constant 0 : i32
    %dma_wait3A_145 = arith.constant 0 : i32
    %dma_wait3A_146 = tpu.memref_slice %arg2[%dma_wait3A_144, %dma_wait3A_145] : memref<10000x128xf32, #tpu.memory_space<hbm>> -> memref<10000x128xf32, #tpu.memory_space<hbm>>
    tpu.wait_indirect_dma semaphore(%arg15 : memref<!tpu.dma_semaphore, #tpu.memory_space<semaphore_mem>>) src(%dma_wait3A_146 : memref<10000x128xf32, #tpu.memory_space<hbm>>) dst(%arg11 : memref<80x128xf32, #tpu.memory_space<vmem>>)
    %mul3A_147 = arith.constant 10000 : i32
    %mul3A_148 = arith.muli %add3A, %mul3A_147 : i32
    %add3A_149 = arith.constant 9920 : i32
    %add3A_150 = arith.addi %mul3A_148, %add3A_149 : i32
    %dma_wait3A_151 = tpu.memref_slice %arg4[%add3A_150] : memref<320000xi32, #tpu.memory_space<hbm>> -> memref<80xi32, #tpu.memory_space<hbm>>
    %dma_wait3A_152 = tpu.memref_slice %arg4[%add3A_150] : memref<320000xi32, #tpu.memory_space<hbm>> -> memref<80xi32, #tpu.memory_space<hbm>>
    tpu.wait_dma2 semaphore(%arg18 : memref<!tpu.dma_semaphore, #tpu.memory_space<semaphore_mem>>) src(%dma_wait3A_152 : memref<80xi32, #tpu.memory_space<hbm>>) dst(%arg8 : memref<80xi32, #tpu.memory_space<vmem>>)
    %dma_start3A_153 = arith.constant 0 : i32
    %dma_start3A_154 = arith.constant 0 : i32
    %dma_start3A_155 = tpu.memref_slice %arg13[%dma_start3A_153, %dma_start3A_154] : memref<10000x128xf32, #tpu.memory_space<vmem_shared>> -> memref<10000x128xf32, #tpu.memory_space<vmem_shared>>
    tpu.enqueue_indirect_dma source(%arg11 : memref<80x128xf32, #tpu.memory_space<vmem>>) target(%dma_start3A_155 : memref<10000x128xf32, #tpu.memory_space<vmem_shared>>) offsets(%arg8 : memref<80xi32, #tpu.memory_space<vmem>>) semaphore(%arg21 : memref<!tpu.dma_semaphore, #tpu.memory_space<semaphore_mem>>) {add = true}
    %dma_wait3A_156 = arith.constant 0 : i32
    %dma_wait3A_157 = arith.constant 0 : i32
    %dma_wait3A_158 = tpu.memref_slice %arg13[%dma_wait3A_156, %dma_wait3A_157] : memref<10000x128xf32, #tpu.memory_space<vmem_shared>> -> memref<10000x128xf32, #tpu.memory_space<vmem_shared>>
    tpu.wait_indirect_dma semaphore(%arg21 : memref<!tpu.dma_semaphore, #tpu.memory_space<semaphore_mem>>) src(%arg11 : memref<80x128xf32, #tpu.memory_space<vmem>>) dst(%dma_wait3A_158 : memref<10000x128xf32, #tpu.memory_space<vmem_shared>>)
    %dma_wait3A_159 = arith.constant 0 : i32
    %dma_wait3A_160 = arith.constant 0 : i32
    %dma_wait3A_161 = tpu.memref_slice %arg13[%dma_wait3A_159, %dma_wait3A_160] : memref<10000x128xf32, #tpu.memory_space<vmem_shared>> -> memref<10000x128xf32, #tpu.memory_space<vmem_shared>>
    tpu.wait_indirect_dma semaphore(%arg22 : memref<!tpu.dma_semaphore, #tpu.memory_space<semaphore_mem>>) src(%arg12 : memref<80x128xf32, #tpu.memory_space<vmem>>) dst(%dma_wait3A_161 : memref<10000x128xf32, #tpu.memory_space<vmem_shared>>)
    %dma_wait3A_162 = arith.constant 0 : i32
    %dma_wait3A_163 = arith.constant 0 : i32
    %dma_wait3A_164 = tpu.memref_slice %arg13[%dma_wait3A_162, %dma_wait3A_163] : memref<10000x128xf32, #tpu.memory_space<vmem_shared>> -> memref<10000x128xf32, #tpu.memory_space<vmem_shared>>
    tpu.wait_indirect_dma semaphore(%arg20 : memref<!tpu.dma_semaphore, #tpu.memory_space<semaphore_mem>>) src(%arg10 : memref<80x128xf32, #tpu.memory_space<vmem>>) dst(%dma_wait3A_164 : memref<10000x128xf32, #tpu.memory_space<vmem_shared>>)
    %barrier3A_165 = arith.constant 0 : index
    tpu.barrier barrier_id(%barrier3A_165)
    %scan3A_166 = arith.constant 0 : i32
    %scan3A_167 = arith.constant 0 : i32
    %scan3A_168 = arith.constant 8 : i32
    %scan3A_169 = arith.addi %scan3A_167, %scan3A_168 : i32
    %scan3A_170 = arith.constant 1 : i32
    scf.for %scan3A_172 = %scan3A_167 to %scan3A_169 step %scan3A_170  : i32 {
      %mul3A_173 = arith.constant 16 : i32
      %mul3A_174 = arith.muli %scan3A_172, %mul3A_173 : i32
      %add3A_175 = arith.addi %arg1, %mul3A_174 : i32
      %lt3A = arith.constant 125 : i32
      %lt3A_176 = arith.cmpi slt, %add3A_175, %lt3A : i32
      %convert_element_type3A = arith.extui %lt3A_176 : i1 to i32
      %cond3A = arith.constant 0 : i32
      %cond3A_177 = arith.cmpi ne, %convert_element_type3A, %cond3A : i32
      scf.if %cond3A_177 {
        %mul3A_178 = arith.constant 80 : i32
        %mul3A_179 = arith.muli %add3A_175, %mul3A_178 : i32
        "tpu.region"() ({
          %run_scoped3A = tpu.sem_alloc : memref<!tpu.dma_semaphore, #tpu.memory_space<semaphore_mem>>
          %dma_start3A_180 = arith.constant 0 : i32
          %dma_start3A_181 = tpu.memref_slice %arg5[%arg0, %mul3A_179, %dma_start3A_180] : memref<2x10000x128xf32, #tpu.memory_space<hbm>> -> memref<1x80x128xf32, #tpu.memory_space<hbm>>
          %dma_start3A_182 = tpu.memref_squeeze %dma_start3A_181 : memref<1x80x128xf32, #tpu.memory_space<hbm>> -> memref<80x128xf32, #tpu.memory_space<hbm>>
          %dma_start3A_183 = arith.constant 0 : i32
          %dma_start3A_184 = tpu.memref_slice %arg13[%mul3A_179, %dma_start3A_183] : memref<10000x128xf32, #tpu.memory_space<vmem_shared>> -> memref<80x128xf32, #tpu.memory_space<vmem_shared>>
          tpu.enqueue_dma source(%dma_start3A_184 : memref<80x128xf32, #tpu.memory_space<vmem_shared>>) target(%dma_start3A_182 : memref<80x128xf32, #tpu.memory_space<hbm>>) target_semaphore(%run_scoped3A : memref<!tpu.dma_semaphore, #tpu.memory_space<semaphore_mem>>)
          %dma_wait3A_185 = arith.constant 0 : i32
          %dma_wait3A_186 = tpu.memref_slice %arg5[%arg0, %mul3A_179, %dma_wait3A_185] : memref<2x10000x128xf32, #tpu.memory_space<hbm>> -> memref<1x80x128xf32, #tpu.memory_space<hbm>>
          %dma_wait3A_187 = tpu.memref_squeeze %dma_wait3A_186 : memref<1x80x128xf32, #tpu.memory_space<hbm>> -> memref<80x128xf32, #tpu.memory_space<hbm>>
          %dma_wait3A_188 = arith.constant 0 : i32
          %dma_wait3A_189 = tpu.memref_slice %arg13[%mul3A_179, %dma_wait3A_188] : memref<10000x128xf32, #tpu.memory_space<vmem_shared>> -> memref<80x128xf32, #tpu.memory_space<vmem_shared>>
          tpu.wait_dma2 semaphore(%run_scoped3A : memref<!tpu.dma_semaphore, #tpu.memory_space<semaphore_mem>>) src(%dma_wait3A_189 : memref<80x128xf32, #tpu.memory_space<vmem_shared>>) dst(%dma_wait3A_187 : memref<80x128xf32, #tpu.memory_space<hbm>>)
          tpu.yield
        }) : () -> ()
      } else {
      }
    }
    %scan3A_171 = arith.constant 8 : i32
    return
  }
}

module attributes {stable_mosaic.version = 14 : i64} {
  func.func @body(%arg0: i32, %arg1: memref<2x1000x128xf32, #tpu.memory_space<vmem>>, %arg2: memref<1000x128xf32, #tpu.memory_space<vmem>>, %arg3: memref<1000x1xf32, #tpu.memory_space<vmem>>, %arg4: memref<128x128xf32, #tpu.memory_space<vmem>>, %arg5: memref<1x128xf32, #tpu.memory_space<vmem>>, %arg6: memref<1x128xf32, #tpu.memory_space<vmem>>, %arg7: memref<1x128xf32, #tpu.memory_space<vmem>>, %arg8: memref<1000x128xf32, #tpu.memory_space<vmem>>, %arg9: memref<1000x128xf32, #tpu.memory_space<vmem>>, %arg10: memref<10000x128xf32, #tpu.memory_space<vmem>>, %arg11: memref<1x128xf32, #tpu.memory_space<vmem>>, %arg12: memref<1x128xf32, #tpu.memory_space<vmem>>) attributes {dimension_semantics = [#tpu.dimension_semantics<arbitrary>], iteration_bounds = array<i64: 20>, scalar_prefetch = 0 : i64, scratch_operands = 3 : i64, tpu.core_type = #tpu.core_type<tc>, window_params = [{transform_indices = @transform_0, window_bounds = array<i64: 2, 1000, 128>}, {transform_indices = @transform_1, window_bounds = array<i64: 1000, 128>}, {transform_indices = @transform_2, window_bounds = array<i64: 1000, 1>}, {pipeline_mode = #tpu.pipeline_mode<synchronous>, transform_indices = @transform_3, window_bounds = array<i64: 128, 128>}, {pipeline_mode = #tpu.pipeline_mode<synchronous>, transform_indices = @transform_4, window_bounds = array<i64: 1, 128>}, {pipeline_mode = #tpu.pipeline_mode<synchronous>, transform_indices = @transform_5, window_bounds = array<i64: 1, 128>}, {pipeline_mode = #tpu.pipeline_mode<synchronous>, transform_indices = @transform_6, window_bounds = array<i64: 1, 128>}, {transform_indices = @transform_7, window_bounds = array<i64: 1000, 128>}, {transform_indices = @transform_8, window_bounds = array<i64: 1000, 128>}]} {
    %lt3A = arith.constant 10 : i32
    %lt3A_0 = arith.cmpi slt, %arg0, %lt3A : i32
    %convert_element_type3A = arith.extui %lt3A_0 : i1 to i32
    %cond3A = arith.constant 0 : i32
    %cond3A_1 = arith.cmpi ne, %convert_element_type3A, %cond3A : i32
    scf.if %cond3A_1 {
      %get3A = arith.constant 0 : index
      %get3A_6 = arith.constant 0 : index
      %get3A_7 = vector.load %arg3[%get3A, %get3A_6] : memref<1000x1xf32, #tpu.memory_space<vmem>>, vector<1000x1xf32>
      %get3A_8 = arith.constant 0 : index
      %get3A_9 = arith.constant 0 : index
      %get3A_10 = arith.constant 0 : index
      %get3A_11 = vector.load %arg1[%get3A_8, %get3A_9, %get3A_10] : memref<2x1000x128xf32, #tpu.memory_space<vmem>>, vector<1x1000x128xf32>
      %get3A_12 = vector.shape_cast %get3A_11 : vector<1x1000x128xf32> to vector<1000x128xf32>
      %get3A_13 = arith.constant 1 : index
      %get3A_14 = arith.constant 0 : index
      %get3A_15 = arith.constant 0 : index
      %get3A_16 = vector.load %arg1[%get3A_13, %get3A_14, %get3A_15] : memref<2x1000x128xf32, #tpu.memory_space<vmem>>, vector<1x1000x128xf32>
      %get3A_17 = vector.shape_cast %get3A_16 : vector<1x1000x128xf32> to vector<1000x128xf32>
      %add3A = arith.addf %get3A_12, %get3A_17 : vector<1000x128xf32>
      %mul3A = vector.broadcast %get3A_7 : vector<1000x1xf32> to vector<1000x128xf32>
      %mul3A_18 = arith.mulf %mul3A, %add3A : vector<1000x128xf32>
      %mul3A_19 = arith.mulf %get3A_7, %get3A_7 : vector<1000x1xf32>
      %get3A_20 = arith.constant 0 : index
      %get3A_21 = arith.constant 0 : index
      %get3A_22 = vector.load %arg2[%get3A_20, %get3A_21] : memref<1000x128xf32, #tpu.memory_space<vmem>>, vector<1000x128xf32>
      %mul3A_23 = vector.broadcast %mul3A_19 : vector<1000x1xf32> to vector<1000x128xf32>
      %mul3A_24 = arith.mulf %mul3A_23, %get3A_22 : vector<1000x128xf32>
      %add3A_25 = arith.addf %mul3A_18, %mul3A_24 : vector<1000x128xf32>
      %get3A_26 = arith.constant 0 : index
      %get3A_27 = arith.constant 0 : index
      %get3A_28 = vector.load %arg4[%get3A_26, %get3A_27] : memref<128x128xf32, #tpu.memory_space<vmem>>, vector<128x128xf32>
      %dot_general3A = arith.constant dense<0.000000e+00> : vector<1000x128xf32>
      %dot_general3A_29 = tpu.matmul %add3A_25, %get3A_28, %dot_general3A {dimension_numbers = #tpu.dot_dimension_numbers<[1], [0], [0], [1], [0, 0, 1, 1], [], []>, transpose_lhs_hint = false} : vector<1000x128xf32>, vector<128x128xf32>, vector<1000x128xf32> -> vector<1000x128xf32>
      %get3A_30 = arith.constant 0 : index
      %get3A_31 = arith.constant 0 : index
      %get3A_32 = vector.load %arg5[%get3A_30, %get3A_31] : memref<1x128xf32, #tpu.memory_space<vmem>>, vector<1x128xf32>
      %add3A_33 = vector.broadcast %get3A_32 : vector<1x128xf32> to vector<1000x128xf32>
      %add3A_34 = arith.addf %dot_general3A_29, %add3A_33 : vector<1000x128xf32>
      %mul3A_35 = arith.constant 1000 : i32
      %mul3A_36 = arith.muli %arg0, %mul3A_35 : i32
      %swap3A = arith.index_cast %mul3A_36 : i32 to index
      %swap3A_37 = arith.constant 0 : index
      %swap3A_38 = vector.load %arg10[%swap3A, %swap3A_37] : memref<10000x128xf32, #tpu.memory_space<vmem>>, vector<1000x128xf32>
      tpu.vector_store %arg10[%swap3A, %swap3A_37], %add3A_34 {strides = array<i32>} : memref<10000x128xf32, #tpu.memory_space<vmem>>, vector<1000x128xf32>,
      %reduce_sum3A = arith.constant dense<0.000000e+00> : vector<128xf32>
      %reduce_sum3A_39 = vector.multi_reduction <add>, %add3A_34, %reduce_sum3A [0] : vector<1000x128xf32> to vector<128xf32>
      %broadcast_in_dim3A = vector.shape_cast %reduce_sum3A_39 : vector<128xf32> to vector<1x128xf32>
      %mul3A_40 = arith.mulf %add3A_34, %add3A_34 : vector<1000x128xf32>
      %reduce_sum3A_41 = arith.constant dense<0.000000e+00> : vector<128xf32>
      %reduce_sum3A_42 = vector.multi_reduction <add>, %mul3A_40, %reduce_sum3A_41 [0] : vector<1000x128xf32> to vector<128xf32>
      %broadcast_in_dim3A_43 = vector.shape_cast %reduce_sum3A_42 : vector<128xf32> to vector<1x128xf32>
      %eq3A = arith.constant 0 : i32
      %eq3A_44 = arith.cmpi eq, %arg0, %eq3A : i32
      %convert_element_type3A_45 = arith.extui %eq3A_44 : i1 to i32
      %cond3A_46 = arith.constant 0 : i32
      %cond3A_47 = arith.cmpi ne, %convert_element_type3A_45, %cond3A_46 : i32
      scf.if %cond3A_47 {
        %swap3A_52 = arith.constant 0 : index
        %swap3A_53 = arith.constant 0 : index
        %swap3A_54 = vector.load %arg11[%swap3A_52, %swap3A_53] : memref<1x128xf32, #tpu.memory_space<vmem>>, vector<1x128xf32>
        tpu.vector_store %arg11[%swap3A_52, %swap3A_53], %broadcast_in_dim3A {strides = array<i32>} : memref<1x128xf32, #tpu.memory_space<vmem>>, vector<1x128xf32>,
        %swap3A_55 = arith.constant 0 : index
        %swap3A_56 = arith.constant 0 : index
        %swap3A_57 = vector.load %arg12[%swap3A_55, %swap3A_56] : memref<1x128xf32, #tpu.memory_space<vmem>>, vector<1x128xf32>
        tpu.vector_store %arg12[%swap3A_55, %swap3A_56], %broadcast_in_dim3A_43 {strides = array<i32>} : memref<1x128xf32, #tpu.memory_space<vmem>>, vector<1x128xf32>,
      } else {
      }
      %gt3A = arith.constant 0 : i32
      %gt3A_48 = arith.cmpi sgt, %arg0, %gt3A : i32
      %convert_element_type3A_49 = arith.extui %gt3A_48 : i1 to i32
      %cond3A_50 = arith.constant 0 : i32
      %cond3A_51 = arith.cmpi ne, %convert_element_type3A_49, %cond3A_50 : i32
      scf.if %cond3A_51 {
        %get3A_52 = arith.constant 0 : index
        %get3A_53 = arith.constant 0 : index
        %get3A_54 = vector.load %arg11[%get3A_52, %get3A_53] : memref<1x128xf32, #tpu.memory_space<vmem>>, vector<1x128xf32>
        %add3A_55 = arith.addf %get3A_54, %broadcast_in_dim3A : vector<1x128xf32>
        %swap3A_56 = arith.constant 0 : index
        %swap3A_57 = arith.constant 0 : index
        %swap3A_58 = vector.load %arg11[%swap3A_56, %swap3A_57] : memref<1x128xf32, #tpu.memory_space<vmem>>, vector<1x128xf32>
        tpu.vector_store %arg11[%swap3A_56, %swap3A_57], %add3A_55 {strides = array<i32>} : memref<1x128xf32, #tpu.memory_space<vmem>>, vector<1x128xf32>,
        %get3A_59 = arith.constant 0 : index
        %get3A_60 = arith.constant 0 : index
        %get3A_61 = vector.load %arg12[%get3A_59, %get3A_60] : memref<1x128xf32, #tpu.memory_space<vmem>>, vector<1x128xf32>
        %add3A_62 = arith.addf %get3A_61, %broadcast_in_dim3A_43 : vector<1x128xf32>
        %swap3A_63 = arith.constant 0 : index
        %swap3A_64 = arith.constant 0 : index
        %swap3A_65 = vector.load %arg12[%swap3A_63, %swap3A_64] : memref<1x128xf32, #tpu.memory_space<vmem>>, vector<1x128xf32>
        tpu.vector_store %arg12[%swap3A_63, %swap3A_64], %add3A_62 {strides = array<i32>} : memref<1x128xf32, #tpu.memory_space<vmem>>, vector<1x128xf32>,
      } else {
      }
    } else {
    }
    %ge3A = arith.constant 10 : i32
    %ge3A_2 = arith.cmpi sge, %arg0, %ge3A : i32
    %convert_element_type3A_3 = arith.extui %ge3A_2 : i1 to i32
    %cond3A_4 = arith.constant 0 : i32
    %cond3A_5 = arith.cmpi ne, %convert_element_type3A_3, %cond3A_4 : i32
    scf.if %cond3A_5 {
      %get3A = arith.constant 0 : index
      %get3A_6 = arith.constant 0 : index
      %get3A_7 = vector.load %arg11[%get3A, %get3A_6] : memref<1x128xf32, #tpu.memory_space<vmem>>, vector<1x128xf32>
      %mul3A = arith.constant 9.99999974E-5 : f32
      %mul3A_8 = vector.broadcast %mul3A : f32 to vector<1x128xf32>
      %mul3A_9 = arith.mulf %get3A_7, %mul3A_8 : vector<1x128xf32>
      %get3A_10 = arith.constant 0 : index
      %get3A_11 = arith.constant 0 : index
      %get3A_12 = vector.load %arg12[%get3A_10, %get3A_11] : memref<1x128xf32, #tpu.memory_space<vmem>>, vector<1x128xf32>
      %mul3A_13 = arith.constant 9.99999974E-5 : f32
      %mul3A_14 = vector.broadcast %mul3A_13 : f32 to vector<1x128xf32>
      %mul3A_15 = arith.mulf %get3A_12, %mul3A_14 : vector<1x128xf32>
      %mul3A_16 = arith.mulf %mul3A_9, %mul3A_9 : vector<1x128xf32>
      %sub3A = arith.subf %mul3A_15, %mul3A_16 : vector<1x128xf32>
      %max3A = arith.constant 0.000000e+00 : f32
      %max3A_17 = vector.broadcast %max3A : f32 to vector<1x128xf32>
      %max3A_18 = arith.maximumf %sub3A, %max3A_17 : vector<1x128xf32>
      %add3A = arith.constant 9.99999974E-6 : f32
      %add3A_19 = vector.broadcast %add3A : f32 to vector<1x128xf32>
      %add3A_20 = arith.addf %max3A_18, %add3A_19 : vector<1x128xf32>
      %rsqrt3A = math.rsqrt %add3A_20 : vector<1x128xf32>
      %sub3A_21 = arith.constant 10 : i32
      %sub3A_22 = arith.subi %arg0, %sub3A_21 : i32
      %mul3A_23 = arith.constant 1000 : i32
      %mul3A_24 = arith.muli %sub3A_22, %mul3A_23 : i32
      %get3A_25 = arith.index_cast %mul3A_24 : i32 to index
      %get3A_26 = arith.constant 0 : index
      %get3A_27 = vector.load %arg10[%get3A_25, %get3A_26] : memref<10000x128xf32, #tpu.memory_space<vmem>>, vector<1000x128xf32>
      %sub3A_28 = vector.broadcast %mul3A_9 : vector<1x128xf32> to vector<1000x128xf32>
      %sub3A_29 = arith.subf %get3A_27, %sub3A_28 : vector<1000x128xf32>
      %mul3A_30 = vector.broadcast %rsqrt3A : vector<1x128xf32> to vector<1000x128xf32>
      %mul3A_31 = arith.mulf %sub3A_29, %mul3A_30 : vector<1000x128xf32>
      %get3A_32 = arith.constant 0 : index
      %get3A_33 = arith.constant 0 : index
      %get3A_34 = vector.load %arg6[%get3A_32, %get3A_33] : memref<1x128xf32, #tpu.memory_space<vmem>>, vector<1x128xf32>
      %mul3A_35 = vector.broadcast %get3A_34 : vector<1x128xf32> to vector<1000x128xf32>
      %mul3A_36 = arith.mulf %mul3A_31, %mul3A_35 : vector<1000x128xf32>
      %get3A_37 = arith.constant 0 : index
      %get3A_38 = arith.constant 0 : index
      %get3A_39 = vector.load %arg7[%get3A_37, %get3A_38] : memref<1x128xf32, #tpu.memory_space<vmem>>, vector<1x128xf32>
      %add3A_40 = vector.broadcast %get3A_39 : vector<1x128xf32> to vector<1000x128xf32>
      %add3A_41 = arith.addf %mul3A_36, %add3A_40 : vector<1000x128xf32>
      %max3A_42 = arith.constant 0.000000e+00 : f32
      %max3A_43 = vector.broadcast %max3A_42 : f32 to vector<1000x128xf32>
      %max3A_44 = arith.maximumf %add3A_41, %max3A_43 : vector<1000x128xf32>
      %swap3A = arith.constant 0 : index
      %swap3A_45 = arith.constant 0 : index
      %swap3A_46 = vector.load %arg8[%swap3A, %swap3A_45] : memref<1000x128xf32, #tpu.memory_space<vmem>>, vector<1000x128xf32>
      tpu.vector_store %arg8[%swap3A, %swap3A_45], %max3A_44 {strides = array<i32>} : memref<1000x128xf32, #tpu.memory_space<vmem>>, vector<1000x128xf32>,
      %get3A_47 = arith.constant 0 : index
      %get3A_48 = arith.constant 0 : index
      %get3A_49 = vector.load %arg3[%get3A_47, %get3A_48] : memref<1000x1xf32, #tpu.memory_space<vmem>>, vector<1000x1xf32>
      %mul3A_50 = vector.broadcast %get3A_49 : vector<1000x1xf32> to vector<1000x128xf32>
      %mul3A_51 = arith.mulf %max3A_44, %mul3A_50 : vector<1000x128xf32>
      %swap3A_52 = arith.constant 0 : index
      %swap3A_53 = arith.constant 0 : index
      %swap3A_54 = vector.load %arg9[%swap3A_52, %swap3A_53] : memref<1000x128xf32, #tpu.memory_space<vmem>>, vector<1000x128xf32>
      tpu.vector_store %arg9[%swap3A_52, %swap3A_53], %mul3A_51 {strides = array<i32>} : memref<1000x128xf32, #tpu.memory_space<vmem>>, vector<1000x128xf32>,
    } else {
    }
    return
  }
  func.func @transform_0(%arg0: i32) -> (i32, i32, i32) {
    %lt3A = arith.constant 10 : i32
    %lt3A_0 = arith.cmpi slt, %arg0, %lt3A : i32
    %jit3A = arith.constant 0 : i32
    %select_n3A = arith.select %lt3A_0, %arg0, %jit3A : i32
    %c0_i32 = arith.constant 0 : i32
    %c0_i32_1 = arith.constant 0 : i32
    %c0_i32_2 = arith.constant 0 : i32
    return %c0_i32, %select_n3A, %c0_i32_1 : i32, i32, i32
  }
  func.func @transform_1(%arg0: i32) -> (i32, i32) {
    %lt3A = arith.constant 10 : i32
    %lt3A_0 = arith.cmpi slt, %arg0, %lt3A : i32
    %jit3A = arith.constant 0 : i32
    %select_n3A = arith.select %lt3A_0, %arg0, %jit3A : i32
    %c0_i32 = arith.constant 0 : i32
    %c0_i32_1 = arith.constant 0 : i32
    return %select_n3A, %c0_i32 : i32, i32
  }
  func.func @transform_2(%arg0: i32) -> (i32, i32) {
    %jit3A = arith.constant 10 : i32
    %eq3A = arith.constant 0 : i32
    %eq3A_0 = arith.cmpi eq, %jit3A, %eq3A : i32
    %jit3A_1 = arith.constant 1 : i32
    %select_n3A = arith.select %eq3A_0, %jit3A_1, %jit3A : i32
    %rem3A = arith.remsi %arg0, %select_n3A : i32
    %ne3A = arith.constant 0 : i32
    %ne3A_2 = arith.cmpi ne, %rem3A, %ne3A : i32
    %lt3A = arith.constant 0 : i32
    %lt3A_3 = arith.cmpi slt, %rem3A, %lt3A : i32
    %lt3A_4 = arith.constant 0 : i32
    %lt3A_5 = arith.cmpi slt, %select_n3A, %lt3A_4 : i32
    %ne3A_6 = arith.xori %lt3A_3, %lt3A_5 : i1
    %and3A = arith.andi %ne3A_6, %ne3A_2 : i1
    %add3A = arith.addi %rem3A, %select_n3A : i32
    %select_n3A_7 = arith.select %and3A, %add3A, %rem3A : i32
    %c0_i32 = arith.constant 0 : i32
    %c0_i32_8 = arith.constant 0 : i32
    return %select_n3A_7, %c0_i32 : i32, i32
  }
  func.func @transform_3(%arg0: i32) -> (i32, i32) {
    %c0_i32 = arith.constant 0 : i32
    %c0_i32_0 = arith.constant 0 : i32
    %c0_i32_1 = arith.constant 0 : i32
    return %c0_i32, %c0_i32_0 : i32, i32
  }
  func.func @transform_4(%arg0: i32) -> (i32, i32) {
    %c0_i32 = arith.constant 0 : i32
    %c0_i32_0 = arith.constant 0 : i32
    %c0_i32_1 = arith.constant 0 : i32
    return %c0_i32, %c0_i32_0 : i32, i32
  }
  func.func @transform_5(%arg0: i32) -> (i32, i32) {
    %c0_i32 = arith.constant 0 : i32
    %c0_i32_0 = arith.constant 0 : i32
    %c0_i32_1 = arith.constant 0 : i32
    return %c0_i32, %c0_i32_0 : i32, i32
  }
  func.func @transform_6(%arg0: i32) -> (i32, i32) {
    %c0_i32 = arith.constant 0 : i32
    %c0_i32_0 = arith.constant 0 : i32
    %c0_i32_1 = arith.constant 0 : i32
    return %c0_i32, %c0_i32_0 : i32, i32
  }
  func.func @transform_7(%arg0: i32) -> (i32, i32) {
    %lt3A = arith.constant 10 : i32
    %lt3A_0 = arith.cmpi slt, %arg0, %lt3A : i32
    %sub3A = arith.constant 10 : i32
    %sub3A_1 = arith.subi %arg0, %sub3A : i32
    %jit3A = arith.constant 0 : i32
    %select_n3A = arith.select %lt3A_0, %jit3A, %sub3A_1 : i32
    %c0_i32 = arith.constant 0 : i32
    %c0_i32_2 = arith.constant 0 : i32
    return %select_n3A, %c0_i32 : i32, i32
  }
  func.func @transform_8(%arg0: i32) -> (i32, i32) {
    %lt3A = arith.constant 10 : i32
    %lt3A_0 = arith.cmpi slt, %arg0, %lt3A : i32
    %sub3A = arith.constant 10 : i32
    %sub3A_1 = arith.subi %arg0, %sub3A : i32
    %jit3A = arith.constant 0 : i32
    %select_n3A = arith.select %lt3A_0, %jit3A, %sub3A_1 : i32
    %c0_i32 = arith.constant 0 : i32
    %c0_i32_2 = arith.constant 0 : i32
    return %select_n3A, %c0_i32 : i32, i32
  }
}

module attributes {stable_mosaic.version = 14 : i64} {
  func.func @body(%arg0: i32, %arg1: memref<2x1000x16xf32, #tpu.memory_space<vmem>>, %arg2: memref<1000x128xf32, #tpu.memory_space<vmem>>, %arg3: memref<1000x1xf32, #tpu.memory_space<vmem>>, %arg4: memref<1000x128xf32, #tpu.memory_space<vmem>>) attributes {dimension_semantics = [#tpu.dimension_semantics<arbitrary>], iteration_bounds = array<i64: 10>, scalar_prefetch = 0 : i64, scratch_operands = 0 : i64, tpu.core_type = #tpu.core_type<tc>, window_params = [{transform_indices = @transform_0, window_bounds = array<i64: 2, 1000, 16>}, {transform_indices = @transform_1, window_bounds = array<i64: 1000, 128>}, {transform_indices = @transform_2, window_bounds = array<i64: 1000, 1>}, {transform_indices = @transform_3, window_bounds = array<i64: 1000, 128>}]} {
    %get3A = arith.constant 0 : index
    %get3A_0 = arith.constant 0 : index
    %get3A_1 = arith.constant 0 : index
    %get3A_2 = vector.load %arg1[%get3A, %get3A_0, %get3A_1] : memref<2x1000x16xf32, #tpu.memory_space<vmem>>, vector<1x1000x16xf32>
    %get3A_3 = vector.shape_cast %get3A_2 : vector<1x1000x16xf32> to vector<1000x16xf32>
    %slice3A = vector.extract_strided_slice %get3A_3 {offsets = [0, 0], sizes = [1000, 1], strides = [1, 1]} : vector<1000x16xf32> to vector<1000x1xf32>
    %get3A_4 = arith.constant 1 : index
    %get3A_5 = arith.constant 0 : index
    %get3A_6 = arith.constant 0 : index
    %get3A_7 = vector.load %arg1[%get3A_4, %get3A_5, %get3A_6] : memref<2x1000x16xf32, #tpu.memory_space<vmem>>, vector<1x1000x16xf32>
    %get3A_8 = vector.shape_cast %get3A_7 : vector<1x1000x16xf32> to vector<1000x16xf32>
    %slice3A_9 = vector.extract_strided_slice %get3A_8 {offsets = [0, 0], sizes = [1000, 1], strides = [1, 1]} : vector<1000x16xf32> to vector<1000x1xf32>
    %add3A = arith.addf %slice3A, %slice3A_9 : vector<1000x1xf32>
    %add3A_10 = arith.constant 1.000000e+00 : f32
    %add3A_11 = vector.broadcast %add3A_10 : f32 to vector<1000x1xf32>
    %add3A_12 = arith.addf %add3A, %add3A_11 : vector<1000x1xf32>
    %max3A = arith.constant 1.000000e+00 : f32
    %max3A_13 = vector.broadcast %max3A : f32 to vector<1000x1xf32>
    %max3A_14 = arith.maximumf %add3A_12, %max3A_13 : vector<1000x1xf32>
    %rsqrt3A = math.rsqrt %max3A_14 : vector<1000x1xf32>
    %swap3A = arith.constant 0 : index
    %swap3A_15 = arith.constant 0 : index
    %swap3A_16 = vector.load %arg3[%swap3A, %swap3A_15] : memref<1000x1xf32, #tpu.memory_space<vmem>>, vector<1000x1xf32>
    tpu.vector_store %arg3[%swap3A, %swap3A_15], %rsqrt3A {strides = array<i32>} : memref<1000x1xf32, #tpu.memory_space<vmem>>, vector<1000x1xf32>,
    %get3A_17 = arith.constant 0 : index
    %get3A_18 = arith.constant 0 : index
    %get3A_19 = vector.load %arg2[%get3A_17, %get3A_18] : memref<1000x128xf32, #tpu.memory_space<vmem>>, vector<1000x128xf32>
    %mul3A = vector.broadcast %rsqrt3A : vector<1000x1xf32> to vector<1000x128xf32>
    %mul3A_20 = arith.mulf %get3A_19, %mul3A : vector<1000x128xf32>
    %swap3A_21 = arith.constant 0 : index
    %swap3A_22 = arith.constant 0 : index
    %swap3A_23 = vector.load %arg4[%swap3A_21, %swap3A_22] : memref<1000x128xf32, #tpu.memory_space<vmem>>, vector<1000x128xf32>
    tpu.vector_store %arg4[%swap3A_21, %swap3A_22], %mul3A_20 {strides = array<i32>} : memref<1000x128xf32, #tpu.memory_space<vmem>>, vector<1000x128xf32>,
    return
  }
  func.func @transform_0(%arg0: i32) -> (i32, i32, i32) {
    %c0_i32 = arith.constant 0 : i32
    %c0_i32_0 = arith.constant 0 : i32
    %c0_i32_1 = arith.constant 0 : i32
    return %c0_i32, %arg0, %c0_i32_0 : i32, i32, i32
  }
  func.func @transform_1(%arg0: i32) -> (i32, i32) {
    %c0_i32 = arith.constant 0 : i32
    %c0_i32_0 = arith.constant 0 : i32
    return %arg0, %c0_i32 : i32, i32
  }
  func.func @transform_2(%arg0: i32) -> (i32, i32) {
    %c0_i32 = arith.constant 0 : i32
    %c0_i32_0 = arith.constant 0 : i32
    return %arg0, %c0_i32 : i32, i32
  }
  func.func @transform_3(%arg0: i32) -> (i32, i32) {
    %c0_i32 = arith.constant 0 : i32
    %c0_i32_0 = arith.constant 0 : i32
    return %arg0, %c0_i32 : i32, i32
  }
}

module attributes {stable_mosaic.version = 14 : i64} {
  func.func @body(%arg0: i32, %arg1: memref<2x1000x128xf32, #tpu.memory_space<vmem>>, %arg2: memref<1000x128xf32, #tpu.memory_space<vmem>>, %arg3: memref<1000x1xf32, #tpu.memory_space<vmem>>, %arg4: memref<128x128xf32, #tpu.memory_space<vmem>>, %arg5: memref<1x128xf32, #tpu.memory_space<vmem>>, %arg6: memref<1x128xf32, #tpu.memory_space<vmem>>, %arg7: memref<1x128xf32, #tpu.memory_space<vmem>>, %arg8: memref<1000x128xf32, #tpu.memory_space<vmem>>, %arg9: memref<1000x128xf32, #tpu.memory_space<vmem>>, %arg10: memref<10000x128xf32, #tpu.memory_space<vmem>>, %arg11: memref<1x128xf32, #tpu.memory_space<vmem>>, %arg12: memref<1x128xf32, #tpu.memory_space<vmem>>) attributes {dimension_semantics = [#tpu.dimension_semantics<arbitrary>], iteration_bounds = array<i64: 20>, scalar_prefetch = 0 : i64, scratch_operands = 3 : i64, tpu.core_type = #tpu.core_type<tc>, window_params = [{transform_indices = @transform_0, window_bounds = array<i64: 2, 1000, 128>}, {transform_indices = @transform_1, window_bounds = array<i64: 1000, 128>}, {transform_indices = @transform_2, window_bounds = array<i64: 1000, 1>}, {pipeline_mode = #tpu.pipeline_mode<synchronous>, transform_indices = @transform_3, window_bounds = array<i64: 128, 128>}, {pipeline_mode = #tpu.pipeline_mode<synchronous>, transform_indices = @transform_4, window_bounds = array<i64: 1, 128>}, {pipeline_mode = #tpu.pipeline_mode<synchronous>, transform_indices = @transform_5, window_bounds = array<i64: 1, 128>}, {pipeline_mode = #tpu.pipeline_mode<synchronous>, transform_indices = @transform_6, window_bounds = array<i64: 1, 128>}, {transform_indices = @transform_7, window_bounds = array<i64: 1000, 128>}, {transform_indices = @transform_8, window_bounds = array<i64: 1000, 128>}]} {
    %lt3A = arith.constant 10 : i32
    %lt3A_0 = arith.cmpi slt, %arg0, %lt3A : i32
    %convert_element_type3A = arith.extui %lt3A_0 : i1 to i32
    %cond3A = arith.constant 0 : i32
    %cond3A_1 = arith.cmpi ne, %convert_element_type3A, %cond3A : i32
    scf.if %cond3A_1 {
      %get3A = arith.constant 0 : index
      %get3A_6 = arith.constant 0 : index
      %get3A_7 = vector.load %arg3[%get3A, %get3A_6] : memref<1000x1xf32, #tpu.memory_space<vmem>>, vector<1000x1xf32>
      %get3A_8 = arith.constant 0 : index
      %get3A_9 = arith.constant 0 : index
      %get3A_10 = arith.constant 0 : index
      %get3A_11 = vector.load %arg1[%get3A_8, %get3A_9, %get3A_10] : memref<2x1000x128xf32, #tpu.memory_space<vmem>>, vector<1x1000x128xf32>
      %get3A_12 = vector.shape_cast %get3A_11 : vector<1x1000x128xf32> to vector<1000x128xf32>
      %get3A_13 = arith.constant 1 : index
      %get3A_14 = arith.constant 0 : index
      %get3A_15 = arith.constant 0 : index
      %get3A_16 = vector.load %arg1[%get3A_13, %get3A_14, %get3A_15] : memref<2x1000x128xf32, #tpu.memory_space<vmem>>, vector<1x1000x128xf32>
      %get3A_17 = vector.shape_cast %get3A_16 : vector<1x1000x128xf32> to vector<1000x128xf32>
      %add3A = arith.addf %get3A_12, %get3A_17 : vector<1000x128xf32>
      %mul3A = vector.broadcast %get3A_7 : vector<1000x1xf32> to vector<1000x128xf32>
      %mul3A_18 = arith.mulf %mul3A, %add3A : vector<1000x128xf32>
      %mul3A_19 = arith.mulf %get3A_7, %get3A_7 : vector<1000x1xf32>
      %get3A_20 = arith.constant 0 : index
      %get3A_21 = arith.constant 0 : index
      %get3A_22 = vector.load %arg2[%get3A_20, %get3A_21] : memref<1000x128xf32, #tpu.memory_space<vmem>>, vector<1000x128xf32>
      %mul3A_23 = vector.broadcast %mul3A_19 : vector<1000x1xf32> to vector<1000x128xf32>
      %mul3A_24 = arith.mulf %mul3A_23, %get3A_22 : vector<1000x128xf32>
      %add3A_25 = arith.addf %mul3A_18, %mul3A_24 : vector<1000x128xf32>
      %get3A_26 = arith.constant 0 : index
      %get3A_27 = arith.constant 0 : index
      %get3A_28 = vector.load %arg4[%get3A_26, %get3A_27] : memref<128x128xf32, #tpu.memory_space<vmem>>, vector<128x128xf32>
      %dot_general3A = arith.constant dense<0.000000e+00> : vector<1000x128xf32>
      %dot_general3A_29 = tpu.matmul %add3A_25, %get3A_28, %dot_general3A {dimension_numbers = #tpu.dot_dimension_numbers<[1], [0], [0], [1], [0, 0, 1, 1], [], []>, transpose_lhs_hint = false} : vector<1000x128xf32>, vector<128x128xf32>, vector<1000x128xf32> -> vector<1000x128xf32>
      %get3A_30 = arith.constant 0 : index
      %get3A_31 = arith.constant 0 : index
      %get3A_32 = vector.load %arg5[%get3A_30, %get3A_31] : memref<1x128xf32, #tpu.memory_space<vmem>>, vector<1x128xf32>
      %add3A_33 = vector.broadcast %get3A_32 : vector<1x128xf32> to vector<1000x128xf32>
      %add3A_34 = arith.addf %dot_general3A_29, %add3A_33 : vector<1000x128xf32>
      %mul3A_35 = arith.constant 1000 : i32
      %mul3A_36 = arith.muli %arg0, %mul3A_35 : i32
      %swap3A = arith.index_cast %mul3A_36 : i32 to index
      %swap3A_37 = arith.constant 0 : index
      %swap3A_38 = vector.load %arg10[%swap3A, %swap3A_37] : memref<10000x128xf32, #tpu.memory_space<vmem>>, vector<1000x128xf32>
      tpu.vector_store %arg10[%swap3A, %swap3A_37], %add3A_34 {strides = array<i32>} : memref<10000x128xf32, #tpu.memory_space<vmem>>, vector<1000x128xf32>,
      %reduce_sum3A = arith.constant dense<0.000000e+00> : vector<128xf32>
      %reduce_sum3A_39 = vector.multi_reduction <add>, %add3A_34, %reduce_sum3A [0] : vector<1000x128xf32> to vector<128xf32>
      %broadcast_in_dim3A = vector.shape_cast %reduce_sum3A_39 : vector<128xf32> to vector<1x128xf32>
      %mul3A_40 = arith.mulf %add3A_34, %add3A_34 : vector<1000x128xf32>
      %reduce_sum3A_41 = arith.constant dense<0.000000e+00> : vector<128xf32>
      %reduce_sum3A_42 = vector.multi_reduction <add>, %mul3A_40, %reduce_sum3A_41 [0] : vector<1000x128xf32> to vector<128xf32>
      %broadcast_in_dim3A_43 = vector.shape_cast %reduce_sum3A_42 : vector<128xf32> to vector<1x128xf32>
      %eq3A = arith.constant 0 : i32
      %eq3A_44 = arith.cmpi eq, %arg0, %eq3A : i32
      %convert_element_type3A_45 = arith.extui %eq3A_44 : i1 to i32
      %cond3A_46 = arith.constant 0 : i32
      %cond3A_47 = arith.cmpi ne, %convert_element_type3A_45, %cond3A_46 : i32
      scf.if %cond3A_47 {
        %swap3A_52 = arith.constant 0 : index
        %swap3A_53 = arith.constant 0 : index
        %swap3A_54 = vector.load %arg11[%swap3A_52, %swap3A_53] : memref<1x128xf32, #tpu.memory_space<vmem>>, vector<1x128xf32>
        tpu.vector_store %arg11[%swap3A_52, %swap3A_53], %broadcast_in_dim3A {strides = array<i32>} : memref<1x128xf32, #tpu.memory_space<vmem>>, vector<1x128xf32>,
        %swap3A_55 = arith.constant 0 : index
        %swap3A_56 = arith.constant 0 : index
        %swap3A_57 = vector.load %arg12[%swap3A_55, %swap3A_56] : memref<1x128xf32, #tpu.memory_space<vmem>>, vector<1x128xf32>
        tpu.vector_store %arg12[%swap3A_55, %swap3A_56], %broadcast_in_dim3A_43 {strides = array<i32>} : memref<1x128xf32, #tpu.memory_space<vmem>>, vector<1x128xf32>,
      } else {
      }
      %gt3A = arith.constant 0 : i32
      %gt3A_48 = arith.cmpi sgt, %arg0, %gt3A : i32
      %convert_element_type3A_49 = arith.extui %gt3A_48 : i1 to i32
      %cond3A_50 = arith.constant 0 : i32
      %cond3A_51 = arith.cmpi ne, %convert_element_type3A_49, %cond3A_50 : i32
      scf.if %cond3A_51 {
        %get3A_52 = arith.constant 0 : index
        %get3A_53 = arith.constant 0 : index
        %get3A_54 = vector.load %arg11[%get3A_52, %get3A_53] : memref<1x128xf32, #tpu.memory_space<vmem>>, vector<1x128xf32>
        %add3A_55 = arith.addf %get3A_54, %broadcast_in_dim3A : vector<1x128xf32>
        %swap3A_56 = arith.constant 0 : index
        %swap3A_57 = arith.constant 0 : index
        %swap3A_58 = vector.load %arg11[%swap3A_56, %swap3A_57] : memref<1x128xf32, #tpu.memory_space<vmem>>, vector<1x128xf32>
        tpu.vector_store %arg11[%swap3A_56, %swap3A_57], %add3A_55 {strides = array<i32>} : memref<1x128xf32, #tpu.memory_space<vmem>>, vector<1x128xf32>,
        %get3A_59 = arith.constant 0 : index
        %get3A_60 = arith.constant 0 : index
        %get3A_61 = vector.load %arg12[%get3A_59, %get3A_60] : memref<1x128xf32, #tpu.memory_space<vmem>>, vector<1x128xf32>
        %add3A_62 = arith.addf %get3A_61, %broadcast_in_dim3A_43 : vector<1x128xf32>
        %swap3A_63 = arith.constant 0 : index
        %swap3A_64 = arith.constant 0 : index
        %swap3A_65 = vector.load %arg12[%swap3A_63, %swap3A_64] : memref<1x128xf32, #tpu.memory_space<vmem>>, vector<1x128xf32>
        tpu.vector_store %arg12[%swap3A_63, %swap3A_64], %add3A_62 {strides = array<i32>} : memref<1x128xf32, #tpu.memory_space<vmem>>, vector<1x128xf32>,
      } else {
      }
    } else {
    }
    %ge3A = arith.constant 10 : i32
    %ge3A_2 = arith.cmpi sge, %arg0, %ge3A : i32
    %convert_element_type3A_3 = arith.extui %ge3A_2 : i1 to i32
    %cond3A_4 = arith.constant 0 : i32
    %cond3A_5 = arith.cmpi ne, %convert_element_type3A_3, %cond3A_4 : i32
    scf.if %cond3A_5 {
      %get3A = arith.constant 0 : index
      %get3A_6 = arith.constant 0 : index
      %get3A_7 = vector.load %arg11[%get3A, %get3A_6] : memref<1x128xf32, #tpu.memory_space<vmem>>, vector<1x128xf32>
      %mul3A = arith.constant 9.99999974E-5 : f32
      %mul3A_8 = vector.broadcast %mul3A : f32 to vector<1x128xf32>
      %mul3A_9 = arith.mulf %get3A_7, %mul3A_8 : vector<1x128xf32>
      %get3A_10 = arith.constant 0 : index
      %get3A_11 = arith.constant 0 : index
      %get3A_12 = vector.load %arg12[%get3A_10, %get3A_11] : memref<1x128xf32, #tpu.memory_space<vmem>>, vector<1x128xf32>
      %mul3A_13 = arith.constant 9.99999974E-5 : f32
      %mul3A_14 = vector.broadcast %mul3A_13 : f32 to vector<1x128xf32>
      %mul3A_15 = arith.mulf %get3A_12, %mul3A_14 : vector<1x128xf32>
      %mul3A_16 = arith.mulf %mul3A_9, %mul3A_9 : vector<1x128xf32>
      %sub3A = arith.subf %mul3A_15, %mul3A_16 : vector<1x128xf32>
      %max3A = arith.constant 0.000000e+00 : f32
      %max3A_17 = vector.broadcast %max3A : f32 to vector<1x128xf32>
      %max3A_18 = arith.maximumf %sub3A, %max3A_17 : vector<1x128xf32>
      %add3A = arith.constant 9.99999974E-6 : f32
      %add3A_19 = vector.broadcast %add3A : f32 to vector<1x128xf32>
      %add3A_20 = arith.addf %max3A_18, %add3A_19 : vector<1x128xf32>
      %rsqrt3A = math.rsqrt %add3A_20 : vector<1x128xf32>
      %sub3A_21 = arith.constant 10 : i32
      %sub3A_22 = arith.subi %arg0, %sub3A_21 : i32
      %mul3A_23 = arith.constant 1000 : i32
      %mul3A_24 = arith.muli %sub3A_22, %mul3A_23 : i32
      %get3A_25 = arith.index_cast %mul3A_24 : i32 to index
      %get3A_26 = arith.constant 0 : index
      %get3A_27 = vector.load %arg10[%get3A_25, %get3A_26] : memref<10000x128xf32, #tpu.memory_space<vmem>>, vector<1000x128xf32>
      %sub3A_28 = vector.broadcast %mul3A_9 : vector<1x128xf32> to vector<1000x128xf32>
      %sub3A_29 = arith.subf %get3A_27, %sub3A_28 : vector<1000x128xf32>
      %mul3A_30 = vector.broadcast %rsqrt3A : vector<1x128xf32> to vector<1000x128xf32>
      %mul3A_31 = arith.mulf %sub3A_29, %mul3A_30 : vector<1000x128xf32>
      %get3A_32 = arith.constant 0 : index
      %get3A_33 = arith.constant 0 : index
      %get3A_34 = vector.load %arg6[%get3A_32, %get3A_33] : memref<1x128xf32, #tpu.memory_space<vmem>>, vector<1x128xf32>
      %mul3A_35 = vector.broadcast %get3A_34 : vector<1x128xf32> to vector<1000x128xf32>
      %mul3A_36 = arith.mulf %mul3A_31, %mul3A_35 : vector<1000x128xf32>
      %get3A_37 = arith.constant 0 : index
      %get3A_38 = arith.constant 0 : index
      %get3A_39 = vector.load %arg7[%get3A_37, %get3A_38] : memref<1x128xf32, #tpu.memory_space<vmem>>, vector<1x128xf32>
      %add3A_40 = vector.broadcast %get3A_39 : vector<1x128xf32> to vector<1000x128xf32>
      %add3A_41 = arith.addf %mul3A_36, %add3A_40 : vector<1000x128xf32>
      %max3A_42 = arith.constant 0.000000e+00 : f32
      %max3A_43 = vector.broadcast %max3A_42 : f32 to vector<1000x128xf32>
      %max3A_44 = arith.maximumf %add3A_41, %max3A_43 : vector<1000x128xf32>
      %get3A_45 = arith.constant 0 : index
      %get3A_46 = arith.constant 0 : index
      %get3A_47 = vector.load %arg8[%get3A_45, %get3A_46] : memref<1000x128xf32, #tpu.memory_space<vmem>>, vector<1000x128xf32>
      %add3A_48 = arith.addf %get3A_47, %max3A_44 : vector<1000x128xf32>
      %swap3A = arith.constant 0 : index
      %swap3A_49 = arith.constant 0 : index
      %swap3A_50 = vector.load %arg9[%swap3A, %swap3A_49] : memref<1000x128xf32, #tpu.memory_space<vmem>>, vector<1000x128xf32>
      tpu.vector_store %arg9[%swap3A, %swap3A_49], %add3A_48 {strides = array<i32>} : memref<1000x128xf32, #tpu.memory_space<vmem>>, vector<1000x128xf32>,
    } else {
    }
    return
  }
  func.func @transform_0(%arg0: i32) -> (i32, i32, i32) {
    %lt3A = arith.constant 10 : i32
    %lt3A_0 = arith.cmpi slt, %arg0, %lt3A : i32
    %jit3A = arith.constant 0 : i32
    %select_n3A = arith.select %lt3A_0, %arg0, %jit3A : i32
    %c0_i32 = arith.constant 0 : i32
    %c0_i32_1 = arith.constant 0 : i32
    %c0_i32_2 = arith.constant 0 : i32
    return %c0_i32, %select_n3A, %c0_i32_1 : i32, i32, i32
  }
  func.func @transform_1(%arg0: i32) -> (i32, i32) {
    %lt3A = arith.constant 10 : i32
    %lt3A_0 = arith.cmpi slt, %arg0, %lt3A : i32
    %jit3A = arith.constant 0 : i32
    %select_n3A = arith.select %lt3A_0, %arg0, %jit3A : i32
    %c0_i32 = arith.constant 0 : i32
    %c0_i32_1 = arith.constant 0 : i32
    return %select_n3A, %c0_i32 : i32, i32
  }
  func.func @transform_2(%arg0: i32) -> (i32, i32) {
    %lt3A = arith.constant 10 : i32
    %lt3A_0 = arith.cmpi slt, %arg0, %lt3A : i32
    %jit3A = arith.constant 0 : i32
    %select_n3A = arith.select %lt3A_0, %arg0, %jit3A : i32
    %c0_i32 = arith.constant 0 : i32
    %c0_i32_1 = arith.constant 0 : i32
    return %select_n3A, %c0_i32 : i32, i32
  }
  func.func @transform_3(%arg0: i32) -> (i32, i32) {
    %c0_i32 = arith.constant 0 : i32
    %c0_i32_0 = arith.constant 0 : i32
    %c0_i32_1 = arith.constant 0 : i32
    return %c0_i32, %c0_i32_0 : i32, i32
  }
  func.func @transform_4(%arg0: i32) -> (i32, i32) {
    %c0_i32 = arith.constant 0 : i32
    %c0_i32_0 = arith.constant 0 : i32
    %c0_i32_1 = arith.constant 0 : i32
    return %c0_i32, %c0_i32_0 : i32, i32
  }
  func.func @transform_5(%arg0: i32) -> (i32, i32) {
    %c0_i32 = arith.constant 0 : i32
    %c0_i32_0 = arith.constant 0 : i32
    %c0_i32_1 = arith.constant 0 : i32
    return %c0_i32, %c0_i32_0 : i32, i32
  }
  func.func @transform_6(%arg0: i32) -> (i32, i32) {
    %c0_i32 = arith.constant 0 : i32
    %c0_i32_0 = arith.constant 0 : i32
    %c0_i32_1 = arith.constant 0 : i32
    return %c0_i32, %c0_i32_0 : i32, i32
  }
  func.func @transform_7(%arg0: i32) -> (i32, i32) {
    %lt3A = arith.constant 10 : i32
    %lt3A_0 = arith.cmpi slt, %arg0, %lt3A : i32
    %sub3A = arith.constant 10 : i32
    %sub3A_1 = arith.subi %arg0, %sub3A : i32
    %jit3A = arith.constant 0 : i32
    %select_n3A = arith.select %lt3A_0, %jit3A, %sub3A_1 : i32
    %c0_i32 = arith.constant 0 : i32
    %c0_i32_2 = arith.constant 0 : i32
    return %select_n3A, %c0_i32 : i32, i32
  }
  func.func @transform_8(%arg0: i32) -> (i32, i32) {
    %lt3A = arith.constant 10 : i32
    %lt3A_0 = arith.cmpi slt, %arg0, %lt3A : i32
    %sub3A = arith.constant 10 : i32
    %sub3A_1 = arith.subi %arg0, %sub3A : i32
    %jit3A = arith.constant 0 : i32
    %select_n3A = arith.select %lt3A_0, %jit3A, %sub3A_1 : i32
    %c0_i32 = arith.constant 0 : i32
    %c0_i32_2 = arith.constant 0 : i32
    return %select_n3A, %c0_i32 : i32, i32
  }
}

</mosaic_0001>

<sc_bundles>
// kernel: kernel.11.cloned.1.call-start
scs
__scs_entry_jumppad:
0x0: {  	(pc) =	sbr.rel $0x88, $3  }
0x1: {  	(tag) =	ssettag $0x0;
	lr =	simm.s32 $0x1  }
0x2: {  	[smem:$0x3F97] =	sst lr;
	_ =	strace $0xD0000000  }
0x3: {  	_ = 	snop  }
0x4: {  	_ = 	snop  }
0x5: {  	_ = 	snop  }
0x6: {  	_ = 	snop  }
0x7: {  	_ = 	snop  }
__scs_overlays_trampoline_lowered:
0x8: {  	[smem:$0x3FA6] =	sst s0  }
0x9: {  	[smem:$0x3FA7] =	sst s1  }
0xa: {  	[smem:$0x3FA8] =	sst s2  }
0xb: {  	[smem:$0x3FA9] =	sst s3  }
0xc: {  	[smem:$0x3FAA] =	sst s4  }
0xd: {  	[smem:$0x3FAB] =	sst s5  }
0xe: {  	[smem:$0x3FAC] =	sst s6  }
0xf: {  	[smem:$0x3FAD] =	sst s7  }
0x10: {  	[smem:$0x3FAE] =	sst s8  }
0x11: {  	[smem:$0x3FAF] =	sst s9;
	s0 =	simm.s32 @!p0 $0x0  }
0x12: {  	s1 =	sld [smem:$0x3F95];
	s0 =	simm.s32 @p0 $0x1  }
0x13: {  	[smem:$0x3FB0] =	sst s0;
	s0 =	simm.s32 @!p1 $0x0  }
0x14: {  	s2 =	sld [smem:$0x3F94];
	s0 =	simm.s32 @p1 $0x1  }
0x15: {  	[smem:$0x3FB1] =	sst s0;
	s0 =	simm.s32 @!p2 $0x0  }
0x16: {  	s3 =	sld [smem:$0x3FDB];
	s0 =	simm.s32 @p2 $0x1  }
0x17: {  	s4 =	simm.s32 $0x1BF5;
	[smem:$0x3FB3] =	sst s0  }
0x18: {  	s0 =	sld [smem:$0x3F96];
	_ =	swait.ge [sflag:s4], $0x0  }
0x19: {  	s7 =	sld [smem:$0x3F97]  }
0x1a: {  	s8 =	sadd.s32 $0xFFFFE003, lr  }
0x1b: {  	s9 =	sadd.s32 $0xFFFFFEF7, lr;
	s5 =	simm.s32 $0xFFFFFFFF;
	p2 =	slt.u32 s8, $0xFFFFF086  }
0x1c: {  	p1 =	slt.u32 s9, $0xF7A;
	s5 =	simm.s32 @!p2 $0x0  }
0x1d: {  	s5 =	simm.s32 @p1 $0x1;
	p0 =	seq.s32 s7, s2  }
0x1e: {  	s7 =	smul.u32 @!p0 $0xF7A, s2;
	p2 =	seq.s32 @!p0 s5, $0x0  }
0x1f: {  	s9 =	smul.u32 $0xF7A, s1;
	s8 =	simm.s32 @!p0 $0x1BF5;
	p2 =	por !p2, p0  }
0x20: {  	[sflag:s8] =	ssyncset.s32 @!p0 $0xFFFFF086;
	s6 =	sadd.s32 @!p0 s3, s7;
	s7 =	simm.s32 @!p0 $0x108  }
0x21: {  	s3 =	sadd.s32 s3, s9;
	s6 =	sadd.s32 @!p0 $0x88, s6;
	s7 =	simm.s32 @p2 $0x1082  }
0x22: {  	[simem:s7], [sflag:s8] =	dma.local @!p0 [hbm:s6], $0xF7A  }
0x23: {  	s9 =	sor.u32 $0xD0000000, s2;
	s6 =	simm.s32 $0x108;
	_ =	swait.ge @!p0 [sflag:s8], $0x0  }
0x24: {  	s3 =	sadd.s32 $0x88, s3;
	s6 =	simm.s32 @!p1 $0x1082;
	[sflag:s4] =	ssyncset.s32 $0xFFFFF086  }
0x25: {  	[simem:s6], [sflag:s4] =	dma.local [hbm:s3], $0xF7A  }
0x26: {  	[smem:$0x3F97] =	sst s1;
	(tag) =	ssettag s2;
	_ =	strace s9  }
0x27: {  	s1 =	sld [smem:$0x3FA7]  }
0x28: {  	s2 =	sld [smem:$0x3FA8]  }
0x29: {  	s4 =	sld [smem:$0x3FAA]  }
0x2a: {  	p0 =	seq.s32 s5, $0x0;
	s5 =	sld [smem:$0x3FAB]  }
0x2b: {  	s6 =	sld [smem:$0x3FAC]  }
0x2c: {  	s7 =	sld [smem:$0x3FAD]  }
0x2d: {  	s3 =	simm.s32 $0x108;
	s8 =	sld [smem:$0x3FAE]  }
0x2e: {  	s3 =	simm.s32 @!p0 $0x1082;
	s9 =	sld [smem:$0x3FAF]  }
0x2f: {  	lr =	sadd.s32 s0, s3;
	s0 =	sld [smem:$0x3FA6]  }
0x30: {  	s3 =	sld [smem:$0x3FA9]  }
0x31: {  	[smem:$0x3FB2] =	sst s10  }
0x32: {  	s10 =	sld [smem:$0x3FB0];
	_ =	sdelay $0x3  }
0x33: {  	p0 =	seq.s32 s10, $0x1;
	s10 =	sld [smem:$0x3FB2];
	_ =	sdelay $0x3  }
0x34: {  	[smem:$0x3FB2] =	sst s10  }
0x35: {  	s10 =	sld [smem:$0x3FB1];
	_ =	sdelay $0x3  }
0x36: {  	p1 =	seq.s32 s10, $0x1;
	s10 =	sld [smem:$0x3FB2];
	_ =	sdelay $0x3  }
0x37: {  	[smem:$0x3FB2] =	sst s10  }
0x38: {  	s10 =	sld [smem:$0x3FB3]  }
0x39: {  	_ = 	snop;
	(pc) =	sbr.ind lr, $3  }
0x3a: {  	_ = 	snop  }
0x3b: {  	_ = 	snop  }
0x3c: {  	p2 =	seq.s32 s10, $0x1;
	s10 =	sld [smem:$0x3FB2]  }
0x3d: {  	_ =	shalt  }
0x3e: {  	_ =	shalt  }
0x3f: {  	_ =	shalt  }
0x40: {  	_ =	shalt  }
0x41: {  	_ =	shalt  }
0x42: {  	_ =	shalt  }
0x43: {  	_ =	shalt  }
0x44: {  	_ =	shalt  }
0x45: {  	_ =	shalt  }
0x46: {  	_ =	shalt  }
0x47: {  	_ =	shalt  }
0x48: {  	_ =	shalt  }
0x49: {  	_ =	shalt  }
0x4a: {  	_ =	shalt  }
0x4b: {  	_ =	shalt  }
0x4c: {  	_ =	shalt  }
0x4d: {  	_ =	shalt  }
0x4e: {  	_ =	shalt  }
0x4f: {  	_ =	shalt  }
0x50: {  	_ =	shalt  }
0x51: {  	_ =	shalt  }
0x52: {  	_ =	shalt  }
0x53: {  	_ =	shalt  }
0x54: {  	_ =	shalt  }
0x55: {  	_ =	shalt  }
0x56: {  	_ =	shalt  }
0x57: {  	_ =	shalt  }
0x58: {  	_ =	shalt  }
0x59: {  	_ =	shalt  }
0x5a: {  	_ =	shalt  }
0x5b: {  	_ =	shalt  }
0x5c: {  	_ =	shalt  }
0x5d: {  	_ =	shalt  }
0x5e: {  	_ =	shalt  }
0x5f: {  	_ =	shalt  }
0x60: {  	_ =	shalt  }
0x61: {  	_ =	shalt  }
0x62: {  	_ =	shalt  }
0x63: {  	_ =	shalt  }
0x64: {  	_ =	shalt  }
0x65: {  	_ =	shalt  }
0x66: {  	_ =	shalt  }
0x67: {  	_ =	shalt  }
0x68: {  	_ =	shalt  }
0x69: {  	_ =	shalt  }
0x6a: {  	_ =	shalt  }
0x6b: {  	_ =	shalt  }
0x6c: {  	_ =	shalt  }
0x6d: {  	_ =	shalt  }
0x6e: {  	_ =	shalt  }
0x6f: {  	_ =	shalt  }
0x70: {  	_ =	shalt  }
0x71: {  	_ =	shalt  }
0x72: {  	_ =	shalt  }
0x73: {  	_ =	shalt  }
0x74: {  	_ =	shalt  }
0x75: {  	_ =	shalt  }
0x76: {  	_ =	shalt  }
0x77: {  	_ =	shalt  }
0x78: {  	_ =	shalt  }
0x79: {  	_ =	shalt  }
0x7a: {  	_ =	shalt  }
0x7b: {  	_ =	shalt  }
0x7c: {  	_ =	shalt  }
0x7d: {  	_ =	shalt  }
0x7e: {  	_ =	shalt  }
0x7f: {  	_ =	shalt  }
0x80: {  	_ =	shalt  }
0x81: {  	_ =	shalt  }
0x82: {  	_ =	shalt  }
0x83: {  	_ =	shalt  }
0x84: {  	_ =	shalt  }
0x85: {  	_ =	shalt  }
0x86: {  	_ =	shalt  }
0x87: {  	_ =	shalt  }
.Lfunc_end0:
.L_simem_size_0:
called_computation.1_lowered:
.L_overlay_start_0:
0x88: {  	s2 =	sld [smem:$0x3FD9]  }
0x89: {  	s3 =	sld [smem:$0x3FFE];
	_ =	sdelay $0x1  }
0x8a: {  	s1 =	srdreg.scid  }
0x8b: {  	s0 =	sand.u32 $0x1, s1  }
0x8c: {  	s17 =	sshll.u32 s0, $0xA;
	s2 =	sadd.s32 s3, s2  }
0x8d: {  	s2 =	sadd.s32 s2, s17  }
0x8e: {  	[smem:$0x3FBE] =	sst s2  }
0x8f: {  	_ = 	snop  }
0x90: {  	s2 =	sld [smem:$0x3FD0];
	(tm) =	ssettm $0x1  }
0x91: {  	s18 =	sld [smem:$0x3FFB];
	_ =	sdelay $0x3  }
0x92: {  	_ =	strace s18  }
0x93: {  	s3 =	sld [smem:$0x3FFC];
	_ =	sdelay $0x3  }
0x94: {  	_ =	strace s3  }
0x95: {  	s3 =	sld [smem:$0x3FFD];
	_ =	sdelay $0x3  }
0x96: {  	_ =	strace s3  }
0x97: {  	_ =	strace $0x8FFFFFFF  }
0x98: {  	s19 =	sld [smem:$0x3FDB];
	_ =	sdelay $0x1  }
0x99: {  	s4 =	simm.s32 $_scs_section_size  }
0x9a: {  	s5 =	simm.s32 $_size__tile_overlayer_lowered;
	s6 =	simm.s32 $_tile_overlayer_lowered  }
0x9b: {  	s22 =	simm.s32 $0x1BFF;
	s21 =	sshll.u32 s6, $0x1;
	s3 =	sadd.s32 s4, s19  }
0x9c: {  	s7 =	simm.s32 $0x0;
	s20 =	sshll.u32 s5, $0x1;
	s5 =	sadd.s32 s21, s3  }
0x9d: {  	[timem:s7], [sflag:s22] =	dma.local [hbm:s5], s20  }
0x9e: {  	_ =	swait.ge [sflag:s22], s20  }
0x9f: {  	s4 =	ssub.s32 $0x0, s20;
	[sflag:s22] =	ssyncset.done $0x0  }
0xa0: {  	[sflag:s22] =	ssyncadd.s32 s4;
	_ =	sdelay $0x1  }
0xa1: {  	s23 =	simm.s32 $0x1B8B  }
0xa2: {  	_ =	swait.ge [sflag:s23], $0x1  }
0xa3: {  	[sflag:s23] =	ssyncset.done $0x0  }
0xa4: {  	s25 =	simm.s32 $0x1B8E;
	s24 =	sld [smem:$0x3FFE];
	[sflag:s23] =	ssyncadd.s32 $0xFFFFFFFF  }
0xa5: {  	s26 =	simm.s32 $execute0_lowered;
	[smem:$0x3FD2] =	sst s25  }
0xa6: {  	s5 =	sshll.u32 s26, $0x1;
	_ =	strace $0x80000049;
	[dreg:$0x1] =	wrdreg $0xFFFFFFFF  }
0xa7: {  	s28 =	simm.s32 $_size_execute0_lowered;
	s3 =	sadd.s32 s3, s5;
	[dreg:$0x0] =	wrdreg $0x0  }
0xa8: {  	s5 =	sshll.u32 s28, $0x1;
	[dreg:$0x2] =	wrdreg s3  }
0xa9: {  	[dreg:$0x3] =	wrdreg s5  }
0xaa: {  	[dreg:$0x4] =	wrdreg $0xC0  }
0xab: {  	_ =	task [dreg:s7], $0x5FFFF  }
0xac: {  	[dreg:$0x1] =	wrdreg $0xFFFFFFFF  }
0xad: {  	[dreg:$0x0] =	wrdreg $0x60  }
0xae: {  	[dreg:$0x2] =	wrdreg s2  }
0xaf: {  	[dreg:$0x3] =	wrdreg s24  }
0xb0: {  	[dreg:$0x4] =	wrdreg $0xA1000  }
0xb1: {  	[dreg:$0x5] =	wrdreg $0x9  }
0xb2: {  	_ =	task.clear_ibuf [dreg:s7], $0x6FFFF;
	_ =	strace $0x90000049  }
0xb3: {  	s29 =	simm.s32 $0x9;
	_ =	strace $0x8000004B  }
0xb4: {  	_ =	swait.ge [sflag:s29], $0x1  }
0xb5: {  	[sflag:s29] =	ssyncadd.s32 $0xFFFFFFFF  }
0xb6: {  	_ =	strace $0x9000004B  }
0xb7: {  	_ =	sfence  }
0xb8: {  	s30 =	sld [smem:$0x0];
	_ =	sdelay $0x2  }
0xb9: {  	s31 =	sshll.u32 s1, $0xD;
	s1 =	sshrl.u32 s1, $0x2  }
0xba: {  	s3 =	sand.u32 $0x4000, s31;
	s1 =	sadd.s32 s1, s30  }
0xbb: {  	s0 =	sor.u32 s3, s0;
	s1 =	sshll.u32 s1, $0x11  }
0xbc: {  	s0 =	sor.u32 s1, s0  }
0xbd: {  	s0 =	sadd.s32 $0x8F2B, s0  }
0xbe: {  	[sflag:s0] =	ssyncadd.remote.s32 $0x1  }
0xbf: {  	_ =	sfence.sel $0xFFFF  }
0xc0: {  	[dreg:$0x0] =	wrdreg $0xFFFFFFFF;
	(pc) =	sbr.abs _section_cstart, $3  }
0xc1: {  	[dreg:$0x1] =	wrdreg $0xFFFFFFFF  }
0xc2: {  	_ =	task.clear_ibuf [dreg:s7], $0x2FFFF;
	_ =	strace $0x9FFFFFFF  }
0xc3: {  	(tm) =	ssettm $0x7FFFFFFF  }
tec
execute0_lowered:
.L_overlay_start_1:
0x0: {  	(tag) =	ssettag $0x1  }
0x1: {  	s1 =	rddreg [dreg:$0x0]  }
0x2: {  	s0 =	srdreg.scid;
	s5 =	rddreg [dreg:$0x1]  }
0x3: {  	s21 =	stileid.u32;
	s2 =	rddreg [dreg:$0x2]  }
0x4: {  	s3 =	simm.s32 $0x0;
	s28 =	simm.s32 $0x3;
	s29 =	simm.s32 $0x6  }
0x5: {  	s30 =	simm.s32 $0x8;
	s4 =	sand.u32 $0x1, s0;
	s12 =	smul.u32 $0x2800, s21  }
0x6: {  	s31 =	simm.s32 $0x9;
	s13 =	sor.u32 $0x30, s21;
	s10 =	smul.u32 $0x138800, s4  }
0x7: {  	[smem:$0x7FF] =	sst s3;
	s17 =	sor.u32 $0x40, s21;
	s24 =	smul.u32 $0x2800, s13  }
0x8: {  	s7 =	sadd.s32 $0xC400, s5;
	s18 =	sor.u32 $0x50, s21;
	s15 =	smul.u32 $0x2800, s17  }
0x9: {  	s11 =	sor.u32 $0x10, s21;
	s20 =	sor.u32 $0x70, s21;
	s26 =	smul.u32 $0x2800, s18  }
0xa: {  	s19 =	sor.u32 $0x60, s21;
	s0 =	sshll.u32 s4, $0x4;
	s16 =	smul.u32 $0x2800, s20  }
0xb: {  	s8 =	ssub.s32 $0x2, s4;
	s4 =	smul.u32 $0x27100, s4;
	s0 =	sor.u32 s21, s0  }
0xc: {  	p1 =	sgt.u32 s21, $0xC;
	s9 =	sshrl.u32 s8, $0x1;
	s0 =	smul.u32 $0x2710, s0  }
0xd: {  	p0 =	sgt.u32 s20, $0x7C;
	s8 =	ssub.s32 s8, s9;
	s9 =	smul.u32 $0xA000, s11  }
0xe: {  	s12 =	sadd.s32 s10, s12;
	s11 =	smul.u32 $0x2800, s11;
	s23 =	sadd.s32 s10, s24  }
0xf: {  	s24 =	smul.u32 $0x2800, s19;
	s15 =	sadd.s32 s10, s15;
	s12 =	sshrl.u32 s12, $0x3  }
0x10: {  	s15 =	sshrl.u32 s15, $0x3;
	s6 =	sshrl.u32 s0, $0x3;
	s11 =	sadd.s32 s10, s11  }
0x11: {  	s0 =	sadd.s32 s6, s5;
	s22 =	sadd.s32 s7, s6;
	s6 =	sor.u32 $0x20, s21  }
0x12: {  	s5 =	sadd.s32 $0x16200, s5;
	s11 =	sshrl.u32 s11, $0x3;
	s14 =	smul.u32 $0x2800, s6  }
0x13: {  	s12 =	sadd.s32 s5, s12;
	s11 =	sadd.s32 s5, s11;
	s0 =	sadd.s32 $0x2600, s0  }
0x14: {  	s6 =	smul.u32 $0xA000, s6;
	[dreg:$0x5] =	wrdreg s12;
	s14 =	sadd.s32 s10, s14  }
0x15: {  	[dreg:$0x6] =	wrdreg s11;
	s12 =	sadd.s32 s10, s24;
	s25 =	sshrl.u32 s14, $0x3  }
0x16: {  	s14 =	sadd.s32 s10, s26;
	s10 =	sadd.s32 s10, s16;
	s26 =	sadd.s32 s5, s15  }
0x17: {  	s15 =	sshrl.u32 s12, $0x3;
	s11 =	sadd.s32 s5, s25;
	s25 =	smul.u32 $0x2710, s21  }
0x18: {  	[dreg:$0x9] =	wrdreg s26;
	s14 =	sshrl.u32 s14, $0x3;
	s10 =	sshrl.u32 s10, $0x3  }
0x19: {  	s26 =	smul.u32 $0xA000, s21;
	[dreg:$0x7] =	wrdreg s11;
	s11 =	sshrl.u32 s23, $0x3  }
0x1a: {  	s21 =	sadd.s32 $0x14, s22;
	s11 =	sadd.s32 s5, s11;
	s4 =	sadd.s32 s25, s4  }
0x1b: {  	[dreg:$0x8] =	wrdreg s11;
	s11 =	sadd.s32 s5, s14;
	s16 =	sadd.s32 $0x230, s4  }
0x1c: {  	s24 =	sadd.s32 $0x1E0, s4;
	s4 =	sadd.s32 $0x190, s4;
	[dreg:$0xa] =	wrdreg s11  }
0x1d: {  	s11 =	sadd.s32 s5, s15;
	s5 =	sadd.s32 s5, s10;
	s23 =	sshrl.u32 s16, $0x3  }
0x1e: {  	s25 =	sshrl.u32 s24, $0x3;
	s4 =	sshrl.u32 s4, $0x3;
	[dreg:$0xb] =	wrdreg s11  }
0x1f: {  	[dreg:$0xc] =	wrdreg s5;
	s14 =	sadd.s32 s23, s7;
	s15 =	sadd.s32 s25, s7  }
0x20: {  	s16 =	sadd.s32 s4, s7;
	s5 =	smax.u32 s8, $0x1;
	s7 =	sshrl.u32 s9, $0x2  }
0x21: {  	s9 =	smul.u32 $0xA000, s17;
	_ =	strace $0x8000004A;
	[dreg:$0xd] =	wrdreg s0  }
0x22: {  	s17 =	smul.u32 $0xA000, s20;
	s20 =	sadd.s32 $0xA, s22;
	[dreg:$0xe] =	wrdreg s5  }
0x23: {  	s4 =	sshrl.u32 s26, $0x2;
	s8 =	smul.u32 $0xA000, s13;
	[dreg:$0x15] =	wrdreg s20  }
0x24: {  	s11 =	smul.u32 $0xA000, s18;
	s25 =	sadd.s32 $0x1E, s22;
	[dreg:$0x16] =	wrdreg s21  }
0x25: {  	s13 =	smul.u32 $0xA000, s19;
	s26 =	sadd.s32 $0x28, s22;
	[dreg:$0x17] =	wrdreg s25  }
0x26: {  	s23 =	sadd.s32 s4, s2;
	s24 =	sadd.s32 s7, s2;
	[dreg:$0x4] =	wrdreg s22  }
0x27: {  	s0 =	sshrl.u32 s6, $0x2;
	[dreg:$0x18] =	wrdreg s26;
	s5 =	simm.s32 $0x7  }
0x28: {  	s6 =	simm.s32 $0x2780;
	s7 =	simm.s32 $0x50;
	s10 =	sshrl.u32 s8, $0x2  }
0x29: {  	s0 =	sadd.s32 s0, s2;
	s4 =	sshrl.u32 s9, $0x2;
	s18 =	sshrl.u32 s11, $0x2  }
0x2a: {  	s19 =	sshrl.u32 s17, $0x2;
	s8 =	simm.s32 $0x2800;
	s9 =	simm.s32 $0x5100  }
0x2b: {  	s11 =	simm.s32 $0x4;
	s17 =	simm.s32 $0x2;
	[dreg:$0xf] =	wrdreg s0  }
0x2c: {  	s12 =	sadd.s32 s10, s2;
	s4 =	sadd.s32 s4, s2;
	s0 =	sshrl.u32 s13, $0x2  }
0x2d: {  	s13 =	simm.s32 $0x2900;
	s10 =	simm.s32 $0x1;
	[dreg:$0x10] =	wrdreg s12  }
0x2e: {  	[dreg:$0x11] =	wrdreg s4;
	s4 =	sadd.s32 s18, s2;
	s0 =	sadd.s32 s0, s2  }
0x2f: {  	s12 =	simm.s32 $0x2880;
	s18 =	simm.s32 $0x5;
	[dreg:$0x12] =	wrdreg s4  }
0x30: {  	[dreg:$0x13] =	wrdreg s0;
	s0 =	sadd.s32 s19, s2;
	s4 =	simm.s32 $0x7900  }
0x31: {  	v0 =	vimm.f32 $0.0e+00;
	s19 =	simm.s32 $0x0;
	[dreg:$0x14] =	wrdreg s0;
	s0 =	simm.s32 $0xA  }
.LBB2_1:
0x32: {  	s20 =	simm.s32 $0x0;
	s21 =	simm.s32 $0x200  }
.LBB2_2:
0x33: {  	p2 =	sne.s32 s21, $0x9E00;
	[tilespmem:s20+$0x2970] =	vst v0  }
0x34: {  	[tilespmem:s20+$0x2900] =	vst v0  }
0x35: {  	[tilespmem:s20+$0x2910] =	vst v0  }
.Ltmp0:
0x36: {  	[tilespmem:s20+$0x2920] =	vst v0;
	(pc) =	sbr.rel @p2 .LBB2_2-.Ltmp0, $4  }
0x37: {  	[tilespmem:s20+$0x2930] =	vst v0  }
0x38: {  	[tilespmem:s20+$0x2940] =	vst v0  }
0x39: {  	[tilespmem:s20+$0x2950] =	vst v0  }
0x3a: {  	[tilespmem:s20+$0x2960] =	vst v0;
	s20 =	sshra.s32 s21, $0x2;
	s21 =	sadd.s32 $0x200, s21  }
0x3b: {  	[tilespmem:s20+$0x2970] =	vst v0  }
0x3c: {  	[tilespmem:s20+$0x2900] =	vst v0  }
0x3d: {  	[tilespmem:s20+$0x2910] =	vst v0  }
0x3e: {  	[tilespmem:s20+$0x2920] =	vst v0  }
0x3f: {  	[tilespmem:s20+$0x2930] =	vst v0  }
0x40: {  	[tilespmem:s20+$0x2940] =	vst v0  }
0x41: {  	[tilespmem:s20+$0x2950] =	vst v0  }
0x42: {  	[tilespmem:s20+$0x2960] =	vst v0  }
0x43: {  	[spmem:s23] =	stream.linear.scatter [tilespmem:s13], [sflag:$0x7], $0x2800, $0x38;
	[tilespmem:$0x1D980] =	vst v63  }
0x44: {  	_ = 	snop  }
0x45: {  	[spmem:s24] =	stream.linear.scatter [tilespmem:s13], [sflag:$0x7], $0x2800, $0x38;
	[tilespmem:$0x1D980] =	vst v63  }
0x46: {  	s26 =	smov.u32 s24;
	s24 =	rddreg [dreg:$0xf]  }
0x47: {  	[spmem:s24] =	stream.linear.scatter [tilespmem:s13], [sflag:$0x7], $0x2800, $0x38;
	[tilespmem:$0x1D980] =	vst v63  }
0x48: {  	s21 =	rddreg [dreg:$0x10]  }
0x49: {  	[spmem:s21] =	stream.linear.scatter [tilespmem:s13], [sflag:$0x7], $0x2800, $0x38;
	[tilespmem:$0x1D980] =	vst v63  }
0x4a: {  	s22 =	rddreg [dreg:$0x11]  }
0x4b: {  	[spmem:s22] =	stream.linear.scatter [tilespmem:s13], [sflag:$0x7], $0x2800, $0x38;
	[tilespmem:$0x1D980] =	vst v63  }
0x4c: {  	s25 =	smov.u32 s23;
	s23 =	rddreg [dreg:$0x12]  }
0x4d: {  	[spmem:s23] =	stream.linear.scatter [tilespmem:s13], [sflag:$0x7], $0x2800, $0x38;
	[tilespmem:$0x1D980] =	vst v63  }
0x4e: {  	s24 =	rddreg [dreg:$0x13]  }
0x4f: {  	[spmem:s24] =	stream.linear.scatter [tilespmem:s13], [sflag:$0x7], $0x2800, $0x38;
	[tilespmem:$0x1D980] =	vst v63  }
0x50: {  	s20 =	simm.s32 @!p0 $0x2900;
	s21 =	rddreg [dreg:$0x14]  }
0x51: {  	[spmem:s21] =	stream.linear.scatter @!p0 [tilespmem:s20], [sflag:$0x7], $0x2800, $0x38;
	[tilespmem:$0x1D980] =	vst v63  }
0x52: {  	s21 =	rddreg [dreg:$0xd]  }
0x53: {  	[tilespmem:s3], [sflag:$0xA] =	stream.linear.gather [hbm4b:s21+s3], $0x2710, $0x38;
	[tilespmem:$0x1D980] =	vst v63  }
0x54: {  	_ =	swait.ge [sflag:s0], $0x2710  }
0x55: {  	[sflag:s0] =	ssyncset.done $0x0  }
0x56: {  	[sflag:s0] =	ssyncadd.s32 $0xFFFFD8F0  }
0x57: {  	_ =	swait.ge [sflag:s5], $0x2800  }
0x58: {  	[sflag:s5] =	ssyncset.done $0x0  }
0x59: {  	[sflag:s5] =	ssyncadd.s32 $0xFFFFD800  }
0x5a: {  	_ =	swait.ge [sflag:s5], $0x2800  }
0x5b: {  	[sflag:s5] =	ssyncset.done $0x0  }
0x5c: {  	[sflag:s5] =	ssyncadd.s32 $0xFFFFD800  }
0x5d: {  	_ =	swait.ge [sflag:s5], $0x2800  }
0x5e: {  	[sflag:s5] =	ssyncset.done $0x0  }
0x5f: {  	[sflag:s5] =	ssyncadd.s32 $0xFFFFD800  }
0x60: {  	_ =	swait.ge [sflag:s5], $0x2800  }
0x61: {  	[sflag:s5] =	ssyncset.done $0x0  }
0x62: {  	[sflag:s5] =	ssyncadd.s32 $0xFFFFD800  }
0x63: {  	_ =	swait.ge [sflag:s5], $0x2800  }
0x64: {  	[sflag:s5] =	ssyncset.done $0x0  }
0x65: {  	[sflag:s5] =	ssyncadd.s32 $0xFFFFD800  }
0x66: {  	_ =	swait.ge [sflag:s5], $0x2800  }
0x67: {  	[sflag:s5] =	ssyncset.done $0x0  }
0x68: {  	[sflag:s5] =	ssyncadd.s32 $0xFFFFD800  }
0x69: {  	_ =	swait.ge [sflag:s5], $0x2800  }
0x6a: {  	[sflag:s5] =	ssyncset.done $0x0  }
0x6b: {  	s20 =	simm.s32 @!p1 $0x7;
	[sflag:s5] =	ssyncadd.s32 $0xFFFFD800  }
0x6c: {  	_ =	swait.ge @!p1 [sflag:s20], $0x2800  }
0x6d: {  	[sflag:s20] =	ssyncset.done @!p1 $0x0  }
0x6e: {  	[sflag:s20] =	ssyncadd.s32 @!p1 $0xFFFFD800  }
0x6f: {  	[bflag:$0x0] =	sbarrier.arrive $0xFFFF  }
0x70: {  	s20 =	simm.s32 $0x0;
	s22 =	rddreg [dreg:$0x4]  }
0x71: {  	[tilespmem:s6], [sflag:$0x4] =	stream.linear.gather [hbm4b:s22+s20], $0x50, $0x38;
	[tilespmem:$0x1D980] =	vst v63  }
0x72: {  	_ = 	snop  }
0x73: {  	[tilespmem:s13], [sflag:$0x1] =	stream.indirect.gather [hbm4b:s1+s7], $0x80, s20, s7, $0xb8;
	[tilespmem:$0x1D980] =	vst v63  }
0x74: {  	s23 =	rddreg [dreg:$0x15]  }
0x75: {  	[tilespmem:s8], [sflag:$0x5] =	stream.linear.gather [hbm4b:s23+s20], $0x50, $0x38;
	[tilespmem:$0x1D980] =	vst v63  }
0x76: {  	_ = 	snop  }
0x77: {  	[tilespmem:s9], [sflag:$0x2] =	stream.indirect.gather [hbm4b:s1+s7], $0x80, s7, s7, $0xb8;
	[tilespmem:$0x1D980] =	vst v63  }
0x78: {  	_ =	swait.ge [sflag:s10], $0x2800  }
0x79: {  	[sflag:s10] =	ssyncset.done $0x0  }
0x7a: {  	[sflag:s10] =	ssyncadd.s32 $0xFFFFD800  }
0x7b: {  	_ =	swait.ge [sflag:s11], $0x50  }
0x7c: {  	[sflag:s11] =	ssyncset.done $0x0  }
0x7d: {  	[sflag:s11] =	ssyncadd.s32 $0xFFFFFFB0  }
0x7e: {  	[spmem:s2] =	stream.indirect.scatter.add.f32 [tilespmem:s13], [sflag:$0x7], $0x80, s6, s7, $0xb8;
	[tilespmem:$0x1D980] =	vst v63  }
0x7f: {  	s24 =	rddreg [dreg:$0x16]  }
0x80: {  	[tilespmem:s12], [sflag:$0x6] =	stream.linear.gather [hbm4b:s24+s20], $0x50, $0x38;
	[tilespmem:$0x1D980] =	vst v63  }
0x81: {  	s22 =	simm.s32 $0xA0  }
0x82: {  	[tilespmem:s4], [sflag:$0x3] =	stream.indirect.gather [hbm4b:s1+s7], $0x80, s22, s7, $0xb8;
	[tilespmem:$0x1D980] =	vst v63  }
0x83: {  	_ =	swait.ge [sflag:s17], $0x2800  }
0x84: {  	[sflag:s17] =	ssyncset.done $0x0  }
0x85: {  	[sflag:s17] =	ssyncadd.s32 $0xFFFFD800  }
0x86: {  	_ =	swait.ge [sflag:s18], $0x50  }
0x87: {  	[sflag:s18] =	ssyncset.done $0x0  }
0x88: {  	[sflag:s18] =	ssyncadd.s32 $0xFFFFFFB0  }
0x89: {  	[spmem:s2] =	stream.indirect.scatter.add.f32 [tilespmem:s9], [sflag:$0x8], $0x80, s8, s7, $0xb8;
	[tilespmem:$0x1D980] =	vst v63  }
0x8a: {  	_ =	swait.ge [sflag:s5], $0x2800  }
0x8b: {  	[sflag:s5] =	ssyncset.done $0x0  }
0x8c: {  	s23 =	rddreg [dreg:$0x17];
	[sflag:s5] =	ssyncadd.s32 $0xFFFFD800  }
0x8d: {  	[tilespmem:s6], [sflag:$0x4] =	stream.linear.gather [hbm4b:s23+s20], $0x50, $0x38;
	[tilespmem:$0x1D980] =	vst v63  }
0x8e: {  	s24 =	simm.s32 $0xF0  }
0x8f: {  	[tilespmem:s13], [sflag:$0x1] =	stream.indirect.gather [hbm4b:s1+s7], $0x80, s24, s7, $0xb8;
	[tilespmem:$0x1D980] =	vst v63  }
0x90: {  	_ =	swait.ge [sflag:s28], $0x2800  }
0x91: {  	[sflag:s28] =	ssyncset.done $0x0  }
0x92: {  	[sflag:s28] =	ssyncadd.s32 $0xFFFFD800  }
0x93: {  	_ =	swait.ge [sflag:s29], $0x50  }
0x94: {  	[sflag:s29] =	ssyncset.done $0x0  }
0x95: {  	[sflag:s29] =	ssyncadd.s32 $0xFFFFFFB0  }
0x96: {  	[spmem:s2] =	stream.indirect.scatter.add.f32 [tilespmem:s4], [sflag:$0x9], $0x80, s12, s7, $0xb8;
	[tilespmem:$0x1D980] =	vst v63  }
0x97: {  	_ =	swait.ge [sflag:s30], $0x2800  }
0x98: {  	[sflag:s30] =	ssyncset.done $0x0  }
0x99: {  	s22 =	rddreg [dreg:$0x18];
	[sflag:s30] =	ssyncadd.s32 $0xFFFFD800  }
0x9a: {  	[tilespmem:s8], [sflag:$0x5] =	stream.linear.gather [hbm4b:s22+s20], $0x50, $0x38;
	[tilespmem:$0x1D980] =	vst v63  }
0x9b: {  	s23 =	simm.s32 $0x140  }
0x9c: {  	[tilespmem:s9], [sflag:$0x2] =	stream.indirect.gather [hbm4b:s1+s7], $0x80, s23, s7, $0xb8;
	[tilespmem:$0x1D980] =	vst v63  }
0x9d: {  	_ =	swait.ge [sflag:s10], $0x2800  }
0x9e: {  	[sflag:s10] =	ssyncset.done $0x0  }
0x9f: {  	[sflag:s10] =	ssyncadd.s32 $0xFFFFD800  }
0xa0: {  	_ =	swait.ge [sflag:s11], $0x50  }
0xa1: {  	[sflag:s11] =	ssyncset.done $0x0  }
0xa2: {  	[sflag:s11] =	ssyncadd.s32 $0xFFFFFFB0  }
0xa3: {  	[spmem:s2] =	stream.indirect.scatter.add.f32 [tilespmem:s13], [sflag:$0x7], $0x80, s6, s7, $0xb8;
	[tilespmem:$0x1D980] =	vst v63  }
0xa4: {  	_ =	swait.ge [sflag:s31], $0x2800  }
0xa5: {  	[sflag:s31] =	ssyncset.done $0x0  }
0xa6: {  	s24 =	sadd.s32 $0x0, s16;
	[sflag:s31] =	ssyncadd.s32 $0xFFFFD800  }
0xa7: {  	[tilespmem:s12], [sflag:$0x6] =	stream.linear.gather [hbm4b:s24+s3], $0x50, $0x38;
	[tilespmem:$0x1D980] =	vst v63  }
0xa8: {  	s21 =	simm.s32 $0x190  }
0xa9: {  	[tilespmem:s4], [sflag:$0x3] =	stream.indirect.gather [hbm4b:s1+s7], $0x80, s21, s7, $0xb8;
	[tilespmem:$0x1D980] =	vst v63  }
0xaa: {  	_ =	swait.ge [sflag:s17], $0x2800  }
0xab: {  	[sflag:s17] =	ssyncset.done $0x0  }
0xac: {  	[sflag:s17] =	ssyncadd.s32 $0xFFFFD800  }
0xad: {  	_ =	swait.ge [sflag:s18], $0x50  }
0xae: {  	[sflag:s18] =	ssyncset.done $0x0  }
0xaf: {  	[sflag:s18] =	ssyncadd.s32 $0xFFFFFFB0  }
0xb0: {  	[spmem:s2] =	stream.indirect.scatter.add.f32 [tilespmem:s9], [sflag:$0x8], $0x80, s8, s7, $0xb8;
	[tilespmem:$0x1D980] =	vst v63  }
0xb1: {  	_ =	swait.ge [sflag:s5], $0x2800  }
0xb2: {  	[sflag:s5] =	ssyncset.done $0x0  }
0xb3: {  	s22 =	sadd.s32 $0x0, s15;
	[sflag:s5] =	ssyncadd.s32 $0xFFFFD800  }
0xb4: {  	[tilespmem:s6], [sflag:$0x4] =	stream.linear.gather [hbm4b:s22+s3], $0x50, $0x38;
	[tilespmem:$0x1D980] =	vst v63  }
0xb5: {  	s23 =	simm.s32 $0x1E0  }
0xb6: {  	[tilespmem:s13], [sflag:$0x1] =	stream.indirect.gather [hbm4b:s1+s7], $0x80, s23, s7, $0xb8;
	[tilespmem:$0x1D980] =	vst v63  }
0xb7: {  	_ =	swait.ge [sflag:s28], $0x2800  }
0xb8: {  	[sflag:s28] =	ssyncset.done $0x0  }
0xb9: {  	[sflag:s28] =	ssyncadd.s32 $0xFFFFD800  }
0xba: {  	_ =	swait.ge [sflag:s29], $0x50  }
0xbb: {  	[sflag:s29] =	ssyncset.done $0x0  }
0xbc: {  	[sflag:s29] =	ssyncadd.s32 $0xFFFFFFB0  }
0xbd: {  	[spmem:s2] =	stream.indirect.scatter.add.f32 [tilespmem:s4], [sflag:$0x9], $0x80, s12, s7, $0xb8;
	[tilespmem:$0x1D980] =	vst v63  }
0xbe: {  	_ =	swait.ge [sflag:s30], $0x2800  }
0xbf: {  	s20 =	simm.s32 $0x230;
	s24 =	sadd.s32 $0x0, s14;
	[sflag:s30] =	ssyncset.done $0x0  }
0xc0: {  	s21 =	simm.s32 $0x1E;
	s22 =	simm.s32 $0x320;
	[sflag:s30] =	ssyncadd.s32 $0xFFFFD800  }
0xc1: {  	[tilespmem:s8], [sflag:$0x5] =	stream.linear.gather [hbm4b:s24+s3], $0x50, $0x38;
	[tilespmem:$0x1D980] =	vst v63  }
.LBB2_4:
0xc2: {  	[tilespmem:s9], [sflag:$0x2] =	stream.indirect.gather [hbm4b:s1+s7], $0x80, s20, s7, $0xb8;
	[tilespmem:$0x1D980] =	vst v63  }
0xc3: {  	s23 =	smov.u32 s21;
	s20 =	smov.u32 s22  }
0xc4: {  	p2 =	sne.s32 s21, $0x492;
	s21 =	sadd.s32 $0x1E, s21;
	_ =	swait.ge [sflag:s10], $0x2800  }
0xc5: {  	[sflag:s10] =	ssyncset.done $0x0  }
0xc6: {  	[sflag:s10] =	ssyncadd.s32 $0xFFFFD800  }
0xc7: {  	_ =	swait.ge [sflag:s11], $0x50  }
0xc8: {  	[sflag:s11] =	ssyncset.done $0x0  }
0xc9: {  	[sflag:s11] =	ssyncadd.s32 $0xFFFFFFB0  }
0xca: {  	[spmem:s2] =	stream.indirect.scatter.add.f32 [tilespmem:s13], [sflag:$0x7], $0x80, s6, s7, $0xb8;
	[tilespmem:$0x1D980] =	vst v63  }
0xcb: {  	_ =	swait.ge [sflag:s31], $0x2800  }
0xcc: {  	[sflag:s31] =	ssyncset.done $0x0  }
0xcd: {  	s24 =	sadd.s32 s23, s16;
	[sflag:s31] =	ssyncadd.s32 $0xFFFFD800  }
0xce: {  	[tilespmem:s12], [sflag:$0x6] =	stream.linear.gather [hbm4b:s24+s3], $0x50, $0x38;
	[tilespmem:$0x1D980] =	vst v63  }
0xcf: {  	s24 =	sadd.s32 $0xFFFFFF60, s22  }
0xd0: {  	[tilespmem:s4], [sflag:$0x3] =	stream.indirect.gather [hbm4b:s1+s7], $0x80, s24, s7, $0xb8;
	[tilespmem:$0x1D980] =	vst v63  }
0xd1: {  	_ =	swait.ge [sflag:s17], $0x2800  }
0xd2: {  	[sflag:s17] =	ssyncset.done $0x0  }
0xd3: {  	[sflag:s17] =	ssyncadd.s32 $0xFFFFD800  }
0xd4: {  	_ =	swait.ge [sflag:s18], $0x50  }
0xd5: {  	[sflag:s18] =	ssyncset.done $0x0  }
0xd6: {  	[sflag:s18] =	ssyncadd.s32 $0xFFFFFFB0  }
0xd7: {  	[spmem:s2] =	stream.indirect.scatter.add.f32 [tilespmem:s9], [sflag:$0x8], $0x80, s8, s7, $0xb8;
	[tilespmem:$0x1D980] =	vst v63  }
0xd8: {  	_ =	swait.ge [sflag:s5], $0x2800  }
0xd9: {  	[sflag:s5] =	ssyncset.done $0x0  }
0xda: {  	s24 =	sadd.s32 s23, s15;
	[sflag:s5] =	ssyncadd.s32 $0xFFFFD800  }
0xdb: {  	[tilespmem:s6], [sflag:$0x4] =	stream.linear.gather [hbm4b:s24+s3], $0x50, $0x38;
	[tilespmem:$0x1D980] =	vst v63  }
0xdc: {  	s24 =	sadd.s32 $0xFFFFFFB0, s22  }
0xdd: {  	[tilespmem:s13], [sflag:$0x1] =	stream.indirect.gather [hbm4b:s1+s7], $0x80, s24, s7, $0xb8;
	[tilespmem:$0x1D980] =	vst v63  }
0xde: {  	_ =	swait.ge [sflag:s28], $0x2800  }
0xdf: {  	[sflag:s28] =	ssyncset.done $0x0  }
0xe0: {  	[sflag:s28] =	ssyncadd.s32 $0xFFFFD800  }
0xe1: {  	_ =	swait.ge [sflag:s29], $0x50  }
0xe2: {  	[sflag:s29] =	ssyncset.done $0x0  }
0xe3: {  	[sflag:s29] =	ssyncadd.s32 $0xFFFFFFB0  }
0xe4: {  	[spmem:s2] =	stream.indirect.scatter.add.f32 [tilespmem:s4], [sflag:$0x9], $0x80, s12, s7, $0xb8;
	[tilespmem:$0x1D980] =	vst v63  }
.Ltmp1:
0xe5: {  	_ =	swait.ge [sflag:s30], $0x2800;
	(pc) =	sbr.rel @p2 .LBB2_4-.Ltmp1, $4  }
0xe6: {  	[sflag:s30] =	ssyncset.done $0x0  }
0xe7: {  	s23 =	sadd.s32 s23, s14;
	[sflag:s30] =	ssyncadd.s32 $0xFFFFD800  }
0xe8: {  	[tilespmem:s8], [sflag:$0x5] =	stream.linear.gather [hbm4b:s23+s3], $0x50, $0x38;
	[tilespmem:$0x1D980] =	vst v63  }
0xe9: {  	s22 =	sadd.s32 $0xF0, s22  }
0xea: {  	[tilespmem:s9], [sflag:$0x2] =	stream.indirect.gather [hbm4b:s1+s7], $0x80, s20, s7, $0xb8;
	[tilespmem:$0x1D980] =	vst v63  }
0xeb: {  	_ =	swait.ge [sflag:s10], $0x2800  }
0xec: {  	[sflag:s10] =	ssyncset.done $0x0  }
0xed: {  	[sflag:s10] =	ssyncadd.s32 $0xFFFFD800  }
0xee: {  	_ =	swait.ge [sflag:s11], $0x50  }
0xef: {  	[sflag:s11] =	ssyncset.done $0x0  }
0xf0: {  	[sflag:s11] =	ssyncadd.s32 $0xFFFFFFB0  }
0xf1: {  	[spmem:s2] =	stream.indirect.scatter.add.f32 [tilespmem:s13], [sflag:$0x7], $0x80, s6, s7, $0xb8;
	[tilespmem:$0x1D980] =	vst v63  }
0xf2: {  	_ =	swait.ge [sflag:s17], $0x2800  }
0xf3: {  	[sflag:s17] =	ssyncset.done $0x0  }
0xf4: {  	[sflag:s17] =	ssyncadd.s32 $0xFFFFD800  }
0xf5: {  	_ =	swait.ge [sflag:s18], $0x50  }
0xf6: {  	[sflag:s18] =	ssyncset.done $0x0  }
0xf7: {  	[sflag:s18] =	ssyncadd.s32 $0xFFFFFFB0  }
0xf8: {  	[spmem:s2] =	stream.indirect.scatter.add.f32 [tilespmem:s9], [sflag:$0x8], $0x80, s8, s7, $0xb8;
	[tilespmem:$0x1D980] =	vst v63  }
0xf9: {  	_ =	swait.ge [sflag:s30], $0x2800  }
0xfa: {  	[sflag:s30] =	ssyncset.done $0x0  }
0xfb: {  	[sflag:s30] =	ssyncadd.s32 $0xFFFFD800  }
0xfc: {  	_ =	swait.ge [sflag:s31], $0x2800  }
0xfd: {  	[sflag:s31] =	ssyncset.done $0x0  }
0xfe: {  	[sflag:s31] =	ssyncadd.s32 $0xFFFFD800  }
0xff: {  	_ =	swait.ge [sflag:s5], $0x2800  }
0x100: {  	[sflag:s5] =	ssyncset.done $0x0  }
0x101: {  	s24 =	stileid.u32;
	[sflag:s5] =	ssyncadd.s32 $0xFFFFD800  }
0x102: {  	s20 =	sshll.u32 s24, $0x6;
	[bflag:$0x0] =	sbarrier.arrive $0xFFFF  }
0x103: {  	s21 =	sshrl.u32 s25, $0x3;
	s20 =	sor.u32 $0x1C0A, s20;
	s22 =	rddreg [dreg:$0x5]  }
0x104: {  	[hbm:s22], [sflag:s20] =	dma.local [spmem:s21], $0x500  }
0x105: {  	_ =	swait.ge [sflag:s0], $0x500  }
0x106: {  	s23 =	smov.u32 s25;
	s25 =	sshrl.u32 s26, $0x3;
	[sflag:s0] =	ssyncset.done $0x0  }
0x107: {  	s24 =	smov.u32 s26;
	s26 =	rddreg [dreg:$0x6];
	[sflag:s0] =	ssyncadd.s32 $0xFFFFFB00  }
0x108: {  	[hbm:s26], [sflag:s20] =	dma.local [spmem:s25], $0x500  }
0x109: {  	_ =	swait.ge [sflag:s0], $0x500  }
0x10a: {  	[sflag:s0] =	ssyncset.done $0x0;
	s25 =	rddreg [dreg:$0xf]  }
0x10b: {  	s26 =	rddreg [dreg:$0x7];
	[sflag:s0] =	ssyncadd.s32 $0xFFFFFB00;
	s21 =	sshrl.u32 s25, $0x3  }
0x10c: {  	[hbm:s26], [sflag:s20] =	dma.local [spmem:s21], $0x500  }
0x10d: {  	_ =	swait.ge [sflag:s0], $0x500  }
0x10e: {  	[sflag:s0] =	ssyncset.done $0x0;
	s25 =	rddreg [dreg:$0x10]  }
0x10f: {  	s26 =	rddreg [dreg:$0x8];
	[sflag:s0] =	ssyncadd.s32 $0xFFFFFB00;
	s21 =	sshrl.u32 s25, $0x3  }
0x110: {  	[hbm:s26], [sflag:s20] =	dma.local [spmem:s21], $0x500  }
0x111: {  	_ =	swait.ge [sflag:s0], $0x500  }
0x112: {  	[sflag:s0] =	ssyncset.done $0x0;
	s25 =	rddreg [dreg:$0x11]  }
0x113: {  	s26 =	rddreg [dreg:$0x9];
	[sflag:s0] =	ssyncadd.s32 $0xFFFFFB00;
	s21 =	sshrl.u32 s25, $0x3  }
0x114: {  	[hbm:s26], [sflag:s20] =	dma.local [spmem:s21], $0x500  }
0x115: {  	_ =	swait.ge [sflag:s0], $0x500  }
0x116: {  	[sflag:s0] =	ssyncset.done $0x0;
	s25 =	rddreg [dreg:$0x12]  }
0x117: {  	s26 =	rddreg [dreg:$0xa];
	[sflag:s0] =	ssyncadd.s32 $0xFFFFFB00;
	s21 =	sshrl.u32 s25, $0x3  }
0x118: {  	[hbm:s26], [sflag:s20] =	dma.local [spmem:s21], $0x500  }
0x119: {  	_ =	swait.ge [sflag:s0], $0x500  }
0x11a: {  	[sflag:s0] =	ssyncset.done $0x0;
	s22 =	rddreg [dreg:$0x13]  }
0x11b: {  	s25 =	rddreg [dreg:$0xb];
	[sflag:s0] =	ssyncadd.s32 $0xFFFFFB00;
	s21 =	sshrl.u32 s22, $0x3  }
0x11c: {  	[hbm:s25], [sflag:s20] =	dma.local [spmem:s21], $0x500  }
0x11d: {  	_ =	swait.ge [sflag:s0], $0x500  }
0x11e: {  	[sflag:s0] =	ssyncset.done $0x0;
	s21 =	rddreg [dreg:$0x14]  }
0x11f: {  	s22 =	rddreg [dreg:$0xc];
	[sflag:s0] =	ssyncadd.s32 $0xFFFFFB00;
	s21 =	sshrl.u32 @!p0 s21, $0x3  }
0x120: {  	[hbm:s22], [sflag:s20] =	dma.local @!p0 [spmem:s21], $0x500  }
0x121: {  	s20 =	simm.s32 @!p0 $0xA  }
0x122: {  	_ =	swait.ge @!p0 [sflag:s20], $0x500  }
0x123: {  	s19 =	sadd.s32 $0x1, s19;
	s26 =	rddreg [dreg:$0xe]  }
0x124: {  	p2 =	sne.s32 s19, s26  }
.Ltmp2:
0x125: {  	_ = 	snop;
	(pc) =	sbr.rel @p2 .LBB2_1-.Ltmp2, $3  }
0x126: {  	_ =	sdelay $0x1  }
0x127: {  	[sflag:s20] =	ssyncset.done @!p0 $0x0  }
0x128: {  	[sflag:s20] =	ssyncadd.s32 @!p0 $0xFFFFFB00  }
0x129: {  	_ =	sfence.sel $0x180000  }
0x12a: {  	[bflag:$0x0] =	sbarrier.arrive $0xFFFF  }
0x12b: {  	_ =	strace $0x9000004A  }
0x12c: {  	s0 =	stileid.u32;
	[bflag:$0x2] =	sbarrier.arrive $0xFFFF  }
0x12d: {  	p0 =	sne.s32 s0, $0x0;
	s0 =	rddreg [dreg:$0x3]  }
0x12e: {  	s0 =	sadd.s32 @!p0 $0x100000, s0  }
0x12f: {  	[sflag:s0] =	ssyncadd.tile.s32 @!p0 $0x1;
	_ =	shalt  }
.Lfunc_end2:
_tile_overlayer_lowered:
.L_overlay_start_2:
0x130: {  	(tag) =	ssettag $0x2  }
0x131: {  	s0 =	rddreg [dreg:$0x0];
	s2 =	stileid.u32  }
0x132: {  	s1 =	rddreg [dreg:$0x1];
	p0 =	sne.s32 s2, $0x0  }
0x133: {  	s3 =	rddreg [dreg:$0x2];
	[bflag:$0x3] =	sbarrier.arrive $0xFFFF;
	s2 =	simm.s32 @!p0 $0x1C0A  }
0x134: {  	[timem:s3], [sflag:s2] =	dma.local @!p0 [hbm:s0], s1  }
0x135: {  	s0 =	simm.s32 @!p0 $0xA  }
0x136: {  	_ =	swait.ge @!p0 [sflag:s0], s1  }
0x137: {  	s1 =	ssub.s32 @!p0 $0x0, s1;
	[sflag:s0] =	ssyncset.done @!p0 $0x0  }
0x138: {  	[sflag:s0] =	ssyncadd.s32 @!p0 s1  }
0x139: {  	[bflag:$0x3] =	sbarrier.arrive $0xFFFF  }
0x13a: {  	_ =	shalt  }

// kernel: kernel.14.cloned.1.call-start
scs
__scs_entry_jumppad:
0x0: {  	(pc) =	sbr.rel $0x88, $3  }
0x1: {  	(tag) =	ssettag $0x0;
	lr =	simm.s32 $0x1  }
0x2: {  	[smem:$0x3F97] =	sst lr;
	_ =	strace $0xD0000000  }
0x3: {  	_ = 	snop  }
0x4: {  	_ = 	snop  }
0x5: {  	_ = 	snop  }
0x6: {  	_ = 	snop  }
0x7: {  	_ = 	snop  }
__scs_overlays_trampoline_lowered:
0x8: {  	[smem:$0x3FA6] =	sst s0  }
0x9: {  	[smem:$0x3FA7] =	sst s1  }
0xa: {  	[smem:$0x3FA8] =	sst s2  }
0xb: {  	[smem:$0x3FA9] =	sst s3  }
0xc: {  	[smem:$0x3FAA] =	sst s4  }
0xd: {  	[smem:$0x3FAB] =	sst s5  }
0xe: {  	[smem:$0x3FAC] =	sst s6  }
0xf: {  	[smem:$0x3FAD] =	sst s7  }
0x10: {  	[smem:$0x3FAE] =	sst s8  }
0x11: {  	[smem:$0x3FAF] =	sst s9;
	s0 =	simm.s32 @!p0 $0x0  }
0x12: {  	s1 =	sld [smem:$0x3F95];
	s0 =	simm.s32 @p0 $0x1  }
0x13: {  	[smem:$0x3FB0] =	sst s0;
	s0 =	simm.s32 @!p1 $0x0  }
0x14: {  	s2 =	sld [smem:$0x3F94];
	s0 =	simm.s32 @p1 $0x1  }
0x15: {  	[smem:$0x3FB1] =	sst s0;
	s0 =	simm.s32 @!p2 $0x0  }
0x16: {  	s3 =	sld [smem:$0x3FDB];
	s0 =	simm.s32 @p2 $0x1  }
0x17: {  	s4 =	simm.s32 $0x1BF5;
	[smem:$0x3FB3] =	sst s0  }
0x18: {  	s0 =	sld [smem:$0x3F96];
	_ =	swait.ge [sflag:s4], $0x0  }
0x19: {  	s7 =	sld [smem:$0x3F97]  }
0x1a: {  	s8 =	sadd.s32 $0xFFFFE003, lr  }
0x1b: {  	s9 =	sadd.s32 $0xFFFFFEF7, lr;
	s5 =	simm.s32 $0xFFFFFFFF;
	p2 =	slt.u32 s8, $0xFFFFF086  }
0x1c: {  	p1 =	slt.u32 s9, $0xF7A;
	s5 =	simm.s32 @!p2 $0x0  }
0x1d: {  	s5 =	simm.s32 @p1 $0x1;
	p0 =	seq.s32 s7, s2  }
0x1e: {  	s7 =	smul.u32 @!p0 $0xF7A, s2;
	p2 =	seq.s32 @!p0 s5, $0x0  }
0x1f: {  	s9 =	smul.u32 $0xF7A, s1;
	s8 =	simm.s32 @!p0 $0x1BF5;
	p2 =	por !p2, p0  }
0x20: {  	[sflag:s8] =	ssyncset.s32 @!p0 $0xFFFFF086;
	s6 =	sadd.s32 @!p0 s3, s7;
	s7 =	simm.s32 @!p0 $0x108  }
0x21: {  	s3 =	sadd.s32 s3, s9;
	s6 =	sadd.s32 @!p0 $0x88, s6;
	s7 =	simm.s32 @p2 $0x1082  }
0x22: {  	[simem:s7], [sflag:s8] =	dma.local @!p0 [hbm:s6], $0xF7A  }
0x23: {  	s9 =	sor.u32 $0xD0000000, s2;
	s6 =	simm.s32 $0x108;
	_ =	swait.ge @!p0 [sflag:s8], $0x0  }
0x24: {  	s3 =	sadd.s32 $0x88, s3;
	s6 =	simm.s32 @!p1 $0x1082;
	[sflag:s4] =	ssyncset.s32 $0xFFFFF086  }
0x25: {  	[simem:s6], [sflag:s4] =	dma.local [hbm:s3], $0xF7A  }
0x26: {  	[smem:$0x3F97] =	sst s1;
	(tag) =	ssettag s2;
	_ =	strace s9  }
0x27: {  	s1 =	sld [smem:$0x3FA7]  }
0x28: {  	s2 =	sld [smem:$0x3FA8]  }
0x29: {  	s4 =	sld [smem:$0x3FAA]  }
0x2a: {  	p0 =	seq.s32 s5, $0x0;
	s5 =	sld [smem:$0x3FAB]  }
0x2b: {  	s6 =	sld [smem:$0x3FAC]  }
0x2c: {  	s7 =	sld [smem:$0x3FAD]  }
0x2d: {  	s3 =	simm.s32 $0x108;
	s8 =	sld [smem:$0x3FAE]  }
0x2e: {  	s3 =	simm.s32 @!p0 $0x1082;
	s9 =	sld [smem:$0x3FAF]  }
0x2f: {  	lr =	sadd.s32 s0, s3;
	s0 =	sld [smem:$0x3FA6]  }
0x30: {  	s3 =	sld [smem:$0x3FA9]  }
0x31: {  	[smem:$0x3FB2] =	sst s10  }
0x32: {  	s10 =	sld [smem:$0x3FB0];
	_ =	sdelay $0x3  }
0x33: {  	p0 =	seq.s32 s10, $0x1;
	s10 =	sld [smem:$0x3FB2];
	_ =	sdelay $0x3  }
0x34: {  	[smem:$0x3FB2] =	sst s10  }
0x35: {  	s10 =	sld [smem:$0x3FB1];
	_ =	sdelay $0x3  }
0x36: {  	p1 =	seq.s32 s10, $0x1;
	s10 =	sld [smem:$0x3FB2];
	_ =	sdelay $0x3  }
0x37: {  	[smem:$0x3FB2] =	sst s10  }
0x38: {  	s10 =	sld [smem:$0x3FB3]  }
0x39: {  	_ = 	snop;
	(pc) =	sbr.ind lr, $3  }
0x3a: {  	_ = 	snop  }
0x3b: {  	_ = 	snop  }
0x3c: {  	p2 =	seq.s32 s10, $0x1;
	s10 =	sld [smem:$0x3FB2]  }
0x3d: {  	_ =	shalt  }
0x3e: {  	_ =	shalt  }
0x3f: {  	_ =	shalt  }
0x40: {  	_ =	shalt  }
0x41: {  	_ =	shalt  }
0x42: {  	_ =	shalt  }
0x43: {  	_ =	shalt  }
0x44: {  	_ =	shalt  }
0x45: {  	_ =	shalt  }
0x46: {  	_ =	shalt  }
0x47: {  	_ =	shalt  }
0x48: {  	_ =	shalt  }
0x49: {  	_ =	shalt  }
0x4a: {  	_ =	shalt  }
0x4b: {  	_ =	shalt  }
0x4c: {  	_ =	shalt  }
0x4d: {  	_ =	shalt  }
0x4e: {  	_ =	shalt  }
0x4f: {  	_ =	shalt  }
0x50: {  	_ =	shalt  }
0x51: {  	_ =	shalt  }
0x52: {  	_ =	shalt  }
0x53: {  	_ =	shalt  }
0x54: {  	_ =	shalt  }
0x55: {  	_ =	shalt  }
0x56: {  	_ =	shalt  }
0x57: {  	_ =	shalt  }
0x58: {  	_ =	shalt  }
0x59: {  	_ =	shalt  }
0x5a: {  	_ =	shalt  }
0x5b: {  	_ =	shalt  }
0x5c: {  	_ =	shalt  }
0x5d: {  	_ =	shalt  }
0x5e: {  	_ =	shalt  }
0x5f: {  	_ =	shalt  }
0x60: {  	_ =	shalt  }
0x61: {  	_ =	shalt  }
0x62: {  	_ =	shalt  }
0x63: {  	_ =	shalt  }
0x64: {  	_ =	shalt  }
0x65: {  	_ =	shalt  }
0x66: {  	_ =	shalt  }
0x67: {  	_ =	shalt  }
0x68: {  	_ =	shalt  }
0x69: {  	_ =	shalt  }
0x6a: {  	_ =	shalt  }
0x6b: {  	_ =	shalt  }
0x6c: {  	_ =	shalt  }
0x6d: {  	_ =	shalt  }
0x6e: {  	_ =	shalt  }
0x6f: {  	_ =	shalt  }
0x70: {  	_ =	shalt  }
0x71: {  	_ =	shalt  }
0x72: {  	_ =	shalt  }
0x73: {  	_ =	shalt  }
0x74: {  	_ =	shalt  }
0x75: {  	_ =	shalt  }
0x76: {  	_ =	shalt  }
0x77: {  	_ =	shalt  }
0x78: {  	_ =	shalt  }
0x79: {  	_ =	shalt  }
0x7a: {  	_ =	shalt  }
0x7b: {  	_ =	shalt  }
0x7c: {  	_ =	shalt  }
0x7d: {  	_ =	shalt  }
0x7e: {  	_ =	shalt  }
0x7f: {  	_ =	shalt  }
0x80: {  	_ =	shalt  }
0x81: {  	_ =	shalt  }
0x82: {  	_ =	shalt  }
0x83: {  	_ =	shalt  }
0x84: {  	_ =	shalt  }
0x85: {  	_ =	shalt  }
0x86: {  	_ =	shalt  }
0x87: {  	_ =	shalt  }
.Lfunc_end0:
.L_simem_size_0:
called_computation.2_lowered:
.L_overlay_start_0:
0x88: {  	s2 =	sld [smem:$0x3FD9]  }
0x89: {  	s3 =	sld [smem:$0x3FFE];
	_ =	sdelay $0x1  }
0x8a: {  	s1 =	srdreg.scid  }
0x8b: {  	s0 =	sand.u32 $0x1, s1  }
0x8c: {  	s17 =	sshll.u32 s0, $0xA;
	s2 =	sadd.s32 s3, s2  }
0x8d: {  	s2 =	sadd.s32 s2, s17  }
0x8e: {  	[smem:$0x3FBE] =	sst s2  }
0x8f: {  	_ = 	snop  }
0x90: {  	s2 =	sld [smem:$0x3FD0];
	(tm) =	ssettm $0x1  }
0x91: {  	s18 =	sld [smem:$0x3FFB];
	_ =	sdelay $0x3  }
0x92: {  	_ =	strace s18  }
0x93: {  	s3 =	sld [smem:$0x3FFC];
	_ =	sdelay $0x3  }
0x94: {  	_ =	strace s3  }
0x95: {  	s3 =	sld [smem:$0x3FFD];
	_ =	sdelay $0x3  }
0x96: {  	_ =	strace s3  }
0x97: {  	_ =	strace $0x8FFFFFFF  }
0x98: {  	s19 =	sld [smem:$0x3FDB];
	_ =	sdelay $0x1  }
0x99: {  	s4 =	simm.s32 $_scs_section_size  }
0x9a: {  	s5 =	simm.s32 $_size__tile_overlayer_lowered;
	s6 =	simm.s32 $_tile_overlayer_lowered  }
0x9b: {  	s22 =	simm.s32 $0x1BFF;
	s21 =	sshll.u32 s6, $0x1;
	s3 =	sadd.s32 s4, s19  }
0x9c: {  	s7 =	simm.s32 $0x0;
	s20 =	sshll.u32 s5, $0x1;
	s5 =	sadd.s32 s21, s3  }
0x9d: {  	[timem:s7], [sflag:s22] =	dma.local [hbm:s5], s20  }
0x9e: {  	_ =	swait.ge [sflag:s22], s20  }
0x9f: {  	s4 =	ssub.s32 $0x0, s20;
	[sflag:s22] =	ssyncset.done $0x0  }
0xa0: {  	[sflag:s22] =	ssyncadd.s32 s4;
	_ =	sdelay $0x1  }
0xa1: {  	s23 =	simm.s32 $0x1B8B  }
0xa2: {  	_ =	swait.ge [sflag:s23], $0x1  }
0xa3: {  	[sflag:s23] =	ssyncset.done $0x0  }
0xa4: {  	s25 =	simm.s32 $0x1B8E;
	s24 =	sld [smem:$0x3FFE];
	[sflag:s23] =	ssyncadd.s32 $0xFFFFFFFF  }
0xa5: {  	s26 =	simm.s32 $execute0_lowered;
	[smem:$0x3FD2] =	sst s25  }
0xa6: {  	s5 =	sshll.u32 s26, $0x1;
	_ =	strace $0x8000004C;
	[dreg:$0x1] =	wrdreg $0xFFFFFFFF  }
0xa7: {  	s28 =	simm.s32 $_size_execute0_lowered;
	s3 =	sadd.s32 s3, s5;
	[dreg:$0x0] =	wrdreg $0x0  }
0xa8: {  	s5 =	sshll.u32 s28, $0x1;
	[dreg:$0x2] =	wrdreg s3  }
0xa9: {  	[dreg:$0x3] =	wrdreg s5  }
0xaa: {  	[dreg:$0x4] =	wrdreg $0xC0  }
0xab: {  	_ =	task [dreg:s7], $0x5FFFF  }
0xac: {  	[dreg:$0x1] =	wrdreg $0xFFFFFFFF  }
0xad: {  	[dreg:$0x0] =	wrdreg $0x60  }
0xae: {  	[dreg:$0x2] =	wrdreg s2  }
0xaf: {  	[dreg:$0x3] =	wrdreg s24  }
0xb0: {  	[dreg:$0x4] =	wrdreg $0xA1000  }
0xb1: {  	[dreg:$0x5] =	wrdreg $0x9  }
0xb2: {  	_ =	task.clear_ibuf [dreg:s7], $0x6FFFF;
	_ =	strace $0x9000004C  }
0xb3: {  	s29 =	simm.s32 $0x9;
	_ =	strace $0x8000004E  }
0xb4: {  	_ =	swait.ge [sflag:s29], $0x1  }
0xb5: {  	[sflag:s29] =	ssyncadd.s32 $0xFFFFFFFF  }
0xb6: {  	_ =	strace $0x9000004E  }
0xb7: {  	_ =	sfence  }
0xb8: {  	s30 =	sld [smem:$0x0];
	_ =	sdelay $0x2  }
0xb9: {  	s31 =	sshll.u32 s1, $0xD;
	s1 =	sshrl.u32 s1, $0x2  }
0xba: {  	s3 =	sand.u32 $0x4000, s31;
	s1 =	sadd.s32 s1, s30  }
0xbb: {  	s0 =	sor.u32 s3, s0;
	s1 =	sshll.u32 s1, $0x11  }
0xbc: {  	s0 =	sor.u32 s1, s0  }
0xbd: {  	s0 =	sadd.s32 $0x8F2B, s0  }
0xbe: {  	[sflag:s0] =	ssyncadd.remote.s32 $0x1  }
0xbf: {  	_ =	sfence.sel $0xFFFF  }
0xc0: {  	[dreg:$0x0] =	wrdreg $0xFFFFFFFF;
	(pc) =	sbr.abs _section_cstart, $3  }
0xc1: {  	[dreg:$0x1] =	wrdreg $0xFFFFFFFF  }
0xc2: {  	_ =	task.clear_ibuf [dreg:s7], $0x2FFFF;
	_ =	strace $0x9FFFFFFF  }
0xc3: {  	(tm) =	ssettm $0x7FFFFFFF  }
tec
execute0_lowered:
.L_overlay_start_1:
0x0: {  	(tag) =	ssettag $0x1  }
0x1: {  	s1 =	rddreg [dreg:$0x0]  }
0x2: {  	s0 =	srdreg.scid;
	s5 =	rddreg [dreg:$0x1]  }
0x3: {  	s21 =	stileid.u32;
	s2 =	rddreg [dreg:$0x2]  }
0x4: {  	s3 =	simm.s32 $0x0;
	s28 =	simm.s32 $0x3;
	s29 =	simm.s32 $0x6  }
0x5: {  	s30 =	simm.s32 $0x8;
	s4 =	sand.u32 $0x1, s0;
	s12 =	smul.u32 $0x2800, s21  }
0x6: {  	s31 =	simm.s32 $0x9;
	s13 =	sor.u32 $0x30, s21;
	s10 =	smul.u32 $0x138800, s4  }
0x7: {  	[smem:$0x7FF] =	sst s3;
	s17 =	sor.u32 $0x40, s21;
	s24 =	smul.u32 $0x2800, s13  }
0x8: {  	s7 =	sadd.s32 $0xC400, s5;
	s18 =	sor.u32 $0x50, s21;
	s15 =	smul.u32 $0x2800, s17  }
0x9: {  	s11 =	sor.u32 $0x10, s21;
	s20 =	sor.u32 $0x70, s21;
	s26 =	smul.u32 $0x2800, s18  }
0xa: {  	s19 =	sor.u32 $0x60, s21;
	s0 =	sshll.u32 s4, $0x4;
	s16 =	smul.u32 $0x2800, s20  }
0xb: {  	s8 =	ssub.s32 $0x2, s4;
	s4 =	smul.u32 $0x27100, s4;
	s0 =	sor.u32 s21, s0  }
0xc: {  	p1 =	sgt.u32 s21, $0xC;
	s9 =	sshrl.u32 s8, $0x1;
	s0 =	smul.u32 $0x2710, s0  }
0xd: {  	p0 =	sgt.u32 s20, $0x7C;
	s8 =	ssub.s32 s8, s9;
	s9 =	smul.u32 $0xA000, s11  }
0xe: {  	s12 =	sadd.s32 s10, s12;
	s11 =	smul.u32 $0x2800, s11;
	s23 =	sadd.s32 s10, s24  }
0xf: {  	s24 =	smul.u32 $0x2800, s19;
	s15 =	sadd.s32 s10, s15;
	s12 =	sshrl.u32 s12, $0x3  }
0x10: {  	s15 =	sshrl.u32 s15, $0x3;
	s6 =	sshrl.u32 s0, $0x3;
	s11 =	sadd.s32 s10, s11  }
0x11: {  	s0 =	sadd.s32 s6, s5;
	s22 =	sadd.s32 s7, s6;
	s6 =	sor.u32 $0x20, s21  }
0x12: {  	s5 =	sadd.s32 $0x16200, s5;
	s11 =	sshrl.u32 s11, $0x3;
	s14 =	smul.u32 $0x2800, s6  }
0x13: {  	s12 =	sadd.s32 s5, s12;
	s11 =	sadd.s32 s5, s11;
	s0 =	sadd.s32 $0x2600, s0  }
0x14: {  	s6 =	smul.u32 $0xA000, s6;
	[dreg:$0x5] =	wrdreg s12;
	s14 =	sadd.s32 s10, s14  }
0x15: {  	[dreg:$0x6] =	wrdreg s11;
	s12 =	sadd.s32 s10, s24;
	s25 =	sshrl.u32 s14, $0x3  }
0x16: {  	s14 =	sadd.s32 s10, s26;
	s10 =	sadd.s32 s10, s16;
	s26 =	sadd.s32 s5, s15  }
0x17: {  	s15 =	sshrl.u32 s12, $0x3;
	s11 =	sadd.s32 s5, s25;
	s25 =	smul.u32 $0x2710, s21  }
0x18: {  	[dreg:$0x9] =	wrdreg s26;
	s14 =	sshrl.u32 s14, $0x3;
	s10 =	sshrl.u32 s10, $0x3  }
0x19: {  	s26 =	smul.u32 $0xA000, s21;
	[dreg:$0x7] =	wrdreg s11;
	s11 =	sshrl.u32 s23, $0x3  }
0x1a: {  	s21 =	sadd.s32 $0x14, s22;
	s11 =	sadd.s32 s5, s11;
	s4 =	sadd.s32 s25, s4  }
0x1b: {  	[dreg:$0x8] =	wrdreg s11;
	s11 =	sadd.s32 s5, s14;
	s16 =	sadd.s32 $0x230, s4  }
0x1c: {  	s24 =	sadd.s32 $0x1E0, s4;
	s4 =	sadd.s32 $0x190, s4;
	[dreg:$0xa] =	wrdreg s11  }
0x1d: {  	s11 =	sadd.s32 s5, s15;
	s5 =	sadd.s32 s5, s10;
	s23 =	sshrl.u32 s16, $0x3  }
0x1e: {  	s25 =	sshrl.u32 s24, $0x3;
	s4 =	sshrl.u32 s4, $0x3;
	[dreg:$0xb] =	wrdreg s11  }
0x1f: {  	[dreg:$0xc] =	wrdreg s5;
	s14 =	sadd.s32 s23, s7;
	s15 =	sadd.s32 s25, s7  }
0x20: {  	s16 =	sadd.s32 s4, s7;
	s5 =	smax.u32 s8, $0x1;
	s7 =	sshrl.u32 s9, $0x2  }
0x21: {  	s9 =	smul.u32 $0xA000, s17;
	_ =	strace $0x8000004D;
	[dreg:$0xd] =	wrdreg s0  }
0x22: {  	s17 =	smul.u32 $0xA000, s20;
	s20 =	sadd.s32 $0xA, s22;
	[dreg:$0xe] =	wrdreg s5  }
0x23: {  	s4 =	sshrl.u32 s26, $0x2;
	s8 =	smul.u32 $0xA000, s13;
	[dreg:$0x15] =	wrdreg s20  }
0x24: {  	s11 =	smul.u32 $0xA000, s18;
	s25 =	sadd.s32 $0x1E, s22;
	[dreg:$0x16] =	wrdreg s21  }
0x25: {  	s13 =	smul.u32 $0xA000, s19;
	s26 =	sadd.s32 $0x28, s22;
	[dreg:$0x17] =	wrdreg s25  }
0x26: {  	s23 =	sadd.s32 s4, s2;
	s24 =	sadd.s32 s7, s2;
	[dreg:$0x4] =	wrdreg s22  }
0x27: {  	s0 =	sshrl.u32 s6, $0x2;
	[dreg:$0x18] =	wrdreg s26;
	s5 =	simm.s32 $0x7  }
0x28: {  	s6 =	simm.s32 $0x2780;
	s7 =	simm.s32 $0x50;
	s10 =	sshrl.u32 s8, $0x2  }
0x29: {  	s0 =	sadd.s32 s0, s2;
	s4 =	sshrl.u32 s9, $0x2;
	s18 =	sshrl.u32 s11, $0x2  }
0x2a: {  	s19 =	sshrl.u32 s17, $0x2;
	s8 =	simm.s32 $0x2800;
	s9 =	simm.s32 $0x5100  }
0x2b: {  	s11 =	simm.s32 $0x4;
	s17 =	simm.s32 $0x2;
	[dreg:$0xf] =	wrdreg s0  }
0x2c: {  	s12 =	sadd.s32 s10, s2;
	s4 =	sadd.s32 s4, s2;
	s0 =	sshrl.u32 s13, $0x2  }
0x2d: {  	s13 =	simm.s32 $0x2900;
	s10 =	simm.s32 $0x1;
	[dreg:$0x10] =	wrdreg s12  }
0x2e: {  	[dreg:$0x11] =	wrdreg s4;
	s4 =	sadd.s32 s18, s2;
	s0 =	sadd.s32 s0, s2  }
0x2f: {  	s12 =	simm.s32 $0x2880;
	s18 =	simm.s32 $0x5;
	[dreg:$0x12] =	wrdreg s4  }
0x30: {  	[dreg:$0x13] =	wrdreg s0;
	s0 =	sadd.s32 s19, s2;
	s4 =	simm.s32 $0x7900  }
0x31: {  	v0 =	vimm.f32 $0.0e+00;
	s19 =	simm.s32 $0x0;
	[dreg:$0x14] =	wrdreg s0;
	s0 =	simm.s32 $0xA  }
.LBB2_1:
0x32: {  	s20 =	simm.s32 $0x0;
	s21 =	simm.s32 $0x200  }
.LBB2_2:
0x33: {  	p2 =	sne.s32 s21, $0x9E00;
	[tilespmem:s20+$0x2970] =	vst v0  }
0x34: {  	[tilespmem:s20+$0x2900] =	vst v0  }
0x35: {  	[tilespmem:s20+$0x2910] =	vst v0  }
.Ltmp0:
0x36: {  	[tilespmem:s20+$0x2920] =	vst v0;
	(pc) =	sbr.rel @p2 .LBB2_2-.Ltmp0, $4  }
0x37: {  	[tilespmem:s20+$0x2930] =	vst v0  }
0x38: {  	[tilespmem:s20+$0x2940] =	vst v0  }
0x39: {  	[tilespmem:s20+$0x2950] =	vst v0  }
0x3a: {  	[tilespmem:s20+$0x2960] =	vst v0;
	s20 =	sshra.s32 s21, $0x2;
	s21 =	sadd.s32 $0x200, s21  }
0x3b: {  	[tilespmem:s20+$0x2970] =	vst v0  }
0x3c: {  	[tilespmem:s20+$0x2900] =	vst v0  }
0x3d: {  	[tilespmem:s20+$0x2910] =	vst v0  }
0x3e: {  	[tilespmem:s20+$0x2920] =	vst v0  }
0x3f: {  	[tilespmem:s20+$0x2930] =	vst v0  }
0x40: {  	[tilespmem:s20+$0x2940] =	vst v0  }
0x41: {  	[tilespmem:s20+$0x2950] =	vst v0  }
0x42: {  	[tilespmem:s20+$0x2960] =	vst v0  }
0x43: {  	[spmem:s23] =	stream.linear.scatter [tilespmem:s13], [sflag:$0x7], $0x2800, $0x38;
	[tilespmem:$0x1D980] =	vst v63  }
0x44: {  	_ = 	snop  }
0x45: {  	[spmem:s24] =	stream.linear.scatter [tilespmem:s13], [sflag:$0x7], $0x2800, $0x38;
	[tilespmem:$0x1D980] =	vst v63  }
0x46: {  	s26 =	smov.u32 s24;
	s24 =	rddreg [dreg:$0xf]  }
0x47: {  	[spmem:s24] =	stream.linear.scatter [tilespmem:s13], [sflag:$0x7], $0x2800, $0x38;
	[tilespmem:$0x1D980] =	vst v63  }
0x48: {  	s21 =	rddreg [dreg:$0x10]  }
0x49: {  	[spmem:s21] =	stream.linear.scatter [tilespmem:s13], [sflag:$0x7], $0x2800, $0x38;
	[tilespmem:$0x1D980] =	vst v63  }
0x4a: {  	s22 =	rddreg [dreg:$0x11]  }
0x4b: {  	[spmem:s22] =	stream.linear.scatter [tilespmem:s13], [sflag:$0x7], $0x2800, $0x38;
	[tilespmem:$0x1D980] =	vst v63  }
0x4c: {  	s25 =	smov.u32 s23;
	s23 =	rddreg [dreg:$0x12]  }
0x4d: {  	[spmem:s23] =	stream.linear.scatter [tilespmem:s13], [sflag:$0x7], $0x2800, $0x38;
	[tilespmem:$0x1D980] =	vst v63  }
0x4e: {  	s24 =	rddreg [dreg:$0x13]  }
0x4f: {  	[spmem:s24] =	stream.linear.scatter [tilespmem:s13], [sflag:$0x7], $0x2800, $0x38;
	[tilespmem:$0x1D980] =	vst v63  }
0x50: {  	s20 =	simm.s32 @!p0 $0x2900;
	s21 =	rddreg [dreg:$0x14]  }
0x51: {  	[spmem:s21] =	stream.linear.scatter @!p0 [tilespmem:s20], [sflag:$0x7], $0x2800, $0x38;
	[tilespmem:$0x1D980] =	vst v63  }
0x52: {  	s21 =	rddreg [dreg:$0xd]  }
0x53: {  	[tilespmem:s3], [sflag:$0xA] =	stream.linear.gather [hbm4b:s21+s3], $0x2710, $0x38;
	[tilespmem:$0x1D980] =	vst v63  }
0x54: {  	_ =	swait.ge [sflag:s0], $0x2710  }
0x55: {  	[sflag:s0] =	ssyncset.done $0x0  }
0x56: {  	[sflag:s0] =	ssyncadd.s32 $0xFFFFD8F0  }
0x57: {  	_ =	swait.ge [sflag:s5], $0x2800  }
0x58: {  	[sflag:s5] =	ssyncset.done $0x0  }
0x59: {  	[sflag:s5] =	ssyncadd.s32 $0xFFFFD800  }
0x5a: {  	_ =	swait.ge [sflag:s5], $0x2800  }
0x5b: {  	[sflag:s5] =	ssyncset.done $0x0  }
0x5c: {  	[sflag:s5] =	ssyncadd.s32 $0xFFFFD800  }
0x5d: {  	_ =	swait.ge [sflag:s5], $0x2800  }
0x5e: {  	[sflag:s5] =	ssyncset.done $0x0  }
0x5f: {  	[sflag:s5] =	ssyncadd.s32 $0xFFFFD800  }
0x60: {  	_ =	swait.ge [sflag:s5], $0x2800  }
0x61: {  	[sflag:s5] =	ssyncset.done $0x0  }
0x62: {  	[sflag:s5] =	ssyncadd.s32 $0xFFFFD800  }
0x63: {  	_ =	swait.ge [sflag:s5], $0x2800  }
0x64: {  	[sflag:s5] =	ssyncset.done $0x0  }
0x65: {  	[sflag:s5] =	ssyncadd.s32 $0xFFFFD800  }
0x66: {  	_ =	swait.ge [sflag:s5], $0x2800  }
0x67: {  	[sflag:s5] =	ssyncset.done $0x0  }
0x68: {  	[sflag:s5] =	ssyncadd.s32 $0xFFFFD800  }
0x69: {  	_ =	swait.ge [sflag:s5], $0x2800  }
0x6a: {  	[sflag:s5] =	ssyncset.done $0x0  }
0x6b: {  	s20 =	simm.s32 @!p1 $0x7;
	[sflag:s5] =	ssyncadd.s32 $0xFFFFD800  }
0x6c: {  	_ =	swait.ge @!p1 [sflag:s20], $0x2800  }
0x6d: {  	[sflag:s20] =	ssyncset.done @!p1 $0x0  }
0x6e: {  	[sflag:s20] =	ssyncadd.s32 @!p1 $0xFFFFD800  }
0x6f: {  	[bflag:$0x0] =	sbarrier.arrive $0xFFFF  }
0x70: {  	s20 =	simm.s32 $0x0;
	s22 =	rddreg [dreg:$0x4]  }
0x71: {  	[tilespmem:s6], [sflag:$0x4] =	stream.linear.gather [hbm4b:s22+s20], $0x50, $0x38;
	[tilespmem:$0x1D980] =	vst v63  }
0x72: {  	_ = 	snop  }
0x73: {  	[tilespmem:s13], [sflag:$0x1] =	stream.indirect.gather [hbm4b:s1+s7], $0x80, s20, s7, $0xb8;
	[tilespmem:$0x1D980] =	vst v63  }
0x74: {  	s23 =	rddreg [dreg:$0x15]  }
0x75: {  	[tilespmem:s8], [sflag:$0x5] =	stream.linear.gather [hbm4b:s23+s20], $0x50, $0x38;
	[tilespmem:$0x1D980] =	vst v63  }
0x76: {  	_ = 	snop  }
0x77: {  	[tilespmem:s9], [sflag:$0x2] =	stream.indirect.gather [hbm4b:s1+s7], $0x80, s7, s7, $0xb8;
	[tilespmem:$0x1D980] =	vst v63  }
0x78: {  	_ =	swait.ge [sflag:s10], $0x2800  }
0x79: {  	[sflag:s10] =	ssyncset.done $0x0  }
0x7a: {  	[sflag:s10] =	ssyncadd.s32 $0xFFFFD800  }
0x7b: {  	_ =	swait.ge [sflag:s11], $0x50  }
0x7c: {  	[sflag:s11] =	ssyncset.done $0x0  }
0x7d: {  	[sflag:s11] =	ssyncadd.s32 $0xFFFFFFB0  }
0x7e: {  	[spmem:s2] =	stream.indirect.scatter.add.f32 [tilespmem:s13], [sflag:$0x7], $0x80, s6, s7, $0xb8;
	[tilespmem:$0x1D980] =	vst v63  }
0x7f: {  	s24 =	rddreg [dreg:$0x16]  }
0x80: {  	[tilespmem:s12], [sflag:$0x6] =	stream.linear.gather [hbm4b:s24+s20], $0x50, $0x38;
	[tilespmem:$0x1D980] =	vst v63  }
0x81: {  	s22 =	simm.s32 $0xA0  }
0x82: {  	[tilespmem:s4], [sflag:$0x3] =	stream.indirect.gather [hbm4b:s1+s7], $0x80, s22, s7, $0xb8;
	[tilespmem:$0x1D980] =	vst v63  }
0x83: {  	_ =	swait.ge [sflag:s17], $0x2800  }
0x84: {  	[sflag:s17] =	ssyncset.done $0x0  }
0x85: {  	[sflag:s17] =	ssyncadd.s32 $0xFFFFD800  }
0x86: {  	_ =	swait.ge [sflag:s18], $0x50  }
0x87: {  	[sflag:s18] =	ssyncset.done $0x0  }
0x88: {  	[sflag:s18] =	ssyncadd.s32 $0xFFFFFFB0  }
0x89: {  	[spmem:s2] =	stream.indirect.scatter.add.f32 [tilespmem:s9], [sflag:$0x8], $0x80, s8, s7, $0xb8;
	[tilespmem:$0x1D980] =	vst v63  }
0x8a: {  	_ =	swait.ge [sflag:s5], $0x2800  }
0x8b: {  	[sflag:s5] =	ssyncset.done $0x0  }
0x8c: {  	s23 =	rddreg [dreg:$0x17];
	[sflag:s5] =	ssyncadd.s32 $0xFFFFD800  }
0x8d: {  	[tilespmem:s6], [sflag:$0x4] =	stream.linear.gather [hbm4b:s23+s20], $0x50, $0x38;
	[tilespmem:$0x1D980] =	vst v63  }
0x8e: {  	s24 =	simm.s32 $0xF0  }
0x8f: {  	[tilespmem:s13], [sflag:$0x1] =	stream.indirect.gather [hbm4b:s1+s7], $0x80, s24, s7, $0xb8;
	[tilespmem:$0x1D980] =	vst v63  }
0x90: {  	_ =	swait.ge [sflag:s28], $0x2800  }
0x91: {  	[sflag:s28] =	ssyncset.done $0x0  }
0x92: {  	[sflag:s28] =	ssyncadd.s32 $0xFFFFD800  }
0x93: {  	_ =	swait.ge [sflag:s29], $0x50  }
0x94: {  	[sflag:s29] =	ssyncset.done $0x0  }
0x95: {  	[sflag:s29] =	ssyncadd.s32 $0xFFFFFFB0  }
0x96: {  	[spmem:s2] =	stream.indirect.scatter.add.f32 [tilespmem:s4], [sflag:$0x9], $0x80, s12, s7, $0xb8;
	[tilespmem:$0x1D980] =	vst v63  }
0x97: {  	_ =	swait.ge [sflag:s30], $0x2800  }
0x98: {  	[sflag:s30] =	ssyncset.done $0x0  }
0x99: {  	s22 =	rddreg [dreg:$0x18];
	[sflag:s30] =	ssyncadd.s32 $0xFFFFD800  }
0x9a: {  	[tilespmem:s8], [sflag:$0x5] =	stream.linear.gather [hbm4b:s22+s20], $0x50, $0x38;
	[tilespmem:$0x1D980] =	vst v63  }
0x9b: {  	s23 =	simm.s32 $0x140  }
0x9c: {  	[tilespmem:s9], [sflag:$0x2] =	stream.indirect.gather [hbm4b:s1+s7], $0x80, s23, s7, $0xb8;
	[tilespmem:$0x1D980] =	vst v63  }
0x9d: {  	_ =	swait.ge [sflag:s10], $0x2800  }
0x9e: {  	[sflag:s10] =	ssyncset.done $0x0  }
0x9f: {  	[sflag:s10] =	ssyncadd.s32 $0xFFFFD800  }
0xa0: {  	_ =	swait.ge [sflag:s11], $0x50  }
0xa1: {  	[sflag:s11] =	ssyncset.done $0x0  }
0xa2: {  	[sflag:s11] =	ssyncadd.s32 $0xFFFFFFB0  }
0xa3: {  	[spmem:s2] =	stream.indirect.scatter.add.f32 [tilespmem:s13], [sflag:$0x7], $0x80, s6, s7, $0xb8;
	[tilespmem:$0x1D980] =	vst v63  }
0xa4: {  	_ =	swait.ge [sflag:s31], $0x2800  }
0xa5: {  	[sflag:s31] =	ssyncset.done $0x0  }
0xa6: {  	s24 =	sadd.s32 $0x0, s16;
	[sflag:s31] =	ssyncadd.s32 $0xFFFFD800  }
0xa7: {  	[tilespmem:s12], [sflag:$0x6] =	stream.linear.gather [hbm4b:s24+s3], $0x50, $0x38;
	[tilespmem:$0x1D980] =	vst v63  }
0xa8: {  	s21 =	simm.s32 $0x190  }
0xa9: {  	[tilespmem:s4], [sflag:$0x3] =	stream.indirect.gather [hbm4b:s1+s7], $0x80, s21, s7, $0xb8;
	[tilespmem:$0x1D980] =	vst v63  }
0xaa: {  	_ =	swait.ge [sflag:s17], $0x2800  }
0xab: {  	[sflag:s17] =	ssyncset.done $0x0  }
0xac: {  	[sflag:s17] =	ssyncadd.s32 $0xFFFFD800  }
0xad: {  	_ =	swait.ge [sflag:s18], $0x50  }
0xae: {  	[sflag:s18] =	ssyncset.done $0x0  }
0xaf: {  	[sflag:s18] =	ssyncadd.s32 $0xFFFFFFB0  }
0xb0: {  	[spmem:s2] =	stream.indirect.scatter.add.f32 [tilespmem:s9], [sflag:$0x8], $0x80, s8, s7, $0xb8;
	[tilespmem:$0x1D980] =	vst v63  }
0xb1: {  	_ =	swait.ge [sflag:s5], $0x2800  }
0xb2: {  	[sflag:s5] =	ssyncset.done $0x0  }
0xb3: {  	s22 =	sadd.s32 $0x0, s15;
	[sflag:s5] =	ssyncadd.s32 $0xFFFFD800  }
0xb4: {  	[tilespmem:s6], [sflag:$0x4] =	stream.linear.gather [hbm4b:s22+s3], $0x50, $0x38;
	[tilespmem:$0x1D980] =	vst v63  }
0xb5: {  	s23 =	simm.s32 $0x1E0  }
0xb6: {  	[tilespmem:s13], [sflag:$0x1] =	stream.indirect.gather [hbm4b:s1+s7], $0x80, s23, s7, $0xb8;
	[tilespmem:$0x1D980] =	vst v63  }
0xb7: {  	_ =	swait.ge [sflag:s28], $0x2800  }
0xb8: {  	[sflag:s28] =	ssyncset.done $0x0  }
0xb9: {  	[sflag:s28] =	ssyncadd.s32 $0xFFFFD800  }
0xba: {  	_ =	swait.ge [sflag:s29], $0x50  }
0xbb: {  	[sflag:s29] =	ssyncset.done $0x0  }
0xbc: {  	[sflag:s29] =	ssyncadd.s32 $0xFFFFFFB0  }
0xbd: {  	[spmem:s2] =	stream.indirect.scatter.add.f32 [tilespmem:s4], [sflag:$0x9], $0x80, s12, s7, $0xb8;
	[tilespmem:$0x1D980] =	vst v63  }
0xbe: {  	_ =	swait.ge [sflag:s30], $0x2800  }
0xbf: {  	s20 =	simm.s32 $0x230;
	s24 =	sadd.s32 $0x0, s14;
	[sflag:s30] =	ssyncset.done $0x0  }
0xc0: {  	s21 =	simm.s32 $0x1E;
	s22 =	simm.s32 $0x320;
	[sflag:s30] =	ssyncadd.s32 $0xFFFFD800  }
0xc1: {  	[tilespmem:s8], [sflag:$0x5] =	stream.linear.gather [hbm4b:s24+s3], $0x50, $0x38;
	[tilespmem:$0x1D980] =	vst v63  }
.LBB2_4:
0xc2: {  	[tilespmem:s9], [sflag:$0x2] =	stream.indirect.gather [hbm4b:s1+s7], $0x80, s20, s7, $0xb8;
	[tilespmem:$0x1D980] =	vst v63  }
0xc3: {  	s23 =	smov.u32 s21;
	s20 =	smov.u32 s22  }
0xc4: {  	p2 =	sne.s32 s21, $0x492;
	s21 =	sadd.s32 $0x1E, s21;
	_ =	swait.ge [sflag:s10], $0x2800  }
0xc5: {  	[sflag:s10] =	ssyncset.done $0x0  }
0xc6: {  	[sflag:s10] =	ssyncadd.s32 $0xFFFFD800  }
0xc7: {  	_ =	swait.ge [sflag:s11], $0x50  }
0xc8: {  	[sflag:s11] =	ssyncset.done $0x0  }
0xc9: {  	[sflag:s11] =	ssyncadd.s32 $0xFFFFFFB0  }
0xca: {  	[spmem:s2] =	stream.indirect.scatter.add.f32 [tilespmem:s13], [sflag:$0x7], $0x80, s6, s7, $0xb8;
	[tilespmem:$0x1D980] =	vst v63  }
0xcb: {  	_ =	swait.ge [sflag:s31], $0x2800  }
0xcc: {  	[sflag:s31] =	ssyncset.done $0x0  }
0xcd: {  	s24 =	sadd.s32 s23, s16;
	[sflag:s31] =	ssyncadd.s32 $0xFFFFD800  }
0xce: {  	[tilespmem:s12], [sflag:$0x6] =	stream.linear.gather [hbm4b:s24+s3], $0x50, $0x38;
	[tilespmem:$0x1D980] =	vst v63  }
0xcf: {  	s24 =	sadd.s32 $0xFFFFFF60, s22  }
0xd0: {  	[tilespmem:s4], [sflag:$0x3] =	stream.indirect.gather [hbm4b:s1+s7], $0x80, s24, s7, $0xb8;
	[tilespmem:$0x1D980] =	vst v63  }
0xd1: {  	_ =	swait.ge [sflag:s17], $0x2800  }
0xd2: {  	[sflag:s17] =	ssyncset.done $0x0  }
0xd3: {  	[sflag:s17] =	ssyncadd.s32 $0xFFFFD800  }
0xd4: {  	_ =	swait.ge [sflag:s18], $0x50  }
0xd5: {  	[sflag:s18] =	ssyncset.done $0x0  }
0xd6: {  	[sflag:s18] =	ssyncadd.s32 $0xFFFFFFB0  }
0xd7: {  	[spmem:s2] =	stream.indirect.scatter.add.f32 [tilespmem:s9], [sflag:$0x8], $0x80, s8, s7, $0xb8;
	[tilespmem:$0x1D980] =	vst v63  }
0xd8: {  	_ =	swait.ge [sflag:s5], $0x2800  }
0xd9: {  	[sflag:s5] =	ssyncset.done $0x0  }
0xda: {  	s24 =	sadd.s32 s23, s15;
	[sflag:s5] =	ssyncadd.s32 $0xFFFFD800  }
0xdb: {  	[tilespmem:s6], [sflag:$0x4] =	stream.linear.gather [hbm4b:s24+s3], $0x50, $0x38;
	[tilespmem:$0x1D980] =	vst v63  }
0xdc: {  	s24 =	sadd.s32 $0xFFFFFFB0, s22  }
0xdd: {  	[tilespmem:s13], [sflag:$0x1] =	stream.indirect.gather [hbm4b:s1+s7], $0x80, s24, s7, $0xb8;
	[tilespmem:$0x1D980] =	vst v63  }
0xde: {  	_ =	swait.ge [sflag:s28], $0x2800  }
0xdf: {  	[sflag:s28] =	ssyncset.done $0x0  }
0xe0: {  	[sflag:s28] =	ssyncadd.s32 $0xFFFFD800  }
0xe1: {  	_ =	swait.ge [sflag:s29], $0x50  }
0xe2: {  	[sflag:s29] =	ssyncset.done $0x0  }
0xe3: {  	[sflag:s29] =	ssyncadd.s32 $0xFFFFFFB0  }
0xe4: {  	[spmem:s2] =	stream.indirect.scatter.add.f32 [tilespmem:s4], [sflag:$0x9], $0x80, s12, s7, $0xb8;
	[tilespmem:$0x1D980] =	vst v63  }
.Ltmp1:
0xe5: {  	_ =	swait.ge [sflag:s30], $0x2800;
	(pc) =	sbr.rel @p2 .LBB2_4-.Ltmp1, $4  }
0xe6: {  	[sflag:s30] =	ssyncset.done $0x0  }
0xe7: {  	s23 =	sadd.s32 s23, s14;
	[sflag:s30] =	ssyncadd.s32 $0xFFFFD800  }
0xe8: {  	[tilespmem:s8], [sflag:$0x5] =	stream.linear.gather [hbm4b:s23+s3], $0x50, $0x38;
	[tilespmem:$0x1D980] =	vst v63  }
0xe9: {  	s22 =	sadd.s32 $0xF0, s22  }
0xea: {  	[tilespmem:s9], [sflag:$0x2] =	stream.indirect.gather [hbm4b:s1+s7], $0x80, s20, s7, $0xb8;
	[tilespmem:$0x1D980] =	vst v63  }
0xeb: {  	_ =	swait.ge [sflag:s10], $0x2800  }
0xec: {  	[sflag:s10] =	ssyncset.done $0x0  }
0xed: {  	[sflag:s10] =	ssyncadd.s32 $0xFFFFD800  }
0xee: {  	_ =	swait.ge [sflag:s11], $0x50  }
0xef: {  	[sflag:s11] =	ssyncset.done $0x0  }
0xf0: {  	[sflag:s11] =	ssyncadd.s32 $0xFFFFFFB0  }
0xf1: {  	[spmem:s2] =	stream.indirect.scatter.add.f32 [tilespmem:s13], [sflag:$0x7], $0x80, s6, s7, $0xb8;
	[tilespmem:$0x1D980] =	vst v63  }
0xf2: {  	_ =	swait.ge [sflag:s17], $0x2800  }
0xf3: {  	[sflag:s17] =	ssyncset.done $0x0  }
0xf4: {  	[sflag:s17] =	ssyncadd.s32 $0xFFFFD800  }
0xf5: {  	_ =	swait.ge [sflag:s18], $0x50  }
0xf6: {  	[sflag:s18] =	ssyncset.done $0x0  }
0xf7: {  	[sflag:s18] =	ssyncadd.s32 $0xFFFFFFB0  }
0xf8: {  	[spmem:s2] =	stream.indirect.scatter.add.f32 [tilespmem:s9], [sflag:$0x8], $0x80, s8, s7, $0xb8;
	[tilespmem:$0x1D980] =	vst v63  }
0xf9: {  	_ =	swait.ge [sflag:s30], $0x2800  }
0xfa: {  	[sflag:s30] =	ssyncset.done $0x0  }
0xfb: {  	[sflag:s30] =	ssyncadd.s32 $0xFFFFD800  }
0xfc: {  	_ =	swait.ge [sflag:s31], $0x2800  }
0xfd: {  	[sflag:s31] =	ssyncset.done $0x0  }
0xfe: {  	[sflag:s31] =	ssyncadd.s32 $0xFFFFD800  }
0xff: {  	_ =	swait.ge [sflag:s5], $0x2800  }
0x100: {  	[sflag:s5] =	ssyncset.done $0x0  }
0x101: {  	s24 =	stileid.u32;
	[sflag:s5] =	ssyncadd.s32 $0xFFFFD800  }
0x102: {  	s20 =	sshll.u32 s24, $0x6;
	[bflag:$0x0] =	sbarrier.arrive $0xFFFF  }
0x103: {  	s21 =	sshrl.u32 s25, $0x3;
	s20 =	sor.u32 $0x1C0A, s20;
	s22 =	rddreg [dreg:$0x5]  }
0x104: {  	[hbm:s22], [sflag:s20] =	dma.local [spmem:s21], $0x500  }
0x105: {  	_ =	swait.ge [sflag:s0], $0x500  }
0x106: {  	s23 =	smov.u32 s25;
	s25 =	sshrl.u32 s26, $0x3;
	[sflag:s0] =	ssyncset.done $0x0  }
0x107: {  	s24 =	smov.u32 s26;
	s26 =	rddreg [dreg:$0x6];
	[sflag:s0] =	ssyncadd.s32 $0xFFFFFB00  }
0x108: {  	[hbm:s26], [sflag:s20] =	dma.local [spmem:s25], $0x500  }
0x109: {  	_ =	swait.ge [sflag:s0], $0x500  }
0x10a: {  	[sflag:s0] =	ssyncset.done $0x0;
	s25 =	rddreg [dreg:$0xf]  }
0x10b: {  	s26 =	rddreg [dreg:$0x7];
	[sflag:s0] =	ssyncadd.s32 $0xFFFFFB00;
	s21 =	sshrl.u32 s25, $0x3  }
0x10c: {  	[hbm:s26], [sflag:s20] =	dma.local [spmem:s21], $0x500  }
0x10d: {  	_ =	swait.ge [sflag:s0], $0x500  }
0x10e: {  	[sflag:s0] =	ssyncset.done $0x0;
	s25 =	rddreg [dreg:$0x10]  }
0x10f: {  	s26 =	rddreg [dreg:$0x8];
	[sflag:s0] =	ssyncadd.s32 $0xFFFFFB00;
	s21 =	sshrl.u32 s25, $0x3  }
0x110: {  	[hbm:s26], [sflag:s20] =	dma.local [spmem:s21], $0x500  }
0x111: {  	_ =	swait.ge [sflag:s0], $0x500  }
0x112: {  	[sflag:s0] =	ssyncset.done $0x0;
	s25 =	rddreg [dreg:$0x11]  }
0x113: {  	s26 =	rddreg [dreg:$0x9];
	[sflag:s0] =	ssyncadd.s32 $0xFFFFFB00;
	s21 =	sshrl.u32 s25, $0x3  }
0x114: {  	[hbm:s26], [sflag:s20] =	dma.local [spmem:s21], $0x500  }
0x115: {  	_ =	swait.ge [sflag:s0], $0x500  }
0x116: {  	[sflag:s0] =	ssyncset.done $0x0;
	s25 =	rddreg [dreg:$0x12]  }
0x117: {  	s26 =	rddreg [dreg:$0xa];
	[sflag:s0] =	ssyncadd.s32 $0xFFFFFB00;
	s21 =	sshrl.u32 s25, $0x3  }
0x118: {  	[hbm:s26], [sflag:s20] =	dma.local [spmem:s21], $0x500  }
0x119: {  	_ =	swait.ge [sflag:s0], $0x500  }
0x11a: {  	[sflag:s0] =	ssyncset.done $0x0;
	s22 =	rddreg [dreg:$0x13]  }
0x11b: {  	s25 =	rddreg [dreg:$0xb];
	[sflag:s0] =	ssyncadd.s32 $0xFFFFFB00;
	s21 =	sshrl.u32 s22, $0x3  }
0x11c: {  	[hbm:s25], [sflag:s20] =	dma.local [spmem:s21], $0x500  }
0x11d: {  	_ =	swait.ge [sflag:s0], $0x500  }
0x11e: {  	[sflag:s0] =	ssyncset.done $0x0;
	s21 =	rddreg [dreg:$0x14]  }
0x11f: {  	s22 =	rddreg [dreg:$0xc];
	[sflag:s0] =	ssyncadd.s32 $0xFFFFFB00;
	s21 =	sshrl.u32 @!p0 s21, $0x3  }
0x120: {  	[hbm:s22], [sflag:s20] =	dma.local @!p0 [spmem:s21], $0x500  }
0x121: {  	s20 =	simm.s32 @!p0 $0xA  }
0x122: {  	_ =	swait.ge @!p0 [sflag:s20], $0x500  }
0x123: {  	s19 =	sadd.s32 $0x1, s19;
	s26 =	rddreg [dreg:$0xe]  }
0x124: {  	p2 =	sne.s32 s19, s26  }
.Ltmp2:
0x125: {  	_ = 	snop;
	(pc) =	sbr.rel @p2 .LBB2_1-.Ltmp2, $3  }
0x126: {  	_ =	sdelay $0x1  }
0x127: {  	[sflag:s20] =	ssyncset.done @!p0 $0x0  }
0x128: {  	[sflag:s20] =	ssyncadd.s32 @!p0 $0xFFFFFB00  }
0x129: {  	_ =	sfence.sel $0x180000  }
0x12a: {  	[bflag:$0x0] =	sbarrier.arrive $0xFFFF  }
0x12b: {  	_ =	strace $0x9000004D  }
0x12c: {  	s0 =	stileid.u32;
	[bflag:$0x2] =	sbarrier.arrive $0xFFFF  }
0x12d: {  	p0 =	sne.s32 s0, $0x0;
	s0 =	rddreg [dreg:$0x3]  }
0x12e: {  	s0 =	sadd.s32 @!p0 $0x100000, s0  }
0x12f: {  	[sflag:s0] =	ssyncadd.tile.s32 @!p0 $0x1;
	_ =	shalt  }
.Lfunc_end2:
_tile_overlayer_lowered:
.L_overlay_start_2:
0x130: {  	(tag) =	ssettag $0x2  }
0x131: {  	s0 =	rddreg [dreg:$0x0];
	s2 =	stileid.u32  }
0x132: {  	s1 =	rddreg [dreg:$0x1];
	p0 =	sne.s32 s2, $0x0  }
0x133: {  	s3 =	rddreg [dreg:$0x2];
	[bflag:$0x3] =	sbarrier.arrive $0xFFFF;
	s2 =	simm.s32 @!p0 $0x1C0A  }
0x134: {  	[timem:s3], [sflag:s2] =	dma.local @!p0 [hbm:s0], s1  }
0x135: {  	s0 =	simm.s32 @!p0 $0xA  }
0x136: {  	_ =	swait.ge @!p0 [sflag:s0], s1  }
0x137: {  	s1 =	ssub.s32 @!p0 $0x0, s1;
	[sflag:s0] =	ssyncset.done @!p0 $0x0  }
0x138: {  	[sflag:s0] =	ssyncadd.s32 @!p0 s1  }
0x139: {  	[bflag:$0x3] =	sbarrier.arrive $0xFFFF  }
0x13a: {  	_ =	shalt  }

// kernel: kernel.8.cloned.1.call-start
scs
__scs_entry_jumppad:
0x0: {  	(pc) =	sbr.rel $0x88, $3  }
0x1: {  	(tag) =	ssettag $0x0;
	lr =	simm.s32 $0x1  }
0x2: {  	[smem:$0x3F97] =	sst lr;
	_ =	strace $0xD0000000  }
0x3: {  	_ = 	snop  }
0x4: {  	_ = 	snop  }
0x5: {  	_ = 	snop  }
0x6: {  	_ = 	snop  }
0x7: {  	_ = 	snop  }
__scs_overlays_trampoline_lowered:
0x8: {  	[smem:$0x3FA6] =	sst s0  }
0x9: {  	[smem:$0x3FA7] =	sst s1  }
0xa: {  	[smem:$0x3FA8] =	sst s2  }
0xb: {  	[smem:$0x3FA9] =	sst s3  }
0xc: {  	[smem:$0x3FAA] =	sst s4  }
0xd: {  	[smem:$0x3FAB] =	sst s5  }
0xe: {  	[smem:$0x3FAC] =	sst s6  }
0xf: {  	[smem:$0x3FAD] =	sst s7  }
0x10: {  	[smem:$0x3FAE] =	sst s8  }
0x11: {  	[smem:$0x3FAF] =	sst s9;
	s0 =	simm.s32 @!p0 $0x0  }
0x12: {  	s1 =	sld [smem:$0x3F95];
	s0 =	simm.s32 @p0 $0x1  }
0x13: {  	[smem:$0x3FB0] =	sst s0;
	s0 =	simm.s32 @!p1 $0x0  }
0x14: {  	s2 =	sld [smem:$0x3F94];
	s0 =	simm.s32 @p1 $0x1  }
0x15: {  	[smem:$0x3FB1] =	sst s0;
	s0 =	simm.s32 @!p2 $0x0  }
0x16: {  	s3 =	sld [smem:$0x3FDB];
	s0 =	simm.s32 @p2 $0x1  }
0x17: {  	s4 =	simm.s32 $0x1BF5;
	[smem:$0x3FB3] =	sst s0  }
0x18: {  	s0 =	sld [smem:$0x3F96];
	_ =	swait.ge [sflag:s4], $0x0  }
0x19: {  	s7 =	sld [smem:$0x3F97]  }
0x1a: {  	s8 =	sadd.s32 $0xFFFFE003, lr  }
0x1b: {  	s9 =	sadd.s32 $0xFFFFFEF7, lr;
	s5 =	simm.s32 $0xFFFFFFFF;
	p2 =	slt.u32 s8, $0xFFFFF086  }
0x1c: {  	p1 =	slt.u32 s9, $0xF7A;
	s5 =	simm.s32 @!p2 $0x0  }
0x1d: {  	s5 =	simm.s32 @p1 $0x1;
	p0 =	seq.s32 s7, s2  }
0x1e: {  	s7 =	smul.u32 @!p0 $0xF7A, s2;
	p2 =	seq.s32 @!p0 s5, $0x0  }
0x1f: {  	s9 =	smul.u32 $0xF7A, s1;
	s8 =	simm.s32 @!p0 $0x1BF5;
	p2 =	por !p2, p0  }
0x20: {  	[sflag:s8] =	ssyncset.s32 @!p0 $0xFFFFF086;
	s6 =	sadd.s32 @!p0 s3, s7;
	s7 =	simm.s32 @!p0 $0x108  }
0x21: {  	s3 =	sadd.s32 s3, s9;
	s6 =	sadd.s32 @!p0 $0x88, s6;
	s7 =	simm.s32 @p2 $0x1082  }
0x22: {  	[simem:s7], [sflag:s8] =	dma.local @!p0 [hbm:s6], $0xF7A  }
0x23: {  	s9 =	sor.u32 $0xD0000000, s2;
	s6 =	simm.s32 $0x108;
	_ =	swait.ge @!p0 [sflag:s8], $0x0  }
0x24: {  	s3 =	sadd.s32 $0x88, s3;
	s6 =	simm.s32 @!p1 $0x1082;
	[sflag:s4] =	ssyncset.s32 $0xFFFFF086  }
0x25: {  	[simem:s6], [sflag:s4] =	dma.local [hbm:s3], $0xF7A  }
0x26: {  	[smem:$0x3F97] =	sst s1;
	(tag) =	ssettag s2;
	_ =	strace s9  }
0x27: {  	s1 =	sld [smem:$0x3FA7]  }
0x28: {  	s2 =	sld [smem:$0x3FA8]  }
0x29: {  	s4 =	sld [smem:$0x3FAA]  }
0x2a: {  	p0 =	seq.s32 s5, $0x0;
	s5 =	sld [smem:$0x3FAB]  }
0x2b: {  	s6 =	sld [smem:$0x3FAC]  }
0x2c: {  	s7 =	sld [smem:$0x3FAD]  }
0x2d: {  	s3 =	simm.s32 $0x108;
	s8 =	sld [smem:$0x3FAE]  }
0x2e: {  	s3 =	simm.s32 @!p0 $0x1082;
	s9 =	sld [smem:$0x3FAF]  }
0x2f: {  	lr =	sadd.s32 s0, s3;
	s0 =	sld [smem:$0x3FA6]  }
0x30: {  	s3 =	sld [smem:$0x3FA9]  }
0x31: {  	[smem:$0x3FB2] =	sst s10  }
0x32: {  	s10 =	sld [smem:$0x3FB0];
	_ =	sdelay $0x3  }
0x33: {  	p0 =	seq.s32 s10, $0x1;
	s10 =	sld [smem:$0x3FB2];
	_ =	sdelay $0x3  }
0x34: {  	[smem:$0x3FB2] =	sst s10  }
0x35: {  	s10 =	sld [smem:$0x3FB1];
	_ =	sdelay $0x3  }
0x36: {  	p1 =	seq.s32 s10, $0x1;
	s10 =	sld [smem:$0x3FB2];
	_ =	sdelay $0x3  }
0x37: {  	[smem:$0x3FB2] =	sst s10  }
0x38: {  	s10 =	sld [smem:$0x3FB3]  }
0x39: {  	_ = 	snop;
	(pc) =	sbr.ind lr, $3  }
0x3a: {  	_ = 	snop  }
0x3b: {  	_ = 	snop  }
0x3c: {  	p2 =	seq.s32 s10, $0x1;
	s10 =	sld [smem:$0x3FB2]  }
0x3d: {  	_ =	shalt  }
0x3e: {  	_ =	shalt  }
0x3f: {  	_ =	shalt  }
0x40: {  	_ =	shalt  }
0x41: {  	_ =	shalt  }
0x42: {  	_ =	shalt  }
0x43: {  	_ =	shalt  }
0x44: {  	_ =	shalt  }
0x45: {  	_ =	shalt  }
0x46: {  	_ =	shalt  }
0x47: {  	_ =	shalt  }
0x48: {  	_ =	shalt  }
0x49: {  	_ =	shalt  }
0x4a: {  	_ =	shalt  }
0x4b: {  	_ =	shalt  }
0x4c: {  	_ =	shalt  }
0x4d: {  	_ =	shalt  }
0x4e: {  	_ =	shalt  }
0x4f: {  	_ =	shalt  }
0x50: {  	_ =	shalt  }
0x51: {  	_ =	shalt  }
0x52: {  	_ =	shalt  }
0x53: {  	_ =	shalt  }
0x54: {  	_ =	shalt  }
0x55: {  	_ =	shalt  }
0x56: {  	_ =	shalt  }
0x57: {  	_ =	shalt  }
0x58: {  	_ =	shalt  }
0x59: {  	_ =	shalt  }
0x5a: {  	_ =	shalt  }
0x5b: {  	_ =	shalt  }
0x5c: {  	_ =	shalt  }
0x5d: {  	_ =	shalt  }
0x5e: {  	_ =	shalt  }
0x5f: {  	_ =	shalt  }
0x60: {  	_ =	shalt  }
0x61: {  	_ =	shalt  }
0x62: {  	_ =	shalt  }
0x63: {  	_ =	shalt  }
0x64: {  	_ =	shalt  }
0x65: {  	_ =	shalt  }
0x66: {  	_ =	shalt  }
0x67: {  	_ =	shalt  }
0x68: {  	_ =	shalt  }
0x69: {  	_ =	shalt  }
0x6a: {  	_ =	shalt  }
0x6b: {  	_ =	shalt  }
0x6c: {  	_ =	shalt  }
0x6d: {  	_ =	shalt  }
0x6e: {  	_ =	shalt  }
0x6f: {  	_ =	shalt  }
0x70: {  	_ =	shalt  }
0x71: {  	_ =	shalt  }
0x72: {  	_ =	shalt  }
0x73: {  	_ =	shalt  }
0x74: {  	_ =	shalt  }
0x75: {  	_ =	shalt  }
0x76: {  	_ =	shalt  }
0x77: {  	_ =	shalt  }
0x78: {  	_ =	shalt  }
0x79: {  	_ =	shalt  }
0x7a: {  	_ =	shalt  }
0x7b: {  	_ =	shalt  }
0x7c: {  	_ =	shalt  }
0x7d: {  	_ =	shalt  }
0x7e: {  	_ =	shalt  }
0x7f: {  	_ =	shalt  }
0x80: {  	_ =	shalt  }
0x81: {  	_ =	shalt  }
0x82: {  	_ =	shalt  }
0x83: {  	_ =	shalt  }
0x84: {  	_ =	shalt  }
0x85: {  	_ =	shalt  }
0x86: {  	_ =	shalt  }
0x87: {  	_ =	shalt  }
.Lfunc_end0:
.L_simem_size_0:
called_computation_lowered:
.L_overlay_start_0:
0x88: {  	s2 =	sld [smem:$0x3FD9]  }
0x89: {  	s3 =	sld [smem:$0x3FFE];
	_ =	sdelay $0x1  }
0x8a: {  	s1 =	srdreg.scid  }
0x8b: {  	s0 =	sand.u32 $0x1, s1  }
0x8c: {  	s17 =	sshll.u32 s0, $0xA;
	s2 =	sadd.s32 s3, s2  }
0x8d: {  	s2 =	sadd.s32 s2, s17  }
0x8e: {  	[smem:$0x3FBE] =	sst s2  }
0x8f: {  	_ = 	snop  }
0x90: {  	s2 =	sld [smem:$0x3FD0];
	(tm) =	ssettm $0x1  }
0x91: {  	s18 =	sld [smem:$0x3FFB];
	_ =	sdelay $0x3  }
0x92: {  	_ =	strace s18  }
0x93: {  	s3 =	sld [smem:$0x3FFC];
	_ =	sdelay $0x3  }
0x94: {  	_ =	strace s3  }
0x95: {  	s3 =	sld [smem:$0x3FFD];
	_ =	sdelay $0x3  }
0x96: {  	_ =	strace s3  }
0x97: {  	_ =	strace $0x8FFFFFFF  }
0x98: {  	s19 =	sld [smem:$0x3FDB];
	_ =	sdelay $0x1  }
0x99: {  	s4 =	simm.s32 $_scs_section_size  }
0x9a: {  	s5 =	simm.s32 $_size__tile_overlayer_lowered;
	s6 =	simm.s32 $_tile_overlayer_lowered  }
0x9b: {  	s22 =	simm.s32 $0x1BFF;
	s21 =	sshll.u32 s6, $0x1;
	s3 =	sadd.s32 s4, s19  }
0x9c: {  	s7 =	simm.s32 $0x0;
	s20 =	sshll.u32 s5, $0x1;
	s5 =	sadd.s32 s21, s3  }
0x9d: {  	[timem:s7], [sflag:s22] =	dma.local [hbm:s5], s20  }
0x9e: {  	_ =	swait.ge [sflag:s22], s20  }
0x9f: {  	s4 =	ssub.s32 $0x0, s20;
	[sflag:s22] =	ssyncset.done $0x0  }
0xa0: {  	[sflag:s22] =	ssyncadd.s32 s4;
	_ =	sdelay $0x1  }
0xa1: {  	s23 =	simm.s32 $0x1B8B  }
0xa2: {  	_ =	swait.ge [sflag:s23], $0x1  }
0xa3: {  	[sflag:s23] =	ssyncset.done $0x0  }
0xa4: {  	s25 =	simm.s32 $0x1B8E;
	s24 =	sld [smem:$0x3FFE];
	[sflag:s23] =	ssyncadd.s32 $0xFFFFFFFF  }
0xa5: {  	s26 =	simm.s32 $execute0_lowered;
	[smem:$0x3FD2] =	sst s25  }
0xa6: {  	s5 =	sshll.u32 s26, $0x1;
	_ =	strace $0x80000046;
	[dreg:$0x1] =	wrdreg $0xFFFFFFFF  }
0xa7: {  	s28 =	simm.s32 $_size_execute0_lowered;
	s3 =	sadd.s32 s3, s5;
	[dreg:$0x0] =	wrdreg $0x0  }
0xa8: {  	s5 =	sshll.u32 s28, $0x1;
	[dreg:$0x2] =	wrdreg s3  }
0xa9: {  	[dreg:$0x3] =	wrdreg s5  }
0xaa: {  	[dreg:$0x4] =	wrdreg $0xC0  }
0xab: {  	_ =	task [dreg:s7], $0x5FFFF  }
0xac: {  	[dreg:$0x1] =	wrdreg $0xFFFFFFFF  }
0xad: {  	[dreg:$0x0] =	wrdreg $0x60  }
0xae: {  	[dreg:$0x2] =	wrdreg s24  }
0xaf: {  	[dreg:$0x3] =	wrdreg s2  }
0xb0: {  	[dreg:$0x4] =	wrdreg $0x39300  }
0xb1: {  	[dreg:$0x5] =	wrdreg $0x9  }
0xb2: {  	_ =	task.clear_ibuf [dreg:s7], $0x6FFFF;
	_ =	strace $0x90000046  }
0xb3: {  	s29 =	simm.s32 $0x9;
	_ =	strace $0x80000048  }
0xb4: {  	_ =	swait.ge [sflag:s29], $0x1  }
0xb5: {  	[sflag:s29] =	ssyncadd.s32 $0xFFFFFFFF  }
0xb6: {  	_ =	strace $0x90000048  }
0xb7: {  	_ =	sfence  }
0xb8: {  	s30 =	sld [smem:$0x0];
	_ =	sdelay $0x2  }
0xb9: {  	s31 =	sshll.u32 s1, $0xD;
	s1 =	sshrl.u32 s1, $0x2  }
0xba: {  	s3 =	sand.u32 $0x4000, s31;
	s1 =	sadd.s32 s1, s30  }
0xbb: {  	s0 =	sor.u32 s3, s0;
	s1 =	sshll.u32 s1, $0x11  }
0xbc: {  	s0 =	sor.u32 s1, s0  }
0xbd: {  	s0 =	sadd.s32 $0x8F2B, s0  }
0xbe: {  	[sflag:s0] =	ssyncadd.remote.s32 $0x1  }
0xbf: {  	_ =	sfence.sel $0xFFFF  }
0xc0: {  	[dreg:$0x0] =	wrdreg $0xFFFFFFFF;
	(pc) =	sbr.abs _section_cstart, $3  }
0xc1: {  	[dreg:$0x1] =	wrdreg $0xFFFFFFFF  }
0xc2: {  	_ =	task.clear_ibuf [dreg:s7], $0x2FFFF;
	_ =	strace $0x9FFFFFFF  }
0xc3: {  	(tm) =	ssettm $0x7FFFFFFF  }
tec
execute0_lowered:
.L_overlay_start_1:
0x0: {  	(tag) =	ssettag $0x1  }
0x1: {  	s1 =	stileid.u32  }
0x2: {  	s0 =	srdreg.scid;
	s23 =	smul.u32 $0x3200, s1  }
0x3: {  	s5 =	sand.u32 $0x1, s0;
	s15 =	smul.u32 $0xC80, s1  }
0x4: {  	s4 =	rddreg [dreg:$0x0];
	s8 =	sor.u32 $0x10, s1;
	s12 =	smul.u32 $0x27100, s5  }
0x5: {  	s13 =	rddreg [dreg:$0x1];
	s10 =	sor.u32 $0x20, s1;
	s24 =	smul.u32 $0x3200, s8  }
0x6: {  	s2 =	rddreg [dreg:$0x2];
	s14 =	sor.u32 $0x30, s1;
	s9 =	smul.u32 $0x3200, s10  }
0x7: {  	s3 =	simm.s32 $0x0;
	s19 =	simm.s32 $0x2760;
	s11 =	smul.u32 $0x3200, s14  }
0x8: {  	s20 =	simm.s32 $0x1;
	s0 =	rddreg [dreg:$0x3];
	s16 =	smul.u32 $0xC80, s8  }
0x9: {  	[smem:$0x7FF] =	sst s3;
	s6 =	sshll.u32 s5, $0x4;
	s18 =	smul.u32 $0xC80, s10  }
0xa: {  	_ =	strace $0x80000047;
	s7 =	ssub.s32 $0x2, s5;
	s28 =	smul.u32 $0xC80, s14  }
0xb: {  	p0 =	sgt.u32 s14, $0x31;
	s6 =	sor.u32 s1, s6;
	s21 =	sshrl.u32 s7, $0x1  }
0xc: {  	s14 =	simm.s32 $0x2CB0;
	s6 =	smul.u32 $0x4E2, s6;
	s22 =	ssub.s32 s7, s21  }
0xd: {  	s7 =	sshrl.u32 s24, $0x2;
	s9 =	sshrl.u32 s9, $0x2;
	s11 =	sshrl.u32 s11, $0x2  }
0xe: {  	s25 =	sadd.s32 s12, s15;
	s17 =	sadd.s32 s12, s16;
	s29 =	sadd.s32 s12, s18  }
0xf: {  	s30 =	sadd.s32 s12, s28;
	s24 =	sadd.s32 s18, s2;
	s18 =	simm.s32 $0x27B0  }
0x10: {  	s21 =	simm.s32 $0x2;
	s5 =	smax.u32 s22, $0x1;
	s7 =	sadd.s32 s7, s2  }
0x11: {  	s8 =	sadd.s32 s9, s2;
	s9 =	sadd.s32 s11, s2;
	s11 =	sshrl.u32 s25, $0x3  }
0x12: {  	s26 =	sshrl.u32 s17, $0x3;
	s22 =	sadd.s32 s15, s2;
	s15 =	sshrl.u32 s29, $0x3  }
0x13: {  	s31 =	sshrl.u32 s30, $0x3;
	s25 =	sadd.s32 s28, s2;
	s17 =	simm.s32 $0x2710  }
0x14: {  	s24 =	sshrl.u32 s24, $0x3;
	s4 =	sadd.s32 s6, s4;
	s6 =	sshrl.u32 s23, $0x2  }
0x15: {  	s10 =	sadd.s32 s13, s11;
	s11 =	sadd.s32 s13, s26;
	s23 =	sadd.s32 s16, s2  }
0x16: {  	s12 =	sadd.s32 s13, s15;
	s13 =	sadd.s32 s13, s31;
	s15 =	simm.s32 $0x3  }
0x17: {  	s16 =	simm.s32 $0x50;
	s22 =	sshrl.u32 s22, $0x3;
	s25 =	sshrl.u32 @!p0 s25, $0x3  }
0x18: {  	v0 =	vimm.f32 $1.000000000e+00;
	v1 =	vimm.f32 $0.0e+00;
	s4 =	sadd.s32 $0xC400, s4;
	s6 =	sadd.s32 s6, s2;
	s23 =	sshrl.u32 s23, $0x3  }
.LBB2_1:
0x19: {  	s26 =	simm.s32 $0x0  }
.LBB2_2:
0x1a: {  	p1 =	sne.s32 s26, $0x13C0  }
.Ltmp0:
0x1b: {  	_ = 	snop;
	(pc) =	sbr.rel @p1 .LBB2_2-.Ltmp0, $3  }
0x1c: {  	_ =	sdelay $0x1  }
0x1d: {  	s28 =	sshra.s32 s26, $0x2  }
0x1e: {  	s26 =	sadd.s32 $0x40, s26;
	[tilespmem:s28+$0x27B0] =	vst v0  }
0x1f: {  	s26 =	simm.s32 $0x40;
	s28 =	simm.s32 $0x0  }
.LBB2_4:
0x20: {  	p1 =	sne.s32 s26, $0x31C0;
	[tilespmem:s28+$0x2CB0] =	vst v1;
	s28 =	smov.u32 s26;
	s26 =	sadd.s32 $0x40, s26  }
.Ltmp1:
0x21: {  	(pc) =	sbr.rel @p1 .LBB2_4-.Ltmp1, $2  }
0x22: {  	_ =	sdelay $0x2  }
0x23: {  	s28 =	sshra.s32 s28, $0x2  }
0x24: {  	[tilespmem:s28+$0x2CB0] =	vst v1  }
0x25: {  	[spmem:s6] =	stream.linear.scatter [tilespmem:s14], [sflag:$0x3], $0xC80, $0x38;
	[tilespmem:$0x6040] =	vst v63  }
0x26: {  	_ =	swait.ge [sflag:s15], $0xC80  }
0x27: {  	[sflag:s15] =	ssyncset.done $0x0  }
0x28: {  	[sflag:s15] =	ssyncadd.s32 $0xFFFFF380  }
0x29: {  	[spmem:s7] =	stream.linear.scatter [tilespmem:s14], [sflag:$0x3], $0xC80, $0x38;
	[tilespmem:$0x6040] =	vst v63  }
0x2a: {  	_ =	swait.ge [sflag:s15], $0xC80  }
0x2b: {  	[sflag:s15] =	ssyncset.done $0x0  }
0x2c: {  	[sflag:s15] =	ssyncadd.s32 $0xFFFFF380  }
0x2d: {  	[spmem:s8] =	stream.linear.scatter [tilespmem:s14], [sflag:$0x3], $0xC80, $0x38;
	[tilespmem:$0x6040] =	vst v63  }
0x2e: {  	_ =	swait.ge [sflag:s15], $0xC80  }
0x2f: {  	[sflag:s15] =	ssyncset.done $0x0  }
0x30: {  	s26 =	simm.s32 @!p0 $0x2CB0;
	[sflag:s15] =	ssyncadd.s32 $0xFFFFF380  }
0x31: {  	[spmem:s9] =	stream.linear.scatter @!p0 [tilespmem:s26], [sflag:$0x3], $0xC80, $0x38;
	[tilespmem:$0x6040] =	vst v63  }
0x32: {  	s26 =	simm.s32 @!p0 $0x3  }
0x33: {  	_ =	swait.ge @!p0 [sflag:s26], $0xC80  }
0x34: {  	[sflag:s26] =	ssyncset.done @!p0 $0x0  }
0x35: {  	s29 =	simm.s32 $0x0;
	[sflag:s26] =	ssyncadd.s32 @!p0 $0xFFFFF380  }
0x36: {  	[tilespmem:s29], [sflag:$0x3] =	stream.linear.gather [hbm4b:s4+s29], $0x2710, $0x38;
	[tilespmem:$0x6040] =	vst v63  }
0x37: {  	_ =	swait.ge [sflag:s15], $0x2710  }
0x38: {  	[sflag:s15] =	ssyncset.done $0x0  }
0x39: {  	[sflag:s15] =	ssyncadd.s32 $0xFFFFD8F0  }
0x3a: {  	[bflag:$0x0] =	sbarrier.arrive $0xFFFF  }
0x3b: {  	v2 =	vld [tilespmem:$0x0]  }
0x3c: {  	v3 =	vld [tilespmem:$0x10]  }
0x3d: {  	v4 =	vld [tilespmem:$0x20]  }
0x3e: {  	v5 =	vld [tilespmem:$0x30]  }
0x3f: {  	v6 =	vld [tilespmem:$0x40]  }
0x40: {  	[tilespmem:$0x2710] =	vst v2  }
0x41: {  	[tilespmem:$0x2720] =	vst v3  }
0x42: {  	[tilespmem:$0x2730] =	vst v4  }
0x43: {  	[tilespmem:$0x2740] =	vst v5  }
0x44: {  	s31 =	simm.s32 $0x0;
	[tilespmem:$0x2750] =	vst v6  }
0x45: {  	[spmem:s2] =	stream.indirect.scatter.add.f32 [tilespmem:s18], [sflag:$0x1], $0x10, s17, s16, $0xb8;
	[tilespmem:$0x6040] =	vst v63  }
0x46: {  	v2 =	vld [tilespmem:s31+$0x50];
	_ =	sdelay $0x4  }
0x47: {  	[tilespmem:$0x2760] =	vst v2  }
0x48: {  	v2 =	vld [tilespmem:s31+$0x60];
	_ =	sdelay $0x4  }
0x49: {  	[tilespmem:$0x2770] =	vst v2  }
0x4a: {  	v2 =	vld [tilespmem:s31+$0x70];
	_ =	sdelay $0x4  }
0x4b: {  	[tilespmem:$0x2780] =	vst v2  }
0x4c: {  	v2 =	vld [tilespmem:s31+$0x80];
	_ =	sdelay $0x4  }
0x4d: {  	[tilespmem:$0x2790] =	vst v2  }
0x4e: {  	v2 =	vld [tilespmem:s31+$0x90];
	_ =	sdelay $0x4  }
0x4f: {  	[tilespmem:$0x27A0] =	vst v2  }
0x50: {  	[spmem:s2] =	stream.indirect.scatter.add.f32 [tilespmem:s18], [sflag:$0x2], $0x10, s19, s16, $0xb8;
	[tilespmem:$0x6040] =	vst v63  }
0x51: {  	_ =	swait.ge [sflag:s20], $0x500  }
0x52: {  	[sflag:s20] =	ssyncset.done $0x0  }
0x53: {  	[sflag:s20] =	ssyncadd.s32 $0xFFFFFB00  }
0x54: {  	v2 =	vld [tilespmem:s31+$0xA0];
	_ =	sdelay $0x4  }
0x55: {  	[tilespmem:$0x2710] =	vst v2  }
0x56: {  	v2 =	vld [tilespmem:s31+$0xB0];
	_ =	sdelay $0x4  }
0x57: {  	[tilespmem:$0x2720] =	vst v2  }
0x58: {  	v2 =	vld [tilespmem:s31+$0xC0];
	_ =	sdelay $0x4  }
0x59: {  	[tilespmem:$0x2730] =	vst v2  }
0x5a: {  	v2 =	vld [tilespmem:s31+$0xD0];
	_ =	sdelay $0x4  }
0x5b: {  	[tilespmem:$0x2740] =	vst v2  }
0x5c: {  	v2 =	vld [tilespmem:s31+$0xE0];
	_ =	sdelay $0x4  }
0x5d: {  	[tilespmem:$0x2750] =	vst v2  }
0x5e: {  	[spmem:s2] =	stream.indirect.scatter.add.f32 [tilespmem:s18], [sflag:$0x1], $0x10, s17, s16, $0xb8;
	[tilespmem:$0x6040] =	vst v63  }
0x5f: {  	_ =	swait.ge [sflag:s21], $0x500  }
0x60: {  	s30 =	simm.s32 $0x500;
	s26 =	simm.s32 $0x280;
	[sflag:s21] =	ssyncset.done $0x0  }
.LBB2_6:
0x61: {  	s29 =	sshra.s32 s26, $0x2  }
0x62: {  	[sflag:s21] =	ssyncadd.s32 $0xFFFFFB00;
	s26 =	smov.u32 s30;
	s28 =	sadd.s32 $0x280, s30  }
0x63: {  	p1 =	sne.s32 s30, $0x9880;
	v2 =	vld [tilespmem:s29+$0x50];
	_ =	sdelay $0x4  }
0x64: {  	[tilespmem:$0x2760] =	vst v2  }
0x65: {  	v2 =	vld [tilespmem:s29+$0x60];
	_ =	sdelay $0x4  }
0x66: {  	[tilespmem:$0x2770] =	vst v2  }
0x67: {  	v2 =	vld [tilespmem:s29+$0x70];
	_ =	sdelay $0x4  }
0x68: {  	[tilespmem:$0x2780] =	vst v2  }
0x69: {  	v2 =	vld [tilespmem:s29+$0x80];
	_ =	sdelay $0x4  }
0x6a: {  	[tilespmem:$0x2790] =	vst v2  }
0x6b: {  	v2 =	vld [tilespmem:s29+$0x90];
	_ =	sdelay $0x4  }
0x6c: {  	[tilespmem:$0x27A0] =	vst v2  }
0x6d: {  	[spmem:s2] =	stream.indirect.scatter.add.f32 [tilespmem:s18], [sflag:$0x2], $0x10, s19, s16, $0xb8;
	[tilespmem:$0x6040] =	vst v63  }
0x6e: {  	_ =	swait.ge [sflag:s20], $0x500  }
0x6f: {  	[sflag:s20] =	ssyncset.done $0x0  }
0x70: {  	[sflag:s20] =	ssyncadd.s32 $0xFFFFFB00  }
0x71: {  	v2 =	vld [tilespmem:s29+$0xA0];
	_ =	sdelay $0x4  }
0x72: {  	[tilespmem:$0x2710] =	vst v2  }
0x73: {  	v2 =	vld [tilespmem:s29+$0xB0];
	_ =	sdelay $0x4  }
0x74: {  	[tilespmem:$0x2720] =	vst v2  }
0x75: {  	v2 =	vld [tilespmem:s29+$0xC0];
	_ =	sdelay $0x4  }
0x76: {  	[tilespmem:$0x2730] =	vst v2  }
0x77: {  	v2 =	vld [tilespmem:s29+$0xD0];
	_ =	sdelay $0x4  }
0x78: {  	[tilespmem:$0x2740] =	vst v2  }
0x79: {  	v2 =	vld [tilespmem:s29+$0xE0];
	_ =	sdelay $0x3  }
.Ltmp2:
0x7a: {  	(pc) =	sbr.rel @p1 .LBB2_6-.Ltmp2, $4  }
0x7b: {  	[tilespmem:$0x2750] =	vst v2  }
0x7c: {  	[spmem:s2] =	stream.indirect.scatter.add.f32 [tilespmem:s18], [sflag:$0x1], $0x10, s17, s16, $0xb8;
	[tilespmem:$0x6040] =	vst v63  }
0x7d: {  	_ =	swait.ge [sflag:s21], $0x500  }
0x7e: {  	s30 =	smov.u32 s28;
	[sflag:s21] =	ssyncset.done $0x0  }
0x7f: {  	s26 =	sshra.s32 s26, $0x2;
	[sflag:s21] =	ssyncadd.s32 $0xFFFFFB00  }
0x80: {  	v2 =	vld [tilespmem:s26+$0x50];
	_ =	sdelay $0x4  }
0x81: {  	[tilespmem:$0x2760] =	vst v2  }
0x82: {  	v2 =	vld [tilespmem:s26+$0x60];
	_ =	sdelay $0x4  }
0x83: {  	[tilespmem:$0x2770] =	vst v2  }
0x84: {  	v2 =	vld [tilespmem:s26+$0x70];
	_ =	sdelay $0x4  }
0x85: {  	[tilespmem:$0x2780] =	vst v2  }
0x86: {  	v2 =	vld [tilespmem:s26+$0x80];
	_ =	sdelay $0x4  }
0x87: {  	[tilespmem:$0x2790] =	vst v2  }
0x88: {  	v2 =	vld [tilespmem:s26+$0x90];
	_ =	sdelay $0x4  }
0x89: {  	[tilespmem:$0x27A0] =	vst v2  }
0x8a: {  	[spmem:s2] =	stream.indirect.scatter.add.f32 [tilespmem:s18], [sflag:$0x2], $0x10, s19, s16, $0xb8;
	[tilespmem:$0x6040] =	vst v63  }
0x8b: {  	_ =	swait.ge [sflag:s20], $0x500  }
0x8c: {  	[sflag:s20] =	ssyncset.done $0x0  }
0x8d: {  	[sflag:s20] =	ssyncadd.s32 $0xFFFFFB00  }
0x8e: {  	v2 =	vld [tilespmem:s26+$0xA0];
	_ =	sdelay $0x4  }
0x8f: {  	[tilespmem:$0x2710] =	vst v2  }
0x90: {  	v2 =	vld [tilespmem:s26+$0xB0];
	_ =	sdelay $0x4  }
0x91: {  	[tilespmem:$0x2720] =	vst v2  }
0x92: {  	v2 =	vld [tilespmem:s26+$0xC0];
	_ =	sdelay $0x4  }
0x93: {  	[tilespmem:$0x2730] =	vst v2  }
0x94: {  	v2 =	vld [tilespmem:s26+$0xD0];
	_ =	sdelay $0x4  }
0x95: {  	[tilespmem:$0x2740] =	vst v2  }
0x96: {  	v2 =	vld [tilespmem:s26+$0xE0];
	_ =	sdelay $0x4  }
0x97: {  	[tilespmem:$0x2750] =	vst v2  }
0x98: {  	[spmem:s2] =	stream.indirect.scatter.add.f32 [tilespmem:s18], [sflag:$0x1], $0x10, s17, s16, $0xb8;
	[tilespmem:$0x6040] =	vst v63  }
0x99: {  	_ =	swait.ge [sflag:s21], $0x500  }
0x9a: {  	[sflag:s21] =	ssyncset.done $0x0  }
0x9b: {  	[sflag:s21] =	ssyncadd.s32 $0xFFFFFB00  }
0x9c: {  	_ =	swait.ge [sflag:s20], $0x500  }
0x9d: {  	[sflag:s20] =	ssyncset.done $0x0  }
0x9e: {  	s31 =	sshll.u32 s1, $0x6;
	[sflag:s20] =	ssyncadd.s32 $0xFFFFFB00  }
0x9f: {  	s26 =	sor.u32 $0x1C03, s31;
	[bflag:$0x0] =	sbarrier.arrive $0xFFFF  }
0xa0: {  	[hbm:s10], [sflag:s26] =	dma.local [spmem:s22], $0x190  }
0xa1: {  	_ =	swait.ge [sflag:s15], $0x190  }
0xa2: {  	[sflag:s15] =	ssyncset.done $0x0  }
0xa3: {  	[sflag:s15] =	ssyncadd.s32 $0xFFFFFE70  }
0xa4: {  	[hbm:s11], [sflag:s26] =	dma.local [spmem:s23], $0x190  }
0xa5: {  	_ =	swait.ge [sflag:s15], $0x190  }
0xa6: {  	[sflag:s15] =	ssyncset.done $0x0  }
0xa7: {  	[sflag:s15] =	ssyncadd.s32 $0xFFFFFE70  }
0xa8: {  	[hbm:s12], [sflag:s26] =	dma.local [spmem:s24], $0x190  }
0xa9: {  	_ =	swait.ge [sflag:s15], $0x190  }
0xaa: {  	s3 =	sadd.s32 $0x1, s3;
	[sflag:s15] =	ssyncset.done $0x0  }
0xab: {  	p1 =	sne.s32 s3, s5;
	[sflag:s15] =	ssyncadd.s32 $0xFFFFFE70  }
0xac: {  	[hbm:s13], [sflag:s26] =	dma.local @!p0 [spmem:s25], $0x190  }
.Ltmp3:
0xad: {  	_ = 	snop;
	(pc) =	sbr.rel @p1 .LBB2_1-.Ltmp3, $4  }
0xae: {  	s26 =	simm.s32 @!p0 $0x3  }
0xaf: {  	_ =	swait.ge @!p0 [sflag:s26], $0x190  }
0xb0: {  	[sflag:s26] =	ssyncset.done @!p0 $0x0  }
0xb1: {  	[sflag:s26] =	ssyncadd.s32 @!p0 $0xFFFFFE70  }
0xb2: {  	_ =	sfence.sel $0x180000  }
0xb3: {  	[bflag:$0x0] =	sbarrier.arrive $0xFFFF  }
0xb4: {  	p0 =	sne.s32 s1, $0x0;
	_ =	strace $0x90000047  }
0xb5: {  	s0 =	sadd.s32 @!p0 $0x100000, s0;
	[bflag:$0x2] =	sbarrier.arrive $0xFFFF  }
0xb6: {  	[sflag:s0] =	ssyncadd.tile.s32 @!p0 $0x1;
	_ =	shalt  }
.Lfunc_end2:
_tile_overlayer_lowered:
.L_overlay_start_2:
0xb7: {  	(tag) =	ssettag $0x2  }
0xb8: {  	s0 =	rddreg [dreg:$0x0];
	s2 =	stileid.u32  }
0xb9: {  	s1 =	rddreg [dreg:$0x1];
	p0 =	sne.s32 s2, $0x0  }
0xba: {  	s3 =	rddreg [dreg:$0x2];
	[bflag:$0x3] =	sbarrier.arrive $0xFFFF;
	s2 =	simm.s32 @!p0 $0x1C03  }
0xbb: {  	[timem:s3], [sflag:s2] =	dma.local @!p0 [hbm:s0], s1  }
0xbc: {  	s0 =	simm.s32 @!p0 $0x3  }
0xbd: {  	_ =	swait.ge @!p0 [sflag:s0], s1  }
0xbe: {  	s1 =	ssub.s32 @!p0 $0x0, s1;
	[sflag:s0] =	ssyncset.done @!p0 $0x0  }
0xbf: {  	[sflag:s0] =	ssyncadd.s32 @!p0 s1  }
0xc0: {  	[bflag:$0x3] =	sbarrier.arrive $0xFFFF  }
0xc1: {  	_ =	shalt  }

</sc_bundles>
